<compile_context>
chip_gen: v7x
topology: tpu7x:2x2x1
jax: 0.10.2.dev20260603
libtpu: 0.0.44.dev20260713+nightly
codegen_flags: <defaults>
</compile_context>

<pallas_src>
import functools

import jax
import jax.numpy as jnp
from jax import lax
from jax.experimental import pallas as pl
from jax.experimental.pallas import tpu as pltpu
from jax.experimental.pallas import tpu_sc as plsc

N = 10000
E = 320000
F = 128
AVG_D_LOG = 3.4657359027997265
EPS = 1e-5

NPAD = 10240
NW = 32
NB = NPAD // NW
G = 64

CEA = 6400
NCHA = E // CEA
CPW = 4
NBA = CEA // G
NEXP = NPAD // 16

CEB = 16000
NCHB = E // CEB
NGB = CEB // 16
SEL = 1152

_F32MAX = 3.4028235e38

_MESH = plsc.VectorSubcoreMesh(core_axis_name="c", subcore_axis_name="s")
_CPARAMS = pltpu.CompilerParams(needs_layout_passes=False)


def _sumsq_body(hn_hbm, dst_hbm, src_hbm,
                sum_out, sq_out, deg_out,
                dst_v, src_v, rows_v, idx_stage, ones_v, zdeg_v,
                shared_acc, shared_deg, sem):
    c = lax.axis_index("c")
    s = lax.axis_index("s")

    zero16f = jnp.zeros((16,), jnp.float32)

    def _zero_rows(r, carry):
        for k in range(8):
            rows_v[r, pl.ds(k * 16, 16)] = zero16f
        return carry
    lax.fori_loop(0, G, _zero_rows, 0)
    for t in range(NEXP // G):
        pltpu.sync_copy(rows_v, shared_acc.at[pl.ds(s * NEXP + t * G, G)])
    for k in range(G // 16):
        ones_v[pl.ds(k * 16, 16)] = zero16f + 1.0
    for k in range(NEXP // 16):
        zdeg_v[pl.ds(k * 16, 16)] = zero16f
    pltpu.sync_copy(zdeg_v, shared_deg.at[pl.ds(s * NEXP, NEXP)])
    plsc.subcore_barrier()

    def _chunk(t, carry):
        ci = s + t * 16

        @pl.when(ci < NCHA)
        def _():
            pltpu.sync_copy(dst_hbm.at[pl.ds(ci * CEA, CEA)], dst_v)
            pltpu.sync_copy(src_hbm.at[pl.ds(ci * CEA, CEA)], src_v)

            def _batch(b, carry2):
                jb = b * G
                pltpu.async_copy(
                    hn_hbm.at[src_v.at[pl.ds(jb, G)]], rows_v, sem).wait()
                for k in range(G // 16):
                    idx_stage[0, pl.ds(k * 16, 16)] = dst_v[pl.ds(jb + k * 16, 16)]

                @pl.when(c == 1)
                def _():
                    def _sqr(r, carry3):
                        for k in range(8):
                            row = rows_v[r, pl.ds(k * 16, 16)]
                            rows_v[r, pl.ds(k * 16, 16)] = row * row
                        return carry3
                    lax.fori_loop(0, G, _sqr, 0)

                pltpu.sync_copy(rows_v, shared_acc.at[idx_stage.at[0]], add=True)

                @pl.when(c == 0)
                def _():
                    pltpu.sync_copy(ones_v, shared_deg.at[idx_stage.at[0]],
                                    add=True)
                return carry2
            lax.fori_loop(0, NBA, _batch, 0)
        return carry
    lax.fori_loop(0, CPW, _chunk, 0)

    plsc.subcore_barrier()

    @pl.when(c == 0)
    def _():
        pltpu.sync_copy(shared_acc.at[pl.ds(s * NEXP, NEXP)],
                        sum_out.at[pl.ds(s * NEXP, NEXP)])
        pltpu.sync_copy(shared_deg.at[pl.ds(s * NEXP, NEXP)],
                        deg_out.at[pl.ds(s * NEXP, NEXP)])

    @pl.when(c == 1)
    def _():
        pltpu.sync_copy(shared_acc.at[pl.ds(s * NEXP, NEXP)],
                        sq_out.at[pl.ds(s * NEXP, NEXP)])


_sc_sumsq = functools.partial(
    pl.kernel,
    mesh=_MESH,
    compiler_params=_CPARAMS,
    out_type=[
        jax.ShapeDtypeStruct((NPAD, F), jnp.float32),
        jax.ShapeDtypeStruct((NPAD, F), jnp.float32),
        jax.ShapeDtypeStruct((NPAD,), jnp.float32),
    ],
    scratch_types=[
        pltpu.VMEM((CEA,), jnp.int32),
        pltpu.VMEM((CEA,), jnp.int32),
        pltpu.VMEM((G, F), jnp.float32),
        pltpu.VMEM((1, G), jnp.int32),
        pltpu.VMEM((G,), jnp.float32),
        pltpu.VMEM((NEXP,), jnp.float32),
        pltpu.VMEM_SHARED((NPAD, F), jnp.float32),
        pltpu.VMEM_SHARED((NPAD,), jnp.float32),
        pltpu.SemaphoreType.DMA,
    ],
)(_sumsq_body)


def _maxmin_body(hn_hbm, dst_hbm, src_hbm,
                 mx_out, mn_out,
                 dst_v, src_v, sel_dl, sel_src, rows_a, mx_acc, mn_acc,
                 sem_a):
    c = lax.axis_index("c")
    s = lax.axis_index("s")
    wid = c * 16 + s
    lo = wid * NB

    neginf = jnp.full((16,), -_F32MAX, jnp.float32)
    posinf = jnp.full((16,), _F32MAX, jnp.float32)

    def _init_row(r, carry):
        for k in range(8):
            mx_acc[r, pl.ds(k * 16, 16)] = neginf
            mn_acc[r, pl.ds(k * 16, 16)] = posinf
        return carry
    lax.fori_loop(0, NB, _init_row, 0)

    lane = lax.iota(jnp.int32, 16)

    def _chunk(ct, carry):
        ci = lax.rem(ct + wid, NCHB)
        pltpu.sync_copy(dst_hbm.at[pl.ds(ci * CEB, CEB)], dst_v)
        pltpu.sync_copy(src_hbm.at[pl.ds(ci * CEB, CEB)], src_v)

        def _filt(g, pos):
            dv = dst_v[pl.ds(g * 16, 16)]
            sv = src_v[pl.ds(g * 16, 16)]
            dl = dv - lo
            mask = (dl >= 0) & (dl < NB)
            plsc.store_compressed(sel_dl.at[pl.ds(pos, 16)], dl, mask=mask)
            plsc.store_compressed(sel_src.at[pl.ds(pos, 16)], sv, mask=mask)
            return pos + plsc.all_reduce_population_count(mask)[0]
        cnt = lax.fori_loop(0, NGB, _filt, 0)

        nb = (cnt + G - 1) // G
        padded = nb * G
        base = (cnt // 16) * 16
        keep = (base + lane) < cnt
        zero16i = jnp.zeros((16,), jnp.int32)
        sel_src[pl.ds(base, 16)] = jnp.where(keep, sel_src[pl.ds(base, 16)],
                                             zero16i)

        def _padg(t, carry2):
            sel_src[pl.ds(base + 16 + t * 16, 16)] = zero16i
            return carry2
        lax.fori_loop(0, jnp.maximum((padded - base - 16) // 16, 0), _padg, 0)

        def _batch(b, carry2):
            jb = b * G
            pltpu.async_copy(hn_hbm.at[sel_src.at[pl.ds(jb, G)]], rows_a,
                             sem_a).wait()
            ecnt = jnp.minimum(cnt - jb, G)

            def _edge(j, carry3):
                dl = sel_dl[pl.ds(jb + j, 16)][0]
                rows = [rows_a[j, pl.ds(k * 16, 16)] for k in range(8)]
                mxs = [mx_acc[dl, pl.ds(k * 16, 16)] for k in range(8)]
                mns = [mn_acc[dl, pl.ds(k * 16, 16)] for k in range(8)]
                for k in range(8):
                    mx_acc[dl, pl.ds(k * 16, 16)] = jnp.maximum(mxs[k], rows[k])
                for k in range(8):
                    mn_acc[dl, pl.ds(k * 16, 16)] = jnp.minimum(mns[k], rows[k])
                return carry3
            lax.fori_loop(0, ecnt, _edge, 0)
            return carry2
        lax.fori_loop(0, nb, _batch, 0)
        return carry
    lax.fori_loop(0, NCHB, _chunk, 0)

    pltpu.sync_copy(mx_acc, mx_out.at[pl.ds(lo, NB)])
    pltpu.sync_copy(mn_acc, mn_out.at[pl.ds(lo, NB)])


_sc_maxmin = functools.partial(
    pl.kernel,
    mesh=_MESH,
    compiler_params=_CPARAMS,
    out_type=[
        jax.ShapeDtypeStruct((NPAD, F), jnp.float32),
        jax.ShapeDtypeStruct((NPAD, F), jnp.float32),
    ],
    scratch_types=[
        pltpu.VMEM((CEB,), jnp.int32),
        pltpu.VMEM((CEB,), jnp.int32),
        pltpu.VMEM((SEL,), jnp.int32),
        pltpu.VMEM((SEL,), jnp.int32),
        pltpu.VMEM((G, F), jnp.float32),
        pltpu.VMEM((NB, F), jnp.float32),
        pltpu.VMEM((NB, F), jnp.float32),
        pltpu.SemaphoreType.DMA,
    ],
)(_maxmin_body)


def _mul_body(h_ref, norm_ref, o_ref):
    o_ref[...] = h_ref[...] * norm_ref[...]


def _epi_body(sum_ref, sq_ref, mx_ref, mn_ref, deg_ref, hn_ref, norm_ref,
              gamma_ref, beta_ref, o_ref):
    d = deg_ref[...]
    inv = 1.0 / d
    mean = sum_ref[...] * inv
    msq = sq_ref[...] * inv
    var = jnp.maximum(msq - mean * mean, 0.0)
    std = jnp.sqrt(var + EPS)
    a = mean + mx_ref[...] + mn_ref[...] + std
    ld = jnp.log(d + 1.0)
    scal = 1.0 + ld * (1.0 / AVG_D_LOG) + AVG_D_LOG / ld
    hcat = (hn_ref[...] + norm_ref[...] * a * scal) * (1.0 / 13.0)
    mu = jnp.mean(hcat, axis=0, keepdims=True)
    v = jnp.mean(hcat * hcat, axis=0, keepdims=True) - mu * mu
    o_ref[...] = ((hcat - mu) / jnp.sqrt(v + 1e-5)) * gamma_ref[...] + beta_ref[...]


def kernel(h, edge_index, e, norm, gamma, beta):
    src = edge_index[0]
    dst = edge_index[1]

    hn = pl.pallas_call(
        _mul_body,
        out_shape=jax.ShapeDtypeStruct((N, F), jnp.float32),
    )(h, norm)

    ssum, ssq, deg = _sc_sumsq(hn, dst, src)
    smx, smn = _sc_maxmin(hn, dst, src)

    out = pl.pallas_call(
        _epi_body,
        out_shape=jax.ShapeDtypeStruct((N, F), jnp.float32),
    )(ssum[:N], ssq[:N], smx[:N], smn[:N], deg[:N].reshape(N, 1),
      hn, norm, gamma.reshape(1, F), beta.reshape(1, F))
    return out

# --- scband reference (transcript-rebuilt; emitter-appended) ---
"""Pipeline reference for scband-activation-pnasimplified-layer-41051297415333 (READ-ONLY COPY).

The authoritative reference and input builder live on the scoring server;
editing this copy changes nothing except your own understanding.
"""

import jax, jax.numpy as jnp
import numpy as np

N = 10000
E = 320000
F = 128
AVG_D_LOG = 3.4657359027997265
EPS = 1e-5


def setup_inputs(seed: int = 0) -> dict:
    key = jax.random.key(seed)
    k1, k2, k3, k4, k5 = jax.random.split(key, 5)
    h = jax.random.normal(k1, (N, F), dtype=jnp.float32)
    src = jax.random.randint(k2, (E,), 0, N)
    # guarantee every node has in-degree >= 1 (DGL graphs in PNA training have
    # self-loops; also keeps attenuation scaler finite)
    dst = jnp.concatenate([jnp.arange(N), jax.random.randint(k3, (E - N,), 0, N)])
    edge_index = jnp.stack([src, dst]).astype(jnp.int32)
    e = jax.random.normal(k4, (E, 4), dtype=jnp.float32)  # unused by this layer
    norm = jax.random.uniform(k5, (N, 1), dtype=jnp.float32)
    gamma = jnp.ones((F,), dtype=jnp.float32)
    beta = jnp.zeros((F,), dtype=jnp.float32)
    return {"h": h, "edge_index": edge_index, "e": e, "norm": norm, "gamma": gamma, "beta": beta}


def _forward(h, e, norm, gamma, beta, edge_index):
    src = edge_index[0]
    dst = edge_index[1]
    hn = h * norm                       # h = h * norm
    m = jnp.take(hn, src, axis=0)       # copy_u messages [E, F]
    deg = jnp.zeros((N,), dtype=jnp.float32).at[dst].add(1.0)
    deg_safe = jnp.maximum(deg, 1.0)
    # aggregators: mean, max, min, std (over mailbox dim D)
    ssum = jax.ops.segment_sum(m, dst, num_segments=N)
    mean = ssum / deg_safe[:, None]
    mean_sq = jax.ops.segment_sum(m * m, dst, num_segments=N) / deg_safe[:, None]
    var = jax.nn.relu(mean_sq - mean * mean)
    std = jnp.sqrt(var + EPS)
    mx = jax.ops.segment_max(m, dst, num_segments=N)
    mn = jax.ops.segment_min(m, dst, num_segments=N)
    has = (deg > 0)[:, None]
    mx = jnp.where(has, mx, 0.0)
    mn = jnp.where(has, mn, 0.0)
    agg = jnp.concatenate([mean, mx, mn, std], axis=1)   # [N, 4F]
    # scalers: identity, amplification, attenuation (D = in-degree)
    log_deg = jnp.log(deg + 1.0)
    amp = agg * (log_deg / AVG_D_LOG)[:, None]
    att_scale = jnp.where(deg > 0, AVG_D_LOG / jnp.maximum(log_deg, EPS), 0.0)
    att = agg * att_scale[:, None]
    scaled = jnp.concatenate([agg, amp, att], axis=1)    # [N, 12F]
    # cat([h, ndata['h'] * norm], dim=1).view(N, 1 + 4*3, -1).mean(1)
    hcat = jnp.concatenate([hn, scaled * norm], axis=1).reshape(N, 13, F).mean(axis=1)
    # activation=None, dropout p=0 -> identity; batch_norm=True (training-mode batch stats)
    mu = hcat.mean(axis=0)
    v = hcat.var(axis=0)
    out = (hcat - mu) / jnp.sqrt(v + 1e-5) * gamma + beta
    return out


def reference(h, edge_index, e, norm, gamma, beta):
    return _forward(h, e, norm, gamma, beta, edge_index)

if __name__ == "__main__":
    import jax
    _d = setup_inputs()
    print(jax.jit(kernel)(*tuple(_d.values())))

</pallas_src>

<mosaic_0001>
#map = affine_map<(d0, d1) -> (0, 0)>
#map1 = affine_map<(d0, d1) -> (0)>
module attributes {stable_mosaic.version = 14 : i64} {
  func.func @_sumsq_body(%arg0: i32, %arg1: i32, %arg2: memref<10000x128xf32, #tpu.memory_space<hbm>>, %arg3: memref<320000xi32, #tpu.memory_space<hbm>>, %arg4: memref<320000xi32, #tpu.memory_space<hbm>>, %arg5: memref<10240x128xf32, #tpu.memory_space<hbm>>, %arg6: memref<10240x128xf32, #tpu.memory_space<hbm>>, %arg7: memref<10240xf32, #tpu.memory_space<hbm>>, %arg8: memref<6400xi32, #tpu.memory_space<vmem>>, %arg9: memref<6400xi32, #tpu.memory_space<vmem>>, %arg10: memref<64x128xf32, #tpu.memory_space<vmem>>, %arg11: memref<1x64xi32, #tpu.memory_space<vmem>>, %arg12: memref<64xf32, #tpu.memory_space<vmem>>, %arg13: memref<640xf32, #tpu.memory_space<vmem>>, %arg14: memref<10240x128xf32, #tpu.memory_space<vmem_shared>>, %arg15: memref<10240xf32, #tpu.memory_space<vmem_shared>>, %arg16: memref<!tpu.dma_semaphore, #tpu.memory_space<semaphore_mem>>) attributes {dimension_semantics = [#tpu.dimension_semantics<core_parallel>, #tpu.dimension_semantics<subcore_parallel>], iteration_bounds = array<i64: 2, 16>, scalar_prefetch = 0 : i64, scratch_operands = 9 : i64, tpu.core_type = #tpu.core_type<sc_vector_subcore>, window_params = [{transform_indices = #map}, {transform_indices = #map1}, {transform_indices = #map1}, {transform_indices = #map}, {transform_indices = #map}, {transform_indices = #map1}]} {
    %broadcast_in_dim3A = arith.constant 0.000000e+00 : f32
    %broadcast_in_dim3A_0 = vector.broadcast %broadcast_in_dim3A : f32 to vector<16xf32>
    %scan3A = arith.constant 0 : i32
    %scan3A_1 = arith.constant 0 : i32
    %scan3A_2 = arith.constant 64 : i32
    %scan3A_3 = arith.addi %scan3A_1, %scan3A_2 : i32
    %scan3A_4 = arith.constant 1 : i32
    scf.for %scan3A_159 = %scan3A_1 to %scan3A_3 step %scan3A_4  : i32 {
      %swap3A_160 = arith.index_cast %scan3A_159 : i32 to index
      %swap3A_161 = arith.constant 0 : index
      %swap3A_162 = tpu.vector_load %arg10[%swap3A_160, %swap3A_161] {strides = array<i32>} : memref<64x128xf32, #tpu.memory_space<vmem>>, vector<16xf32>,
      tpu.vector_store %arg10[%swap3A_160, %swap3A_161], %broadcast_in_dim3A_0 {strides = array<i32>} : memref<64x128xf32, #tpu.memory_space<vmem>>, vector<16xf32>,
      %swap3A_163 = arith.index_cast %scan3A_159 : i32 to index
      %swap3A_164 = arith.constant 16 : index
      %swap3A_165 = tpu.vector_load %arg10[%swap3A_163, %swap3A_164] {strides = array<i32>} : memref<64x128xf32, #tpu.memory_space<vmem>>, vector<16xf32>,
      tpu.vector_store %arg10[%swap3A_163, %swap3A_164], %broadcast_in_dim3A_0 {strides = array<i32>} : memref<64x128xf32, #tpu.memory_space<vmem>>, vector<16xf32>,
      %swap3A_166 = arith.index_cast %scan3A_159 : i32 to index
      %swap3A_167 = arith.constant 32 : index
      %swap3A_168 = tpu.vector_load %arg10[%swap3A_166, %swap3A_167] {strides = array<i32>} : memref<64x128xf32, #tpu.memory_space<vmem>>, vector<16xf32>,
      tpu.vector_store %arg10[%swap3A_166, %swap3A_167], %broadcast_in_dim3A_0 {strides = array<i32>} : memref<64x128xf32, #tpu.memory_space<vmem>>, vector<16xf32>,
      %swap3A_169 = arith.index_cast %scan3A_159 : i32 to index
      %swap3A_170 = arith.constant 48 : index
      %swap3A_171 = tpu.vector_load %arg10[%swap3A_169, %swap3A_170] {strides = array<i32>} : memref<64x128xf32, #tpu.memory_space<vmem>>, vector<16xf32>,
      tpu.vector_store %arg10[%swap3A_169, %swap3A_170], %broadcast_in_dim3A_0 {strides = array<i32>} : memref<64x128xf32, #tpu.memory_space<vmem>>, vector<16xf32>,
      %swap3A_172 = arith.index_cast %scan3A_159 : i32 to index
      %swap3A_173 = arith.constant 64 : index
      %swap3A_174 = tpu.vector_load %arg10[%swap3A_172, %swap3A_173] {strides = array<i32>} : memref<64x128xf32, #tpu.memory_space<vmem>>, vector<16xf32>,
      tpu.vector_store %arg10[%swap3A_172, %swap3A_173], %broadcast_in_dim3A_0 {strides = array<i32>} : memref<64x128xf32, #tpu.memory_space<vmem>>, vector<16xf32>,
      %swap3A_175 = arith.index_cast %scan3A_159 : i32 to index
      %swap3A_176 = arith.constant 80 : index
      %swap3A_177 = tpu.vector_load %arg10[%swap3A_175, %swap3A_176] {strides = array<i32>} : memref<64x128xf32, #tpu.memory_space<vmem>>, vector<16xf32>,
      tpu.vector_store %arg10[%swap3A_175, %swap3A_176], %broadcast_in_dim3A_0 {strides = array<i32>} : memref<64x128xf32, #tpu.memory_space<vmem>>, vector<16xf32>,
      %swap3A_178 = arith.index_cast %scan3A_159 : i32 to index
      %swap3A_179 = arith.constant 96 : index
      %swap3A_180 = tpu.vector_load %arg10[%swap3A_178, %swap3A_179] {strides = array<i32>} : memref<64x128xf32, #tpu.memory_space<vmem>>, vector<16xf32>,
      tpu.vector_store %arg10[%swap3A_178, %swap3A_179], %broadcast_in_dim3A_0 {strides = array<i32>} : memref<64x128xf32, #tpu.memory_space<vmem>>, vector<16xf32>,
      %swap3A_181 = arith.index_cast %scan3A_159 : i32 to index
      %swap3A_182 = arith.constant 112 : index
      %swap3A_183 = tpu.vector_load %arg10[%swap3A_181, %swap3A_182] {strides = array<i32>} : memref<64x128xf32, #tpu.memory_space<vmem>>, vector<16xf32>,
      tpu.vector_store %arg10[%swap3A_181, %swap3A_182], %broadcast_in_dim3A_0 {strides = array<i32>} : memref<64x128xf32, #tpu.memory_space<vmem>>, vector<16xf32>,
    }
    %scan3A_5 = arith.constant 64 : i32
    %mul3A = arith.constant 640 : i32
    %mul3A_6 = arith.muli %arg1, %mul3A : i32
    %add3A = arith.constant 0 : i32
    %add3A_7 = arith.addi %mul3A_6, %add3A : i32
    "tpu.region"() ({
      %run_scoped3A = tpu.sem_alloc : memref<!tpu.dma_semaphore, #tpu.memory_space<semaphore_mem>>
      %dma_start3A = arith.constant 0 : i32
      %dma_start3A_159 = tpu.memref_slice %arg14[%add3A_7, %dma_start3A] : memref<10240x128xf32, #tpu.memory_space<vmem_shared>> -> memref<64x128xf32, #tpu.memory_space<vmem_shared>>
      %dma_start3A_160 = arith.constant 0 : i32
      %dma_start3A_161 = tpu.memref_slice %arg14[%add3A_7, %dma_start3A_160] : memref<10240x128xf32, #tpu.memory_space<vmem_shared>> -> memref<64x128xf32, #tpu.memory_space<vmem_shared>>
      tpu.enqueue_dma source(%arg10 : memref<64x128xf32, #tpu.memory_space<vmem>>) target(%dma_start3A_161 : memref<64x128xf32, #tpu.memory_space<vmem_shared>>) target_semaphore(%run_scoped3A : memref<!tpu.dma_semaphore, #tpu.memory_space<semaphore_mem>>)
      %dma_wait3A = arith.constant 0 : i32
      %dma_wait3A_162 = tpu.memref_slice %arg14[%add3A_7, %dma_wait3A] : memref<10240x128xf32, #tpu.memory_space<vmem_shared>> -> memref<64x128xf32, #tpu.memory_space<vmem_shared>>
      %dma_wait3A_163 = arith.constant 0 : i32
      %dma_wait3A_164 = tpu.memref_slice %arg14[%add3A_7, %dma_wait3A_163] : memref<10240x128xf32, #tpu.memory_space<vmem_shared>> -> memref<64x128xf32, #tpu.memory_space<vmem_shared>>
      tpu.wait_dma2 semaphore(%run_scoped3A : memref<!tpu.dma_semaphore, #tpu.memory_space<semaphore_mem>>) src(%arg10 : memref<64x128xf32, #tpu.memory_space<vmem>>) dst(%dma_wait3A_164 : memref<64x128xf32, #tpu.memory_space<vmem_shared>>)
      tpu.yield
    }) : () -> ()
    %mul3A_8 = arith.constant 640 : i32
    %mul3A_9 = arith.muli %arg1, %mul3A_8 : i32
    %add3A_10 = arith.constant 64 : i32
    %add3A_11 = arith.addi %mul3A_9, %add3A_10 : i32
    "tpu.region"() ({
      %run_scoped3A = tpu.sem_alloc : memref<!tpu.dma_semaphore, #tpu.memory_space<semaphore_mem>>
      %dma_start3A = arith.constant 0 : i32
      %dma_start3A_159 = tpu.memref_slice %arg14[%add3A_11, %dma_start3A] : memref<10240x128xf32, #tpu.memory_space<vmem_shared>> -> memref<64x128xf32, #tpu.memory_space<vmem_shared>>
      %dma_start3A_160 = arith.constant 0 : i32
      %dma_start3A_161 = tpu.memref_slice %arg14[%add3A_11, %dma_start3A_160] : memref<10240x128xf32, #tpu.memory_space<vmem_shared>> -> memref<64x128xf32, #tpu.memory_space<vmem_shared>>
      tpu.enqueue_dma source(%arg10 : memref<64x128xf32, #tpu.memory_space<vmem>>) target(%dma_start3A_161 : memref<64x128xf32, #tpu.memory_space<vmem_shared>>) target_semaphore(%run_scoped3A : memref<!tpu.dma_semaphore, #tpu.memory_space<semaphore_mem>>)
      %dma_wait3A = arith.constant 0 : i32
      %dma_wait3A_162 = tpu.memref_slice %arg14[%add3A_11, %dma_wait3A] : memref<10240x128xf32, #tpu.memory_space<vmem_shared>> -> memref<64x128xf32, #tpu.memory_space<vmem_shared>>
      %dma_wait3A_163 = arith.constant 0 : i32
      %dma_wait3A_164 = tpu.memref_slice %arg14[%add3A_11, %dma_wait3A_163] : memref<10240x128xf32, #tpu.memory_space<vmem_shared>> -> memref<64x128xf32, #tpu.memory_space<vmem_shared>>
      tpu.wait_dma2 semaphore(%run_scoped3A : memref<!tpu.dma_semaphore, #tpu.memory_space<semaphore_mem>>) src(%arg10 : memref<64x128xf32, #tpu.memory_space<vmem>>) dst(%dma_wait3A_164 : memref<64x128xf32, #tpu.memory_space<vmem_shared>>)
      tpu.yield
    }) : () -> ()
    %mul3A_12 = arith.constant 640 : i32
    %mul3A_13 = arith.muli %arg1, %mul3A_12 : i32
    %add3A_14 = arith.constant 128 : i32
    %add3A_15 = arith.addi %mul3A_13, %add3A_14 : i32
    "tpu.region"() ({
      %run_scoped3A = tpu.sem_alloc : memref<!tpu.dma_semaphore, #tpu.memory_space<semaphore_mem>>
      %dma_start3A = arith.constant 0 : i32
      %dma_start3A_159 = tpu.memref_slice %arg14[%add3A_15, %dma_start3A] : memref<10240x128xf32, #tpu.memory_space<vmem_shared>> -> memref<64x128xf32, #tpu.memory_space<vmem_shared>>
      %dma_start3A_160 = arith.constant 0 : i32
      %dma_start3A_161 = tpu.memref_slice %arg14[%add3A_15, %dma_start3A_160] : memref<10240x128xf32, #tpu.memory_space<vmem_shared>> -> memref<64x128xf32, #tpu.memory_space<vmem_shared>>
      tpu.enqueue_dma source(%arg10 : memref<64x128xf32, #tpu.memory_space<vmem>>) target(%dma_start3A_161 : memref<64x128xf32, #tpu.memory_space<vmem_shared>>) target_semaphore(%run_scoped3A : memref<!tpu.dma_semaphore, #tpu.memory_space<semaphore_mem>>)
      %dma_wait3A = arith.constant 0 : i32
      %dma_wait3A_162 = tpu.memref_slice %arg14[%add3A_15, %dma_wait3A] : memref<10240x128xf32, #tpu.memory_space<vmem_shared>> -> memref<64x128xf32, #tpu.memory_space<vmem_shared>>
      %dma_wait3A_163 = arith.constant 0 : i32
      %dma_wait3A_164 = tpu.memref_slice %arg14[%add3A_15, %dma_wait3A_163] : memref<10240x128xf32, #tpu.memory_space<vmem_shared>> -> memref<64x128xf32, #tpu.memory_space<vmem_shared>>
      tpu.wait_dma2 semaphore(%run_scoped3A : memref<!tpu.dma_semaphore, #tpu.memory_space<semaphore_mem>>) src(%arg10 : memref<64x128xf32, #tpu.memory_space<vmem>>) dst(%dma_wait3A_164 : memref<64x128xf32, #tpu.memory_space<vmem_shared>>)
      tpu.yield
    }) : () -> ()
    %mul3A_16 = arith.constant 640 : i32
    %mul3A_17 = arith.muli %arg1, %mul3A_16 : i32
    %add3A_18 = arith.constant 192 : i32
    %add3A_19 = arith.addi %mul3A_17, %add3A_18 : i32
    "tpu.region"() ({
      %run_scoped3A = tpu.sem_alloc : memref<!tpu.dma_semaphore, #tpu.memory_space<semaphore_mem>>
      %dma_start3A = arith.constant 0 : i32
      %dma_start3A_159 = tpu.memref_slice %arg14[%add3A_19, %dma_start3A] : memref<10240x128xf32, #tpu.memory_space<vmem_shared>> -> memref<64x128xf32, #tpu.memory_space<vmem_shared>>
      %dma_start3A_160 = arith.constant 0 : i32
      %dma_start3A_161 = tpu.memref_slice %arg14[%add3A_19, %dma_start3A_160] : memref<10240x128xf32, #tpu.memory_space<vmem_shared>> -> memref<64x128xf32, #tpu.memory_space<vmem_shared>>
      tpu.enqueue_dma source(%arg10 : memref<64x128xf32, #tpu.memory_space<vmem>>) target(%dma_start3A_161 : memref<64x128xf32, #tpu.memory_space<vmem_shared>>) target_semaphore(%run_scoped3A : memref<!tpu.dma_semaphore, #tpu.memory_space<semaphore_mem>>)
      %dma_wait3A = arith.constant 0 : i32
      %dma_wait3A_162 = tpu.memref_slice %arg14[%add3A_19, %dma_wait3A] : memref<10240x128xf32, #tpu.memory_space<vmem_shared>> -> memref<64x128xf32, #tpu.memory_space<vmem_shared>>
      %dma_wait3A_163 = arith.constant 0 : i32
      %dma_wait3A_164 = tpu.memref_slice %arg14[%add3A_19, %dma_wait3A_163] : memref<10240x128xf32, #tpu.memory_space<vmem_shared>> -> memref<64x128xf32, #tpu.memory_space<vmem_shared>>
      tpu.wait_dma2 semaphore(%run_scoped3A : memref<!tpu.dma_semaphore, #tpu.memory_space<semaphore_mem>>) src(%arg10 : memref<64x128xf32, #tpu.memory_space<vmem>>) dst(%dma_wait3A_164 : memref<64x128xf32, #tpu.memory_space<vmem_shared>>)
      tpu.yield
    }) : () -> ()
    %mul3A_20 = arith.constant 640 : i32
    %mul3A_21 = arith.muli %arg1, %mul3A_20 : i32
    %add3A_22 = arith.constant 256 : i32
    %add3A_23 = arith.addi %mul3A_21, %add3A_22 : i32
    "tpu.region"() ({
      %run_scoped3A = tpu.sem_alloc : memref<!tpu.dma_semaphore, #tpu.memory_space<semaphore_mem>>
      %dma_start3A = arith.constant 0 : i32
      %dma_start3A_159 = tpu.memref_slice %arg14[%add3A_23, %dma_start3A] : memref<10240x128xf32, #tpu.memory_space<vmem_shared>> -> memref<64x128xf32, #tpu.memory_space<vmem_shared>>
      %dma_start3A_160 = arith.constant 0 : i32
      %dma_start3A_161 = tpu.memref_slice %arg14[%add3A_23, %dma_start3A_160] : memref<10240x128xf32, #tpu.memory_space<vmem_shared>> -> memref<64x128xf32, #tpu.memory_space<vmem_shared>>
      tpu.enqueue_dma source(%arg10 : memref<64x128xf32, #tpu.memory_space<vmem>>) target(%dma_start3A_161 : memref<64x128xf32, #tpu.memory_space<vmem_shared>>) target_semaphore(%run_scoped3A : memref<!tpu.dma_semaphore, #tpu.memory_space<semaphore_mem>>)
      %dma_wait3A = arith.constant 0 : i32
      %dma_wait3A_162 = tpu.memref_slice %arg14[%add3A_23, %dma_wait3A] : memref<10240x128xf32, #tpu.memory_space<vmem_shared>> -> memref<64x128xf32, #tpu.memory_space<vmem_shared>>
      %dma_wait3A_163 = arith.constant 0 : i32
      %dma_wait3A_164 = tpu.memref_slice %arg14[%add3A_23, %dma_wait3A_163] : memref<10240x128xf32, #tpu.memory_space<vmem_shared>> -> memref<64x128xf32, #tpu.memory_space<vmem_shared>>
      tpu.wait_dma2 semaphore(%run_scoped3A : memref<!tpu.dma_semaphore, #tpu.memory_space<semaphore_mem>>) src(%arg10 : memref<64x128xf32, #tpu.memory_space<vmem>>) dst(%dma_wait3A_164 : memref<64x128xf32, #tpu.memory_space<vmem_shared>>)
      tpu.yield
    }) : () -> ()
    %mul3A_24 = arith.constant 640 : i32
    %mul3A_25 = arith.muli %arg1, %mul3A_24 : i32
    %add3A_26 = arith.constant 320 : i32
    %add3A_27 = arith.addi %mul3A_25, %add3A_26 : i32
    "tpu.region"() ({
      %run_scoped3A = tpu.sem_alloc : memref<!tpu.dma_semaphore, #tpu.memory_space<semaphore_mem>>
      %dma_start3A = arith.constant 0 : i32
      %dma_start3A_159 = tpu.memref_slice %arg14[%add3A_27, %dma_start3A] : memref<10240x128xf32, #tpu.memory_space<vmem_shared>> -> memref<64x128xf32, #tpu.memory_space<vmem_shared>>
      %dma_start3A_160 = arith.constant 0 : i32
      %dma_start3A_161 = tpu.memref_slice %arg14[%add3A_27, %dma_start3A_160] : memref<10240x128xf32, #tpu.memory_space<vmem_shared>> -> memref<64x128xf32, #tpu.memory_space<vmem_shared>>
      tpu.enqueue_dma source(%arg10 : memref<64x128xf32, #tpu.memory_space<vmem>>) target(%dma_start3A_161 : memref<64x128xf32, #tpu.memory_space<vmem_shared>>) target_semaphore(%run_scoped3A : memref<!tpu.dma_semaphore, #tpu.memory_space<semaphore_mem>>)
      %dma_wait3A = arith.constant 0 : i32
      %dma_wait3A_162 = tpu.memref_slice %arg14[%add3A_27, %dma_wait3A] : memref<10240x128xf32, #tpu.memory_space<vmem_shared>> -> memref<64x128xf32, #tpu.memory_space<vmem_shared>>
      %dma_wait3A_163 = arith.constant 0 : i32
      %dma_wait3A_164 = tpu.memref_slice %arg14[%add3A_27, %dma_wait3A_163] : memref<10240x128xf32, #tpu.memory_space<vmem_shared>> -> memref<64x128xf32, #tpu.memory_space<vmem_shared>>
      tpu.wait_dma2 semaphore(%run_scoped3A : memref<!tpu.dma_semaphore, #tpu.memory_space<semaphore_mem>>) src(%arg10 : memref<64x128xf32, #tpu.memory_space<vmem>>) dst(%dma_wait3A_164 : memref<64x128xf32, #tpu.memory_space<vmem_shared>>)
      tpu.yield
    }) : () -> ()
    %mul3A_28 = arith.constant 640 : i32
    %mul3A_29 = arith.muli %arg1, %mul3A_28 : i32
    %add3A_30 = arith.constant 384 : i32
    %add3A_31 = arith.addi %mul3A_29, %add3A_30 : i32
    "tpu.region"() ({
      %run_scoped3A = tpu.sem_alloc : memref<!tpu.dma_semaphore, #tpu.memory_space<semaphore_mem>>
      %dma_start3A = arith.constant 0 : i32
      %dma_start3A_159 = tpu.memref_slice %arg14[%add3A_31, %dma_start3A] : memref<10240x128xf32, #tpu.memory_space<vmem_shared>> -> memref<64x128xf32, #tpu.memory_space<vmem_shared>>
      %dma_start3A_160 = arith.constant 0 : i32
      %dma_start3A_161 = tpu.memref_slice %arg14[%add3A_31, %dma_start3A_160] : memref<10240x128xf32, #tpu.memory_space<vmem_shared>> -> memref<64x128xf32, #tpu.memory_space<vmem_shared>>
      tpu.enqueue_dma source(%arg10 : memref<64x128xf32, #tpu.memory_space<vmem>>) target(%dma_start3A_161 : memref<64x128xf32, #tpu.memory_space<vmem_shared>>) target_semaphore(%run_scoped3A : memref<!tpu.dma_semaphore, #tpu.memory_space<semaphore_mem>>)
      %dma_wait3A = arith.constant 0 : i32
      %dma_wait3A_162 = tpu.memref_slice %arg14[%add3A_31, %dma_wait3A] : memref<10240x128xf32, #tpu.memory_space<vmem_shared>> -> memref<64x128xf32, #tpu.memory_space<vmem_shared>>
      %dma_wait3A_163 = arith.constant 0 : i32
      %dma_wait3A_164 = tpu.memref_slice %arg14[%add3A_31, %dma_wait3A_163] : memref<10240x128xf32, #tpu.memory_space<vmem_shared>> -> memref<64x128xf32, #tpu.memory_space<vmem_shared>>
      tpu.wait_dma2 semaphore(%run_scoped3A : memref<!tpu.dma_semaphore, #tpu.memory_space<semaphore_mem>>) src(%arg10 : memref<64x128xf32, #tpu.memory_space<vmem>>) dst(%dma_wait3A_164 : memref<64x128xf32, #tpu.memory_space<vmem_shared>>)
      tpu.yield
    }) : () -> ()
    %mul3A_32 = arith.constant 640 : i32
    %mul3A_33 = arith.muli %arg1, %mul3A_32 : i32
    %add3A_34 = arith.constant 448 : i32
    %add3A_35 = arith.addi %mul3A_33, %add3A_34 : i32
    "tpu.region"() ({
      %run_scoped3A = tpu.sem_alloc : memref<!tpu.dma_semaphore, #tpu.memory_space<semaphore_mem>>
      %dma_start3A = arith.constant 0 : i32
      %dma_start3A_159 = tpu.memref_slice %arg14[%add3A_35, %dma_start3A] : memref<10240x128xf32, #tpu.memory_space<vmem_shared>> -> memref<64x128xf32, #tpu.memory_space<vmem_shared>>
      %dma_start3A_160 = arith.constant 0 : i32
      %dma_start3A_161 = tpu.memref_slice %arg14[%add3A_35, %dma_start3A_160] : memref<10240x128xf32, #tpu.memory_space<vmem_shared>> -> memref<64x128xf32, #tpu.memory_space<vmem_shared>>
      tpu.enqueue_dma source(%arg10 : memref<64x128xf32, #tpu.memory_space<vmem>>) target(%dma_start3A_161 : memref<64x128xf32, #tpu.memory_space<vmem_shared>>) target_semaphore(%run_scoped3A : memref<!tpu.dma_semaphore, #tpu.memory_space<semaphore_mem>>)
      %dma_wait3A = arith.constant 0 : i32
      %dma_wait3A_162 = tpu.memref_slice %arg14[%add3A_35, %dma_wait3A] : memref<10240x128xf32, #tpu.memory_space<vmem_shared>> -> memref<64x128xf32, #tpu.memory_space<vmem_shared>>
      %dma_wait3A_163 = arith.constant 0 : i32
      %dma_wait3A_164 = tpu.memref_slice %arg14[%add3A_35, %dma_wait3A_163] : memref<10240x128xf32, #tpu.memory_space<vmem_shared>> -> memref<64x128xf32, #tpu.memory_space<vmem_shared>>
      tpu.wait_dma2 semaphore(%run_scoped3A : memref<!tpu.dma_semaphore, #tpu.memory_space<semaphore_mem>>) src(%arg10 : memref<64x128xf32, #tpu.memory_space<vmem>>) dst(%dma_wait3A_164 : memref<64x128xf32, #tpu.memory_space<vmem_shared>>)
      tpu.yield
    }) : () -> ()
    %mul3A_36 = arith.constant 640 : i32
    %mul3A_37 = arith.muli %arg1, %mul3A_36 : i32
    %add3A_38 = arith.constant 512 : i32
    %add3A_39 = arith.addi %mul3A_37, %add3A_38 : i32
    "tpu.region"() ({
      %run_scoped3A = tpu.sem_alloc : memref<!tpu.dma_semaphore, #tpu.memory_space<semaphore_mem>>
      %dma_start3A = arith.constant 0 : i32
      %dma_start3A_159 = tpu.memref_slice %arg14[%add3A_39, %dma_start3A] : memref<10240x128xf32, #tpu.memory_space<vmem_shared>> -> memref<64x128xf32, #tpu.memory_space<vmem_shared>>
      %dma_start3A_160 = arith.constant 0 : i32
      %dma_start3A_161 = tpu.memref_slice %arg14[%add3A_39, %dma_start3A_160] : memref<10240x128xf32, #tpu.memory_space<vmem_shared>> -> memref<64x128xf32, #tpu.memory_space<vmem_shared>>
      tpu.enqueue_dma source(%arg10 : memref<64x128xf32, #tpu.memory_space<vmem>>) target(%dma_start3A_161 : memref<64x128xf32, #tpu.memory_space<vmem_shared>>) target_semaphore(%run_scoped3A : memref<!tpu.dma_semaphore, #tpu.memory_space<semaphore_mem>>)
      %dma_wait3A = arith.constant 0 : i32
      %dma_wait3A_162 = tpu.memref_slice %arg14[%add3A_39, %dma_wait3A] : memref<10240x128xf32, #tpu.memory_space<vmem_shared>> -> memref<64x128xf32, #tpu.memory_space<vmem_shared>>
      %dma_wait3A_163 = arith.constant 0 : i32
      %dma_wait3A_164 = tpu.memref_slice %arg14[%add3A_39, %dma_wait3A_163] : memref<10240x128xf32, #tpu.memory_space<vmem_shared>> -> memref<64x128xf32, #tpu.memory_space<vmem_shared>>
      tpu.wait_dma2 semaphore(%run_scoped3A : memref<!tpu.dma_semaphore, #tpu.memory_space<semaphore_mem>>) src(%arg10 : memref<64x128xf32, #tpu.memory_space<vmem>>) dst(%dma_wait3A_164 : memref<64x128xf32, #tpu.memory_space<vmem_shared>>)
      tpu.yield
    }) : () -> ()
    %mul3A_40 = arith.constant 640 : i32
    %mul3A_41 = arith.muli %arg1, %mul3A_40 : i32
    %add3A_42 = arith.constant 576 : i32
    %add3A_43 = arith.addi %mul3A_41, %add3A_42 : i32
    "tpu.region"() ({
      %run_scoped3A = tpu.sem_alloc : memref<!tpu.dma_semaphore, #tpu.memory_space<semaphore_mem>>
      %dma_start3A = arith.constant 0 : i32
      %dma_start3A_159 = tpu.memref_slice %arg14[%add3A_43, %dma_start3A] : memref<10240x128xf32, #tpu.memory_space<vmem_shared>> -> memref<64x128xf32, #tpu.memory_space<vmem_shared>>
      %dma_start3A_160 = arith.constant 0 : i32
      %dma_start3A_161 = tpu.memref_slice %arg14[%add3A_43, %dma_start3A_160] : memref<10240x128xf32, #tpu.memory_space<vmem_shared>> -> memref<64x128xf32, #tpu.memory_space<vmem_shared>>
      tpu.enqueue_dma source(%arg10 : memref<64x128xf32, #tpu.memory_space<vmem>>) target(%dma_start3A_161 : memref<64x128xf32, #tpu.memory_space<vmem_shared>>) target_semaphore(%run_scoped3A : memref<!tpu.dma_semaphore, #tpu.memory_space<semaphore_mem>>)
      %dma_wait3A = arith.constant 0 : i32
      %dma_wait3A_162 = tpu.memref_slice %arg14[%add3A_43, %dma_wait3A] : memref<10240x128xf32, #tpu.memory_space<vmem_shared>> -> memref<64x128xf32, #tpu.memory_space<vmem_shared>>
      %dma_wait3A_163 = arith.constant 0 : i32
      %dma_wait3A_164 = tpu.memref_slice %arg14[%add3A_43, %dma_wait3A_163] : memref<10240x128xf32, #tpu.memory_space<vmem_shared>> -> memref<64x128xf32, #tpu.memory_space<vmem_shared>>
      tpu.wait_dma2 semaphore(%run_scoped3A : memref<!tpu.dma_semaphore, #tpu.memory_space<semaphore_mem>>) src(%arg10 : memref<64x128xf32, #tpu.memory_space<vmem>>) dst(%dma_wait3A_164 : memref<64x128xf32, #tpu.memory_space<vmem_shared>>)
      tpu.yield
    }) : () -> ()
    %add3A_44 = arith.constant 1.000000e+00 : f32
    %add3A_45 = vector.broadcast %add3A_44 : f32 to vector<16xf32>
    %add3A_46 = arith.addf %broadcast_in_dim3A_0, %add3A_45 : vector<16xf32>
    %swap3A = arith.constant 0 : index
    %swap3A_47 = tpu.vector_load %arg12[%swap3A] {strides = array<i32>} : memref<64xf32, #tpu.memory_space<vmem>>, vector<16xf32>,
    tpu.vector_store %arg12[%swap3A], %add3A_46 {strides = array<i32>} : memref<64xf32, #tpu.memory_space<vmem>>, vector<16xf32>,
    %add3A_48 = arith.constant 1.000000e+00 : f32
    %add3A_49 = vector.broadcast %add3A_48 : f32 to vector<16xf32>
    %add3A_50 = arith.addf %broadcast_in_dim3A_0, %add3A_49 : vector<16xf32>
    %swap3A_51 = arith.constant 16 : index
    %swap3A_52 = tpu.vector_load %arg12[%swap3A_51] {strides = array<i32>} : memref<64xf32, #tpu.memory_space<vmem>>, vector<16xf32>,
    tpu.vector_store %arg12[%swap3A_51], %add3A_50 {strides = array<i32>} : memref<64xf32, #tpu.memory_space<vmem>>, vector<16xf32>,
    %add3A_53 = arith.constant 1.000000e+00 : f32
    %add3A_54 = vector.broadcast %add3A_53 : f32 to vector<16xf32>
    %add3A_55 = arith.addf %broadcast_in_dim3A_0, %add3A_54 : vector<16xf32>
    %swap3A_56 = arith.constant 32 : index
    %swap3A_57 = tpu.vector_load %arg12[%swap3A_56] {strides = array<i32>} : memref<64xf32, #tpu.memory_space<vmem>>, vector<16xf32>,
    tpu.vector_store %arg12[%swap3A_56], %add3A_55 {strides = array<i32>} : memref<64xf32, #tpu.memory_space<vmem>>, vector<16xf32>,
    %add3A_58 = arith.constant 1.000000e+00 : f32
    %add3A_59 = vector.broadcast %add3A_58 : f32 to vector<16xf32>
    %add3A_60 = arith.addf %broadcast_in_dim3A_0, %add3A_59 : vector<16xf32>
    %swap3A_61 = arith.constant 48 : index
    %swap3A_62 = tpu.vector_load %arg12[%swap3A_61] {strides = array<i32>} : memref<64xf32, #tpu.memory_space<vmem>>, vector<16xf32>,
    tpu.vector_store %arg12[%swap3A_61], %add3A_60 {strides = array<i32>} : memref<64xf32, #tpu.memory_space<vmem>>, vector<16xf32>,
    %swap3A_63 = arith.constant 0 : index
    %swap3A_64 = tpu.vector_load %arg13[%swap3A_63] {strides = array<i32>} : memref<640xf32, #tpu.memory_space<vmem>>, vector<16xf32>,
    tpu.vector_store %arg13[%swap3A_63], %broadcast_in_dim3A_0 {strides = array<i32>} : memref<640xf32, #tpu.memory_space<vmem>>, vector<16xf32>,
    %swap3A_65 = arith.constant 16 : index
    %swap3A_66 = tpu.vector_load %arg13[%swap3A_65] {strides = array<i32>} : memref<640xf32, #tpu.memory_space<vmem>>, vector<16xf32>,
    tpu.vector_store %arg13[%swap3A_65], %broadcast_in_dim3A_0 {strides = array<i32>} : memref<640xf32, #tpu.memory_space<vmem>>, vector<16xf32>,
    %swap3A_67 = arith.constant 32 : index
    %swap3A_68 = tpu.vector_load %arg13[%swap3A_67] {strides = array<i32>} : memref<640xf32, #tpu.memory_space<vmem>>, vector<16xf32>,
    tpu.vector_store %arg13[%swap3A_67], %broadcast_in_dim3A_0 {strides = array<i32>} : memref<640xf32, #tpu.memory_space<vmem>>, vector<16xf32>,
    %swap3A_69 = arith.constant 48 : index
    %swap3A_70 = tpu.vector_load %arg13[%swap3A_69] {strides = array<i32>} : memref<640xf32, #tpu.memory_space<vmem>>, vector<16xf32>,
    tpu.vector_store %arg13[%swap3A_69], %broadcast_in_dim3A_0 {strides = array<i32>} : memref<640xf32, #tpu.memory_space<vmem>>, vector<16xf32>,
    %swap3A_71 = arith.constant 64 : index
    %swap3A_72 = tpu.vector_load %arg13[%swap3A_71] {strides = array<i32>} : memref<640xf32, #tpu.memory_space<vmem>>, vector<16xf32>,
    tpu.vector_store %arg13[%swap3A_71], %broadcast_in_dim3A_0 {strides = array<i32>} : memref<640xf32, #tpu.memory_space<vmem>>, vector<16xf32>,
    %swap3A_73 = arith.constant 80 : index
    %swap3A_74 = tpu.vector_load %arg13[%swap3A_73] {strides = array<i32>} : memref<640xf32, #tpu.memory_space<vmem>>, vector<16xf32>,
    tpu.vector_store %arg13[%swap3A_73], %broadcast_in_dim3A_0 {strides = array<i32>} : memref<640xf32, #tpu.memory_space<vmem>>, vector<16xf32>,
    %swap3A_75 = arith.constant 96 : index
    %swap3A_76 = tpu.vector_load %arg13[%swap3A_75] {strides = array<i32>} : memref<640xf32, #tpu.memory_space<vmem>>, vector<16xf32>,
    tpu.vector_store %arg13[%swap3A_75], %broadcast_in_dim3A_0 {strides = array<i32>} : memref<640xf32, #tpu.memory_space<vmem>>, vector<16xf32>,
    %swap3A_77 = arith.constant 112 : index
    %swap3A_78 = tpu.vector_load %arg13[%swap3A_77] {strides = array<i32>} : memref<640xf32, #tpu.memory_space<vmem>>, vector<16xf32>,
    tpu.vector_store %arg13[%swap3A_77], %broadcast_in_dim3A_0 {strides = array<i32>} : memref<640xf32, #tpu.memory_space<vmem>>, vector<16xf32>,
    %swap3A_79 = arith.constant 128 : index
    %swap3A_80 = tpu.vector_load %arg13[%swap3A_79] {strides = array<i32>} : memref<640xf32, #tpu.memory_space<vmem>>, vector<16xf32>,
    tpu.vector_store %arg13[%swap3A_79], %broadcast_in_dim3A_0 {strides = array<i32>} : memref<640xf32, #tpu.memory_space<vmem>>, vector<16xf32>,
    %swap3A_81 = arith.constant 144 : index
    %swap3A_82 = tpu.vector_load %arg13[%swap3A_81] {strides = array<i32>} : memref<640xf32, #tpu.memory_space<vmem>>, vector<16xf32>,
    tpu.vector_store %arg13[%swap3A_81], %broadcast_in_dim3A_0 {strides = array<i32>} : memref<640xf32, #tpu.memory_space<vmem>>, vector<16xf32>,
    %swap3A_83 = arith.constant 160 : index
    %swap3A_84 = tpu.vector_load %arg13[%swap3A_83] {strides = array<i32>} : memref<640xf32, #tpu.memory_space<vmem>>, vector<16xf32>,
    tpu.vector_store %arg13[%swap3A_83], %broadcast_in_dim3A_0 {strides = array<i32>} : memref<640xf32, #tpu.memory_space<vmem>>, vector<16xf32>,
    %swap3A_85 = arith.constant 176 : index
    %swap3A_86 = tpu.vector_load %arg13[%swap3A_85] {strides = array<i32>} : memref<640xf32, #tpu.memory_space<vmem>>, vector<16xf32>,
    tpu.vector_store %arg13[%swap3A_85], %broadcast_in_dim3A_0 {strides = array<i32>} : memref<640xf32, #tpu.memory_space<vmem>>, vector<16xf32>,
    %swap3A_87 = arith.constant 192 : index
    %swap3A_88 = tpu.vector_load %arg13[%swap3A_87] {strides = array<i32>} : memref<640xf32, #tpu.memory_space<vmem>>, vector<16xf32>,
    tpu.vector_store %arg13[%swap3A_87], %broadcast_in_dim3A_0 {strides = array<i32>} : memref<640xf32, #tpu.memory_space<vmem>>, vector<16xf32>,
    %swap3A_89 = arith.constant 208 : index
    %swap3A_90 = tpu.vector_load %arg13[%swap3A_89] {strides = array<i32>} : memref<640xf32, #tpu.memory_space<vmem>>, vector<16xf32>,
    tpu.vector_store %arg13[%swap3A_89], %broadcast_in_dim3A_0 {strides = array<i32>} : memref<640xf32, #tpu.memory_space<vmem>>, vector<16xf32>,
    %swap3A_91 = arith.constant 224 : index
    %swap3A_92 = tpu.vector_load %arg13[%swap3A_91] {strides = array<i32>} : memref<640xf32, #tpu.memory_space<vmem>>, vector<16xf32>,
    tpu.vector_store %arg13[%swap3A_91], %broadcast_in_dim3A_0 {strides = array<i32>} : memref<640xf32, #tpu.memory_space<vmem>>, vector<16xf32>,
    %swap3A_93 = arith.constant 240 : index
    %swap3A_94 = tpu.vector_load %arg13[%swap3A_93] {strides = array<i32>} : memref<640xf32, #tpu.memory_space<vmem>>, vector<16xf32>,
    tpu.vector_store %arg13[%swap3A_93], %broadcast_in_dim3A_0 {strides = array<i32>} : memref<640xf32, #tpu.memory_space<vmem>>, vector<16xf32>,
    %swap3A_95 = arith.constant 256 : index
    %swap3A_96 = tpu.vector_load %arg13[%swap3A_95] {strides = array<i32>} : memref<640xf32, #tpu.memory_space<vmem>>, vector<16xf32>,
    tpu.vector_store %arg13[%swap3A_95], %broadcast_in_dim3A_0 {strides = array<i32>} : memref<640xf32, #tpu.memory_space<vmem>>, vector<16xf32>,
    %swap3A_97 = arith.constant 272 : index
    %swap3A_98 = tpu.vector_load %arg13[%swap3A_97] {strides = array<i32>} : memref<640xf32, #tpu.memory_space<vmem>>, vector<16xf32>,
    tpu.vector_store %arg13[%swap3A_97], %broadcast_in_dim3A_0 {strides = array<i32>} : memref<640xf32, #tpu.memory_space<vmem>>, vector<16xf32>,
    %swap3A_99 = arith.constant 288 : index
    %swap3A_100 = tpu.vector_load %arg13[%swap3A_99] {strides = array<i32>} : memref<640xf32, #tpu.memory_space<vmem>>, vector<16xf32>,
    tpu.vector_store %arg13[%swap3A_99], %broadcast_in_dim3A_0 {strides = array<i32>} : memref<640xf32, #tpu.memory_space<vmem>>, vector<16xf32>,
    %swap3A_101 = arith.constant 304 : index
    %swap3A_102 = tpu.vector_load %arg13[%swap3A_101] {strides = array<i32>} : memref<640xf32, #tpu.memory_space<vmem>>, vector<16xf32>,
    tpu.vector_store %arg13[%swap3A_101], %broadcast_in_dim3A_0 {strides = array<i32>} : memref<640xf32, #tpu.memory_space<vmem>>, vector<16xf32>,
    %swap3A_103 = arith.constant 320 : index
    %swap3A_104 = tpu.vector_load %arg13[%swap3A_103] {strides = array<i32>} : memref<640xf32, #tpu.memory_space<vmem>>, vector<16xf32>,
    tpu.vector_store %arg13[%swap3A_103], %broadcast_in_dim3A_0 {strides = array<i32>} : memref<640xf32, #tpu.memory_space<vmem>>, vector<16xf32>,
    %swap3A_105 = arith.constant 336 : index
    %swap3A_106 = tpu.vector_load %arg13[%swap3A_105] {strides = array<i32>} : memref<640xf32, #tpu.memory_space<vmem>>, vector<16xf32>,
    tpu.vector_store %arg13[%swap3A_105], %broadcast_in_dim3A_0 {strides = array<i32>} : memref<640xf32, #tpu.memory_space<vmem>>, vector<16xf32>,
    %swap3A_107 = arith.constant 352 : index
    %swap3A_108 = tpu.vector_load %arg13[%swap3A_107] {strides = array<i32>} : memref<640xf32, #tpu.memory_space<vmem>>, vector<16xf32>,
    tpu.vector_store %arg13[%swap3A_107], %broadcast_in_dim3A_0 {strides = array<i32>} : memref<640xf32, #tpu.memory_space<vmem>>, vector<16xf32>,
    %swap3A_109 = arith.constant 368 : index
    %swap3A_110 = tpu.vector_load %arg13[%swap3A_109] {strides = array<i32>} : memref<640xf32, #tpu.memory_space<vmem>>, vector<16xf32>,
    tpu.vector_store %arg13[%swap3A_109], %broadcast_in_dim3A_0 {strides = array<i32>} : memref<640xf32, #tpu.memory_space<vmem>>, vector<16xf32>,
    %swap3A_111 = arith.constant 384 : index
    %swap3A_112 = tpu.vector_load %arg13[%swap3A_111] {strides = array<i32>} : memref<640xf32, #tpu.memory_space<vmem>>, vector<16xf32>,
    tpu.vector_store %arg13[%swap3A_111], %broadcast_in_dim3A_0 {strides = array<i32>} : memref<640xf32, #tpu.memory_space<vmem>>, vector<16xf32>,
    %swap3A_113 = arith.constant 400 : index
    %swap3A_114 = tpu.vector_load %arg13[%swap3A_113] {strides = array<i32>} : memref<640xf32, #tpu.memory_space<vmem>>, vector<16xf32>,
    tpu.vector_store %arg13[%swap3A_113], %broadcast_in_dim3A_0 {strides = array<i32>} : memref<640xf32, #tpu.memory_space<vmem>>, vector<16xf32>,
    %swap3A_115 = arith.constant 416 : index
    %swap3A_116 = tpu.vector_load %arg13[%swap3A_115] {strides = array<i32>} : memref<640xf32, #tpu.memory_space<vmem>>, vector<16xf32>,
    tpu.vector_store %arg13[%swap3A_115], %broadcast_in_dim3A_0 {strides = array<i32>} : memref<640xf32, #tpu.memory_space<vmem>>, vector<16xf32>,
    %swap3A_117 = arith.constant 432 : index
    %swap3A_118 = tpu.vector_load %arg13[%swap3A_117] {strides = array<i32>} : memref<640xf32, #tpu.memory_space<vmem>>, vector<16xf32>,
    tpu.vector_store %arg13[%swap3A_117], %broadcast_in_dim3A_0 {strides = array<i32>} : memref<640xf32, #tpu.memory_space<vmem>>, vector<16xf32>,
    %swap3A_119 = arith.constant 448 : index
    %swap3A_120 = tpu.vector_load %arg13[%swap3A_119] {strides = array<i32>} : memref<640xf32, #tpu.memory_space<vmem>>, vector<16xf32>,
    tpu.vector_store %arg13[%swap3A_119], %broadcast_in_dim3A_0 {strides = array<i32>} : memref<640xf32, #tpu.memory_space<vmem>>, vector<16xf32>,
    %swap3A_121 = arith.constant 464 : index
    %swap3A_122 = tpu.vector_load %arg13[%swap3A_121] {strides = array<i32>} : memref<640xf32, #tpu.memory_space<vmem>>, vector<16xf32>,
    tpu.vector_store %arg13[%swap3A_121], %broadcast_in_dim3A_0 {strides = array<i32>} : memref<640xf32, #tpu.memory_space<vmem>>, vector<16xf32>,
    %swap3A_123 = arith.constant 480 : index
    %swap3A_124 = tpu.vector_load %arg13[%swap3A_123] {strides = array<i32>} : memref<640xf32, #tpu.memory_space<vmem>>, vector<16xf32>,
    tpu.vector_store %arg13[%swap3A_123], %broadcast_in_dim3A_0 {strides = array<i32>} : memref<640xf32, #tpu.memory_space<vmem>>, vector<16xf32>,
    %swap3A_125 = arith.constant 496 : index
    %swap3A_126 = tpu.vector_load %arg13[%swap3A_125] {strides = array<i32>} : memref<640xf32, #tpu.memory_space<vmem>>, vector<16xf32>,
    tpu.vector_store %arg13[%swap3A_125], %broadcast_in_dim3A_0 {strides = array<i32>} : memref<640xf32, #tpu.memory_space<vmem>>, vector<16xf32>,
    %swap3A_127 = arith.constant 512 : index
    %swap3A_128 = tpu.vector_load %arg13[%swap3A_127] {strides = array<i32>} : memref<640xf32, #tpu.memory_space<vmem>>, vector<16xf32>,
    tpu.vector_store %arg13[%swap3A_127], %broadcast_in_dim3A_0 {strides = array<i32>} : memref<640xf32, #tpu.memory_space<vmem>>, vector<16xf32>,
    %swap3A_129 = arith.constant 528 : index
    %swap3A_130 = tpu.vector_load %arg13[%swap3A_129] {strides = array<i32>} : memref<640xf32, #tpu.memory_space<vmem>>, vector<16xf32>,
    tpu.vector_store %arg13[%swap3A_129], %broadcast_in_dim3A_0 {strides = array<i32>} : memref<640xf32, #tpu.memory_space<vmem>>, vector<16xf32>,
    %swap3A_131 = arith.constant 544 : index
    %swap3A_132 = tpu.vector_load %arg13[%swap3A_131] {strides = array<i32>} : memref<640xf32, #tpu.memory_space<vmem>>, vector<16xf32>,
    tpu.vector_store %arg13[%swap3A_131], %broadcast_in_dim3A_0 {strides = array<i32>} : memref<640xf32, #tpu.memory_space<vmem>>, vector<16xf32>,
    %swap3A_133 = arith.constant 560 : index
    %swap3A_134 = tpu.vector_load %arg13[%swap3A_133] {strides = array<i32>} : memref<640xf32, #tpu.memory_space<vmem>>, vector<16xf32>,
    tpu.vector_store %arg13[%swap3A_133], %broadcast_in_dim3A_0 {strides = array<i32>} : memref<640xf32, #tpu.memory_space<vmem>>, vector<16xf32>,
    %swap3A_135 = arith.constant 576 : index
    %swap3A_136 = tpu.vector_load %arg13[%swap3A_135] {strides = array<i32>} : memref<640xf32, #tpu.memory_space<vmem>>, vector<16xf32>,
    tpu.vector_store %arg13[%swap3A_135], %broadcast_in_dim3A_0 {strides = array<i32>} : memref<640xf32, #tpu.memory_space<vmem>>, vector<16xf32>,
    %swap3A_137 = arith.constant 592 : index
    %swap3A_138 = tpu.vector_load %arg13[%swap3A_137] {strides = array<i32>} : memref<640xf32, #tpu.memory_space<vmem>>, vector<16xf32>,
    tpu.vector_store %arg13[%swap3A_137], %broadcast_in_dim3A_0 {strides = array<i32>} : memref<640xf32, #tpu.memory_space<vmem>>, vector<16xf32>,
    %swap3A_139 = arith.constant 608 : index
    %swap3A_140 = tpu.vector_load %arg13[%swap3A_139] {strides = array<i32>} : memref<640xf32, #tpu.memory_space<vmem>>, vector<16xf32>,
    tpu.vector_store %arg13[%swap3A_139], %broadcast_in_dim3A_0 {strides = array<i32>} : memref<640xf32, #tpu.memory_space<vmem>>, vector<16xf32>,
    %swap3A_141 = arith.constant 624 : index
    %swap3A_142 = tpu.vector_load %arg13[%swap3A_141] {strides = array<i32>} : memref<640xf32, #tpu.memory_space<vmem>>, vector<16xf32>,
    tpu.vector_store %arg13[%swap3A_141], %broadcast_in_dim3A_0 {strides = array<i32>} : memref<640xf32, #tpu.memory_space<vmem>>, vector<16xf32>,
    %mul3A_143 = arith.constant 640 : i32
    %mul3A_144 = arith.muli %arg1, %mul3A_143 : i32
    "tpu.region"() ({
      %run_scoped3A = tpu.sem_alloc : memref<!tpu.dma_semaphore, #tpu.memory_space<semaphore_mem>>
      %dma_start3A = tpu.memref_slice %arg15[%mul3A_144] : memref<10240xf32, #tpu.memory_space<vmem_shared>> -> memref<640xf32, #tpu.memory_space<vmem_shared>>
      %dma_start3A_159 = tpu.memref_slice %arg15[%mul3A_144] : memref<10240xf32, #tpu.memory_space<vmem_shared>> -> memref<640xf32, #tpu.memory_space<vmem_shared>>
      tpu.enqueue_dma source(%arg13 : memref<640xf32, #tpu.memory_space<vmem>>) target(%dma_start3A_159 : memref<640xf32, #tpu.memory_space<vmem_shared>>) target_semaphore(%run_scoped3A : memref<!tpu.dma_semaphore, #tpu.memory_space<semaphore_mem>>)
      %dma_wait3A = tpu.memref_slice %arg15[%mul3A_144] : memref<10240xf32, #tpu.memory_space<vmem_shared>> -> memref<640xf32, #tpu.memory_space<vmem_shared>>
      %dma_wait3A_160 = tpu.memref_slice %arg15[%mul3A_144] : memref<10240xf32, #tpu.memory_space<vmem_shared>> -> memref<640xf32, #tpu.memory_space<vmem_shared>>
      tpu.wait_dma2 semaphore(%run_scoped3A : memref<!tpu.dma_semaphore, #tpu.memory_space<semaphore_mem>>) src(%arg13 : memref<640xf32, #tpu.memory_space<vmem>>) dst(%dma_wait3A_160 : memref<640xf32, #tpu.memory_space<vmem_shared>>)
      tpu.yield
    }) : () -> ()
    %barrier3A = arith.constant 0 : index
    tpu.barrier barrier_id(%barrier3A)
    %scan3A_145 = arith.constant 0 : i32
    %scan3A_146 = arith.constant 0 : i32
    %scan3A_147 = arith.constant 4 : i32
    %scan3A_148 = arith.addi %scan3A_146, %scan3A_147 : i32
    %scan3A_149 = arith.constant 1 : i32
    scf.for %scan3A_159 = %scan3A_146 to %scan3A_148 step %scan3A_149  : i32 {
      %mul3A_160 = arith.constant 16 : i32
      %mul3A_161 = arith.muli %scan3A_159, %mul3A_160 : i32
      %add3A_162 = arith.addi %arg1, %mul3A_161 : i32
      %lt3A = arith.constant 50 : i32
      %lt3A_163 = arith.cmpi slt, %add3A_162, %lt3A : i32
      %convert_element_type3A_164 = arith.extui %lt3A_163 : i1 to i32
      %cond3A_165 = arith.constant 0 : i32
      %cond3A_166 = arith.cmpi ne, %convert_element_type3A_164, %cond3A_165 : i32
      scf.if %cond3A_166 {
        %mul3A_167 = arith.constant 6400 : i32
        %mul3A_168 = arith.muli %add3A_162, %mul3A_167 : i32
        "tpu.region"() ({
          %run_scoped3A = tpu.sem_alloc : memref<!tpu.dma_semaphore, #tpu.memory_space<semaphore_mem>>
          %dma_start3A = tpu.memref_slice %arg3[%mul3A_168] : memref<320000xi32, #tpu.memory_space<hbm>> -> memref<6400xi32, #tpu.memory_space<hbm>>
          %dma_start3A_177 = tpu.memref_slice %arg3[%mul3A_168] : memref<320000xi32, #tpu.memory_space<hbm>> -> memref<6400xi32, #tpu.memory_space<hbm>>
          tpu.enqueue_dma source(%dma_start3A_177 : memref<6400xi32, #tpu.memory_space<hbm>>) target(%arg8 : memref<6400xi32, #tpu.memory_space<vmem>>) target_semaphore(%run_scoped3A : memref<!tpu.dma_semaphore, #tpu.memory_space<semaphore_mem>>)
          %dma_wait3A = tpu.memref_slice %arg3[%mul3A_168] : memref<320000xi32, #tpu.memory_space<hbm>> -> memref<6400xi32, #tpu.memory_space<hbm>>
          %dma_wait3A_178 = tpu.memref_slice %arg3[%mul3A_168] : memref<320000xi32, #tpu.memory_space<hbm>> -> memref<6400xi32, #tpu.memory_space<hbm>>
          tpu.wait_dma2 semaphore(%run_scoped3A : memref<!tpu.dma_semaphore, #tpu.memory_space<semaphore_mem>>) src(%dma_wait3A_178 : memref<6400xi32, #tpu.memory_space<hbm>>) dst(%arg8 : memref<6400xi32, #tpu.memory_space<vmem>>)
          tpu.yield
        }) : () -> ()
        %mul3A_169 = arith.constant 6400 : i32
        %mul3A_170 = arith.muli %add3A_162, %mul3A_169 : i32
        "tpu.region"() ({
          %run_scoped3A = tpu.sem_alloc : memref<!tpu.dma_semaphore, #tpu.memory_space<semaphore_mem>>
          %dma_start3A = tpu.memref_slice %arg4[%mul3A_170] : memref<320000xi32, #tpu.memory_space<hbm>> -> memref<6400xi32, #tpu.memory_space<hbm>>
          %dma_start3A_177 = tpu.memref_slice %arg4[%mul3A_170] : memref<320000xi32, #tpu.memory_space<hbm>> -> memref<6400xi32, #tpu.memory_space<hbm>>
          tpu.enqueue_dma source(%dma_start3A_177 : memref<6400xi32, #tpu.memory_space<hbm>>) target(%arg9 : memref<6400xi32, #tpu.memory_space<vmem>>) target_semaphore(%run_scoped3A : memref<!tpu.dma_semaphore, #tpu.memory_space<semaphore_mem>>)
          %dma_wait3A = tpu.memref_slice %arg4[%mul3A_170] : memref<320000xi32, #tpu.memory_space<hbm>> -> memref<6400xi32, #tpu.memory_space<hbm>>
          %dma_wait3A_178 = tpu.memref_slice %arg4[%mul3A_170] : memref<320000xi32, #tpu.memory_space<hbm>> -> memref<6400xi32, #tpu.memory_space<hbm>>
          tpu.wait_dma2 semaphore(%run_scoped3A : memref<!tpu.dma_semaphore, #tpu.memory_space<semaphore_mem>>) src(%dma_wait3A_178 : memref<6400xi32, #tpu.memory_space<hbm>>) dst(%arg9 : memref<6400xi32, #tpu.memory_space<vmem>>)
          tpu.yield
        }) : () -> ()
        %scan3A_171 = arith.constant 0 : i32
        %scan3A_172 = arith.constant 0 : i32
        %scan3A_173 = arith.constant 100 : i32
        %scan3A_174 = arith.addi %scan3A_172, %scan3A_173 : i32
        %scan3A_175 = arith.constant 1 : i32
        scf.for %scan3A_177 = %scan3A_172 to %scan3A_174 step %scan3A_175  : i32 {
          %mul3A_178 = arith.constant 64 : i32
          %mul3A_179 = arith.muli %scan3A_177, %mul3A_178 : i32
          %dma_start3A = tpu.memref_slice %arg9[%mul3A_179] : memref<6400xi32, #tpu.memory_space<vmem>> -> memref<64xi32, #tpu.memory_space<vmem>>
          %dma_start3A_180 = arith.constant 0 : i32
          %dma_start3A_181 = arith.constant 0 : i32
          %dma_start3A_182 = tpu.memref_slice %arg2[%dma_start3A_180, %dma_start3A_181] : memref<10000x128xf32, #tpu.memory_space<hbm>> -> memref<10000x128xf32, #tpu.memory_space<hbm>>
          tpu.enqueue_indirect_dma source(%dma_start3A_182 : memref<10000x128xf32, #tpu.memory_space<hbm>>) target(%arg10 : memref<64x128xf32, #tpu.memory_space<vmem>>) offsets(%dma_start3A : memref<64xi32, #tpu.memory_space<vmem>>) semaphore(%arg16 : memref<!tpu.dma_semaphore, #tpu.memory_space<semaphore_mem>>)
          %dma_wait3A = tpu.memref_slice %arg9[%mul3A_179] : memref<6400xi32, #tpu.memory_space<vmem>> -> memref<64xi32, #tpu.memory_space<vmem>>
          %dma_wait3A_183 = arith.constant 0 : i32
          %dma_wait3A_184 = arith.constant 0 : i32
          %dma_wait3A_185 = tpu.memref_slice %arg2[%dma_wait3A_183, %dma_wait3A_184] : memref<10000x128xf32, #tpu.memory_space<hbm>> -> memref<10000x128xf32, #tpu.memory_space<hbm>>
          tpu.wait_indirect_dma semaphore(%arg16 : memref<!tpu.dma_semaphore, #tpu.memory_space<semaphore_mem>>) src(%dma_wait3A_185 : memref<10000x128xf32, #tpu.memory_space<hbm>>) dst(%arg10 : memref<64x128xf32, #tpu.memory_space<vmem>>)
          %add3A_186 = arith.constant 0 : i32
          %add3A_187 = arith.addi %mul3A_179, %add3A_186 : i32
          %get3A = arith.index_cast %add3A_187 : i32 to index
          %get3A_188 = tpu.vector_load %arg8[%get3A] {strides = array<i32>} : memref<6400xi32, #tpu.memory_space<vmem>>, vector<16xi32>,
          %swap3A_189 = arith.constant 0 : i32
          %swap3A_190 = arith.index_cast %swap3A_189 : i32 to index
          %swap3A_191 = arith.constant 0 : index
          %swap3A_192 = tpu.vector_load %arg11[%swap3A_190, %swap3A_191] {strides = array<i32>} : memref<1x64xi32, #tpu.memory_space<vmem>>, vector<16xi32>,
          tpu.vector_store %arg11[%swap3A_190, %swap3A_191], %get3A_188 {strides = array<i32>} : memref<1x64xi32, #tpu.memory_space<vmem>>, vector<16xi32>,
          %add3A_193 = arith.constant 16 : i32
          %add3A_194 = arith.addi %mul3A_179, %add3A_193 : i32
          %get3A_195 = arith.index_cast %add3A_194 : i32 to index
          %get3A_196 = tpu.vector_load %arg8[%get3A_195] {strides = array<i32>} : memref<6400xi32, #tpu.memory_space<vmem>>, vector<16xi32>,
          %swap3A_197 = arith.constant 0 : i32
          %swap3A_198 = arith.index_cast %swap3A_197 : i32 to index
          %swap3A_199 = arith.constant 16 : index
          %swap3A_200 = tpu.vector_load %arg11[%swap3A_198, %swap3A_199] {strides = array<i32>} : memref<1x64xi32, #tpu.memory_space<vmem>>, vector<16xi32>,
          tpu.vector_store %arg11[%swap3A_198, %swap3A_199], %get3A_196 {strides = array<i32>} : memref<1x64xi32, #tpu.memory_space<vmem>>, vector<16xi32>,
          %add3A_201 = arith.constant 32 : i32
          %add3A_202 = arith.addi %mul3A_179, %add3A_201 : i32
          %get3A_203 = arith.index_cast %add3A_202 : i32 to index
          %get3A_204 = tpu.vector_load %arg8[%get3A_203] {strides = array<i32>} : memref<6400xi32, #tpu.memory_space<vmem>>, vector<16xi32>,
          %swap3A_205 = arith.constant 0 : i32
          %swap3A_206 = arith.index_cast %swap3A_205 : i32 to index
          %swap3A_207 = arith.constant 32 : index
          %swap3A_208 = tpu.vector_load %arg11[%swap3A_206, %swap3A_207] {strides = array<i32>} : memref<1x64xi32, #tpu.memory_space<vmem>>, vector<16xi32>,
          tpu.vector_store %arg11[%swap3A_206, %swap3A_207], %get3A_204 {strides = array<i32>} : memref<1x64xi32, #tpu.memory_space<vmem>>, vector<16xi32>,
          %add3A_209 = arith.constant 48 : i32
          %add3A_210 = arith.addi %mul3A_179, %add3A_209 : i32
          %get3A_211 = arith.index_cast %add3A_210 : i32 to index
          %get3A_212 = tpu.vector_load %arg8[%get3A_211] {strides = array<i32>} : memref<6400xi32, #tpu.memory_space<vmem>>, vector<16xi32>,
          %swap3A_213 = arith.constant 0 : i32
          %swap3A_214 = arith.index_cast %swap3A_213 : i32 to index
          %swap3A_215 = arith.constant 48 : index
          %swap3A_216 = tpu.vector_load %arg11[%swap3A_214, %swap3A_215] {strides = array<i32>} : memref<1x64xi32, #tpu.memory_space<vmem>>, vector<16xi32>,
          tpu.vector_store %arg11[%swap3A_214, %swap3A_215], %get3A_212 {strides = array<i32>} : memref<1x64xi32, #tpu.memory_space<vmem>>, vector<16xi32>,
          %eq3A_217 = arith.constant 1 : i32
          %eq3A_218 = arith.cmpi eq, %arg0, %eq3A_217 : i32
          %convert_element_type3A_219 = arith.extui %eq3A_218 : i1 to i32
          %cond3A_220 = arith.constant 0 : i32
          %cond3A_221 = arith.cmpi ne, %convert_element_type3A_219, %cond3A_220 : i32
          scf.if %cond3A_221 {
            %scan3A_227 = arith.constant 0 : i32
            %scan3A_228 = arith.constant 0 : i32
            %scan3A_229 = arith.constant 64 : i32
            %scan3A_230 = arith.addi %scan3A_228, %scan3A_229 : i32
            %scan3A_231 = arith.constant 1 : i32
            scf.for %scan3A_233 = %scan3A_228 to %scan3A_230 step %scan3A_231  : i32 {
              %get3A_234 = arith.index_cast %scan3A_233 : i32 to index
              %get3A_235 = arith.constant 0 : index
              %get3A_236 = tpu.vector_load %arg10[%get3A_234, %get3A_235] {strides = array<i32>} : memref<64x128xf32, #tpu.memory_space<vmem>>, vector<16xf32>,
              %mul3A_237 = arith.mulf %get3A_236, %get3A_236 : vector<16xf32>
              %swap3A_238 = arith.index_cast %scan3A_233 : i32 to index
              %swap3A_239 = arith.constant 0 : index
              %swap3A_240 = tpu.vector_load %arg10[%swap3A_238, %swap3A_239] {strides = array<i32>} : memref<64x128xf32, #tpu.memory_space<vmem>>, vector<16xf32>,
              tpu.vector_store %arg10[%swap3A_238, %swap3A_239], %mul3A_237 {strides = array<i32>} : memref<64x128xf32, #tpu.memory_space<vmem>>, vector<16xf32>,
              %get3A_241 = arith.index_cast %scan3A_233 : i32 to index
              %get3A_242 = arith.constant 16 : index
              %get3A_243 = tpu.vector_load %arg10[%get3A_241, %get3A_242] {strides = array<i32>} : memref<64x128xf32, #tpu.memory_space<vmem>>, vector<16xf32>,
              %mul3A_244 = arith.mulf %get3A_243, %get3A_243 : vector<16xf32>
              %swap3A_245 = arith.index_cast %scan3A_233 : i32 to index
              %swap3A_246 = arith.constant 16 : index
              %swap3A_247 = tpu.vector_load %arg10[%swap3A_245, %swap3A_246] {strides = array<i32>} : memref<64x128xf32, #tpu.memory_space<vmem>>, vector<16xf32>,
              tpu.vector_store %arg10[%swap3A_245, %swap3A_246], %mul3A_244 {strides = array<i32>} : memref<64x128xf32, #tpu.memory_space<vmem>>, vector<16xf32>,
              %get3A_248 = arith.index_cast %scan3A_233 : i32 to index
              %get3A_249 = arith.constant 32 : index
              %get3A_250 = tpu.vector_load %arg10[%get3A_248, %get3A_249] {strides = array<i32>} : memref<64x128xf32, #tpu.memory_space<vmem>>, vector<16xf32>,
              %mul3A_251 = arith.mulf %get3A_250, %get3A_250 : vector<16xf32>
              %swap3A_252 = arith.index_cast %scan3A_233 : i32 to index
              %swap3A_253 = arith.constant 32 : index
              %swap3A_254 = tpu.vector_load %arg10[%swap3A_252, %swap3A_253] {strides = array<i32>} : memref<64x128xf32, #tpu.memory_space<vmem>>, vector<16xf32>,
              tpu.vector_store %arg10[%swap3A_252, %swap3A_253], %mul3A_251 {strides = array<i32>} : memref<64x128xf32, #tpu.memory_space<vmem>>, vector<16xf32>,
              %get3A_255 = arith.index_cast %scan3A_233 : i32 to index
              %get3A_256 = arith.constant 48 : index
              %get3A_257 = tpu.vector_load %arg10[%get3A_255, %get3A_256] {strides = array<i32>} : memref<64x128xf32, #tpu.memory_space<vmem>>, vector<16xf32>,
              %mul3A_258 = arith.mulf %get3A_257, %get3A_257 : vector<16xf32>
              %swap3A_259 = arith.index_cast %scan3A_233 : i32 to index
              %swap3A_260 = arith.constant 48 : index
              %swap3A_261 = tpu.vector_load %arg10[%swap3A_259, %swap3A_260] {strides = array<i32>} : memref<64x128xf32, #tpu.memory_space<vmem>>, vector<16xf32>,
              tpu.vector_store %arg10[%swap3A_259, %swap3A_260], %mul3A_258 {strides = array<i32>} : memref<64x128xf32, #tpu.memory_space<vmem>>, vector<16xf32>,
              %get3A_262 = arith.index_cast %scan3A_233 : i32 to index
              %get3A_263 = arith.constant 64 : index
              %get3A_264 = tpu.vector_load %arg10[%get3A_262, %get3A_263] {strides = array<i32>} : memref<64x128xf32, #tpu.memory_space<vmem>>, vector<16xf32>,
              %mul3A_265 = arith.mulf %get3A_264, %get3A_264 : vector<16xf32>
              %swap3A_266 = arith.index_cast %scan3A_233 : i32 to index
              %swap3A_267 = arith.constant 64 : index
              %swap3A_268 = tpu.vector_load %arg10[%swap3A_266, %swap3A_267] {strides = array<i32>} : memref<64x128xf32, #tpu.memory_space<vmem>>, vector<16xf32>,
              tpu.vector_store %arg10[%swap3A_266, %swap3A_267], %mul3A_265 {strides = array<i32>} : memref<64x128xf32, #tpu.memory_space<vmem>>, vector<16xf32>,
              %get3A_269 = arith.index_cast %scan3A_233 : i32 to index
              %get3A_270 = arith.constant 80 : index
              %get3A_271 = tpu.vector_load %arg10[%get3A_269, %get3A_270] {strides = array<i32>} : memref<64x128xf32, #tpu.memory_space<vmem>>, vector<16xf32>,
              %mul3A_272 = arith.mulf %get3A_271, %get3A_271 : vector<16xf32>
              %swap3A_273 = arith.index_cast %scan3A_233 : i32 to index
              %swap3A_274 = arith.constant 80 : index
              %swap3A_275 = tpu.vector_load %arg10[%swap3A_273, %swap3A_274] {strides = array<i32>} : memref<64x128xf32, #tpu.memory_space<vmem>>, vector<16xf32>,
              tpu.vector_store %arg10[%swap3A_273, %swap3A_274], %mul3A_272 {strides = array<i32>} : memref<64x128xf32, #tpu.memory_space<vmem>>, vector<16xf32>,
              %get3A_276 = arith.index_cast %scan3A_233 : i32 to index
              %get3A_277 = arith.constant 96 : index
              %get3A_278 = tpu.vector_load %arg10[%get3A_276, %get3A_277] {strides = array<i32>} : memref<64x128xf32, #tpu.memory_space<vmem>>, vector<16xf32>,
              %mul3A_279 = arith.mulf %get3A_278, %get3A_278 : vector<16xf32>
              %swap3A_280 = arith.index_cast %scan3A_233 : i32 to index
              %swap3A_281 = arith.constant 96 : index
              %swap3A_282 = tpu.vector_load %arg10[%swap3A_280, %swap3A_281] {strides = array<i32>} : memref<64x128xf32, #tpu.memory_space<vmem>>, vector<16xf32>,
              tpu.vector_store %arg10[%swap3A_280, %swap3A_281], %mul3A_279 {strides = array<i32>} : memref<64x128xf32, #tpu.memory_space<vmem>>, vector<16xf32>,
              %get3A_283 = arith.index_cast %scan3A_233 : i32 to index
              %get3A_284 = arith.constant 112 : index
              %get3A_285 = tpu.vector_load %arg10[%get3A_283, %get3A_284] {strides = array<i32>} : memref<64x128xf32, #tpu.memory_space<vmem>>, vector<16xf32>,
              %mul3A_286 = arith.mulf %get3A_285, %get3A_285 : vector<16xf32>
              %swap3A_287 = arith.index_cast %scan3A_233 : i32 to index
              %swap3A_288 = arith.constant 112 : index
              %swap3A_289 = tpu.vector_load %arg10[%swap3A_287, %swap3A_288] {strides = array<i32>} : memref<64x128xf32, #tpu.memory_space<vmem>>, vector<16xf32>,
              tpu.vector_store %arg10[%swap3A_287, %swap3A_288], %mul3A_286 {strides = array<i32>} : memref<64x128xf32, #tpu.memory_space<vmem>>, vector<16xf32>,
            }
            %scan3A_232 = arith.constant 64 : i32
          } else {
          }
          %run_scoped3A = arith.constant 0 : i32
          "tpu.region"() ({
            %run_scoped3A_227 = tpu.sem_alloc : memref<!tpu.dma_semaphore, #tpu.memory_space<semaphore_mem>>
            %dma_start3A_228 = arith.constant 0 : i32
            %dma_start3A_229 = tpu.memref_slice %arg11[%run_scoped3A, %dma_start3A_228] : memref<1x64xi32, #tpu.memory_space<vmem>> -> memref<1x64xi32, #tpu.memory_space<vmem>>
            %dma_start3A_230 = tpu.memref_squeeze %dma_start3A_229 : memref<1x64xi32, #tpu.memory_space<vmem>> -> memref<64xi32, #tpu.memory_space<vmem>>
            %dma_start3A_231 = arith.constant 0 : i32
            %dma_start3A_232 = arith.constant 0 : i32
            %dma_start3A_233 = tpu.memref_slice %arg14[%dma_start3A_231, %dma_start3A_232] : memref<10240x128xf32, #tpu.memory_space<vmem_shared>> -> memref<10240x128xf32, #tpu.memory_space<vmem_shared>>
            tpu.enqueue_indirect_dma source(%arg10 : memref<64x128xf32, #tpu.memory_space<vmem>>) target(%dma_start3A_233 : memref<10240x128xf32, #tpu.memory_space<vmem_shared>>) offsets(%dma_start3A_230 : memref<64xi32, #tpu.memory_space<vmem>>) semaphore(%run_scoped3A_227 : memref<!tpu.dma_semaphore, #tpu.memory_space<semaphore_mem>>) {add = true}
            %dma_wait3A_234 = arith.constant 0 : i32
            %dma_wait3A_235 = tpu.memref_slice %arg11[%run_scoped3A, %dma_wait3A_234] : memref<1x64xi32, #tpu.memory_space<vmem>> -> memref<1x64xi32, #tpu.memory_space<vmem>>
            %dma_wait3A_236 = tpu.memref_squeeze %dma_wait3A_235 : memref<1x64xi32, #tpu.memory_space<vmem>> -> memref<64xi32, #tpu.memory_space<vmem>>
            %dma_wait3A_237 = arith.constant 0 : i32
            %dma_wait3A_238 = arith.constant 0 : i32
            %dma_wait3A_239 = tpu.memref_slice %arg14[%dma_wait3A_237, %dma_wait3A_238] : memref<10240x128xf32, #tpu.memory_space<vmem_shared>> -> memref<10240x128xf32, #tpu.memory_space<vmem_shared>>
            tpu.wait_indirect_dma semaphore(%run_scoped3A_227 : memref<!tpu.dma_semaphore, #tpu.memory_space<semaphore_mem>>) src(%arg10 : memref<64x128xf32, #tpu.memory_space<vmem>>) dst(%dma_wait3A_239 : memref<10240x128xf32, #tpu.memory_space<vmem_shared>>)
            tpu.yield
          }) : () -> ()
          %eq3A_222 = arith.constant 0 : i32
          %eq3A_223 = arith.cmpi eq, %arg0, %eq3A_222 : i32
          %convert_element_type3A_224 = arith.extui %eq3A_223 : i1 to i32
          %cond3A_225 = arith.constant 0 : i32
          %cond3A_226 = arith.cmpi ne, %convert_element_type3A_224, %cond3A_225 : i32
          scf.if %cond3A_226 {
            %run_scoped3A_227 = arith.constant 0 : i32
            "tpu.region"() ({
              %run_scoped3A_228 = tpu.sem_alloc : memref<!tpu.dma_semaphore, #tpu.memory_space<semaphore_mem>>
              %dma_start3A_229 = arith.constant 0 : i32
              %dma_start3A_230 = tpu.memref_slice %arg11[%run_scoped3A_227, %dma_start3A_229] : memref<1x64xi32, #tpu.memory_space<vmem>> -> memref<1x64xi32, #tpu.memory_space<vmem>>
              %dma_start3A_231 = tpu.memref_squeeze %dma_start3A_230 : memref<1x64xi32, #tpu.memory_space<vmem>> -> memref<64xi32, #tpu.memory_space<vmem>>
              %dma_start3A_232 = arith.constant 0 : i32
              %dma_start3A_233 = tpu.memref_slice %arg15[%dma_start3A_232] : memref<10240xf32, #tpu.memory_space<vmem_shared>> -> memref<10240xf32, #tpu.memory_space<vmem_shared>>
              tpu.enqueue_indirect_dma source(%arg12 : memref<64xf32, #tpu.memory_space<vmem>>) target(%dma_start3A_233 : memref<10240xf32, #tpu.memory_space<vmem_shared>>) offsets(%dma_start3A_231 : memref<64xi32, #tpu.memory_space<vmem>>) semaphore(%run_scoped3A_228 : memref<!tpu.dma_semaphore, #tpu.memory_space<semaphore_mem>>) {add = true}
              %dma_wait3A_234 = arith.constant 0 : i32
              %dma_wait3A_235 = tpu.memref_slice %arg11[%run_scoped3A_227, %dma_wait3A_234] : memref<1x64xi32, #tpu.memory_space<vmem>> -> memref<1x64xi32, #tpu.memory_space<vmem>>
              %dma_wait3A_236 = tpu.memref_squeeze %dma_wait3A_235 : memref<1x64xi32, #tpu.memory_space<vmem>> -> memref<64xi32, #tpu.memory_space<vmem>>
              %dma_wait3A_237 = arith.constant 0 : i32
              %dma_wait3A_238 = tpu.memref_slice %arg15[%dma_wait3A_237] : memref<10240xf32, #tpu.memory_space<vmem_shared>> -> memref<10240xf32, #tpu.memory_space<vmem_shared>>
              tpu.wait_indirect_dma semaphore(%run_scoped3A_228 : memref<!tpu.dma_semaphore, #tpu.memory_space<semaphore_mem>>) src(%arg12 : memref<64xf32, #tpu.memory_space<vmem>>) dst(%dma_wait3A_238 : memref<10240xf32, #tpu.memory_space<vmem_shared>>)
              tpu.yield
            }) : () -> ()
          } else {
          }
        }
        %scan3A_176 = arith.constant 100 : i32
      } else {
      }
    }
    %scan3A_150 = arith.constant 4 : i32
    %barrier3A_151 = arith.constant 0 : index
    tpu.barrier barrier_id(%barrier3A_151)
    %eq3A = arith.constant 0 : i32
    %eq3A_152 = arith.cmpi eq, %arg0, %eq3A : i32
    %convert_element_type3A = arith.extui %eq3A_152 : i1 to i32
    %cond3A = arith.constant 0 : i32
    %cond3A_153 = arith.cmpi ne, %convert_element_type3A, %cond3A : i32
    scf.if %cond3A_153 {
      %mul3A_159 = arith.constant 640 : i32
      %mul3A_160 = arith.muli %arg1, %mul3A_159 : i32
      %mul3A_161 = arith.constant 640 : i32
      %mul3A_162 = arith.muli %arg1, %mul3A_161 : i32
      "tpu.region"() ({
        %run_scoped3A = tpu.sem_alloc : memref<!tpu.dma_semaphore, #tpu.memory_space<semaphore_mem>>
        %dma_start3A = arith.constant 0 : i32
        %dma_start3A_167 = tpu.memref_slice %arg5[%mul3A_162, %dma_start3A] : memref<10240x128xf32, #tpu.memory_space<hbm>> -> memref<640x128xf32, #tpu.memory_space<hbm>>
        %dma_start3A_168 = arith.constant 0 : i32
        %dma_start3A_169 = tpu.memref_slice %arg14[%mul3A_160, %dma_start3A_168] : memref<10240x128xf32, #tpu.memory_space<vmem_shared>> -> memref<640x128xf32, #tpu.memory_space<vmem_shared>>
        tpu.enqueue_dma source(%dma_start3A_169 : memref<640x128xf32, #tpu.memory_space<vmem_shared>>) target(%dma_start3A_167 : memref<640x128xf32, #tpu.memory_space<hbm>>) target_semaphore(%run_scoped3A : memref<!tpu.dma_semaphore, #tpu.memory_space<semaphore_mem>>)
        %dma_wait3A = arith.constant 0 : i32
        %dma_wait3A_170 = tpu.memref_slice %arg5[%mul3A_162, %dma_wait3A] : memref<10240x128xf32, #tpu.memory_space<hbm>> -> memref<640x128xf32, #tpu.memory_space<hbm>>
        %dma_wait3A_171 = arith.constant 0 : i32
        %dma_wait3A_172 = tpu.memref_slice %arg14[%mul3A_160, %dma_wait3A_171] : memref<10240x128xf32, #tpu.memory_space<vmem_shared>> -> memref<640x128xf32, #tpu.memory_space<vmem_shared>>
        tpu.wait_dma2 semaphore(%run_scoped3A : memref<!tpu.dma_semaphore, #tpu.memory_space<semaphore_mem>>) src(%dma_wait3A_172 : memref<640x128xf32, #tpu.memory_space<vmem_shared>>) dst(%dma_wait3A_170 : memref<640x128xf32, #tpu.memory_space<hbm>>)
        tpu.yield
      }) : () -> ()
      %mul3A_163 = arith.constant 640 : i32
      %mul3A_164 = arith.muli %arg1, %mul3A_163 : i32
      %mul3A_165 = arith.constant 640 : i32
      %mul3A_166 = arith.muli %arg1, %mul3A_165 : i32
      "tpu.region"() ({
        %run_scoped3A = tpu.sem_alloc : memref<!tpu.dma_semaphore, #tpu.memory_space<semaphore_mem>>
        %dma_start3A = tpu.memref_slice %arg7[%mul3A_166] : memref<10240xf32, #tpu.memory_space<hbm>> -> memref<640xf32, #tpu.memory_space<hbm>>
        %dma_start3A_167 = tpu.memref_slice %arg15[%mul3A_164] : memref<10240xf32, #tpu.memory_space<vmem_shared>> -> memref<640xf32, #tpu.memory_space<vmem_shared>>
        tpu.enqueue_dma source(%dma_start3A_167 : memref<640xf32, #tpu.memory_space<vmem_shared>>) target(%dma_start3A : memref<640xf32, #tpu.memory_space<hbm>>) target_semaphore(%run_scoped3A : memref<!tpu.dma_semaphore, #tpu.memory_space<semaphore_mem>>)
        %dma_wait3A = tpu.memref_slice %arg7[%mul3A_166] : memref<10240xf32, #tpu.memory_space<hbm>> -> memref<640xf32, #tpu.memory_space<hbm>>
        %dma_wait3A_168 = tpu.memref_slice %arg15[%mul3A_164] : memref<10240xf32, #tpu.memory_space<vmem_shared>> -> memref<640xf32, #tpu.memory_space<vmem_shared>>
        tpu.wait_dma2 semaphore(%run_scoped3A : memref<!tpu.dma_semaphore, #tpu.memory_space<semaphore_mem>>) src(%dma_wait3A_168 : memref<640xf32, #tpu.memory_space<vmem_shared>>) dst(%dma_wait3A : memref<640xf32, #tpu.memory_space<hbm>>)
        tpu.yield
      }) : () -> ()
    } else {
    }
    %eq3A_154 = arith.constant 1 : i32
    %eq3A_155 = arith.cmpi eq, %arg0, %eq3A_154 : i32
    %convert_element_type3A_156 = arith.extui %eq3A_155 : i1 to i32
    %cond3A_157 = arith.constant 0 : i32
    %cond3A_158 = arith.cmpi ne, %convert_element_type3A_156, %cond3A_157 : i32
    scf.if %cond3A_158 {
      %mul3A_159 = arith.constant 640 : i32
      %mul3A_160 = arith.muli %arg1, %mul3A_159 : i32
      %mul3A_161 = arith.constant 640 : i32
      %mul3A_162 = arith.muli %arg1, %mul3A_161 : i32
      "tpu.region"() ({
        %run_scoped3A = tpu.sem_alloc : memref<!tpu.dma_semaphore, #tpu.memory_space<semaphore_mem>>
        %dma_start3A = arith.constant 0 : i32
        %dma_start3A_163 = tpu.memref_slice %arg6[%mul3A_162, %dma_start3A] : memref<10240x128xf32, #tpu.memory_space<hbm>> -> memref<640x128xf32, #tpu.memory_space<hbm>>
        %dma_start3A_164 = arith.constant 0 : i32
        %dma_start3A_165 = tpu.memref_slice %arg14[%mul3A_160, %dma_start3A_164] : memref<10240x128xf32, #tpu.memory_space<vmem_shared>> -> memref<640x128xf32, #tpu.memory_space<vmem_shared>>
        tpu.enqueue_dma source(%dma_start3A_165 : memref<640x128xf32, #tpu.memory_space<vmem_shared>>) target(%dma_start3A_163 : memref<640x128xf32, #tpu.memory_space<hbm>>) target_semaphore(%run_scoped3A : memref<!tpu.dma_semaphore, #tpu.memory_space<semaphore_mem>>)
        %dma_wait3A = arith.constant 0 : i32
        %dma_wait3A_166 = tpu.memref_slice %arg6[%mul3A_162, %dma_wait3A] : memref<10240x128xf32, #tpu.memory_space<hbm>> -> memref<640x128xf32, #tpu.memory_space<hbm>>
        %dma_wait3A_167 = arith.constant 0 : i32
        %dma_wait3A_168 = tpu.memref_slice %arg14[%mul3A_160, %dma_wait3A_167] : memref<10240x128xf32, #tpu.memory_space<vmem_shared>> -> memref<640x128xf32, #tpu.memory_space<vmem_shared>>
        tpu.wait_dma2 semaphore(%run_scoped3A : memref<!tpu.dma_semaphore, #tpu.memory_space<semaphore_mem>>) src(%dma_wait3A_168 : memref<640x128xf32, #tpu.memory_space<vmem_shared>>) dst(%dma_wait3A_166 : memref<640x128xf32, #tpu.memory_space<hbm>>)
        tpu.yield
      }) : () -> ()
    } else {
    }
    return
  }
}

#map = affine_map<(d0, d1) -> (0, 0)>
#map1 = affine_map<(d0, d1) -> (0)>
module attributes {stable_mosaic.version = 14 : i64} {
  func.func @_maxmin_body(%arg0: i32, %arg1: i32, %arg2: memref<10000x128xf32, #tpu.memory_space<hbm>>, %arg3: memref<320000xi32, #tpu.memory_space<hbm>>, %arg4: memref<320000xi32, #tpu.memory_space<hbm>>, %arg5: memref<10240x128xf32, #tpu.memory_space<hbm>>, %arg6: memref<10240x128xf32, #tpu.memory_space<hbm>>, %arg7: memref<16000xi32, #tpu.memory_space<vmem>>, %arg8: memref<16000xi32, #tpu.memory_space<vmem>>, %arg9: memref<1152xi32, #tpu.memory_space<vmem>>, %arg10: memref<1152xi32, #tpu.memory_space<vmem>>, %arg11: memref<64x128xf32, #tpu.memory_space<vmem>>, %arg12: memref<320x128xf32, #tpu.memory_space<vmem>>, %arg13: memref<320x128xf32, #tpu.memory_space<vmem>>, %arg14: memref<!tpu.dma_semaphore, #tpu.memory_space<semaphore_mem>>) attributes {dimension_semantics = [#tpu.dimension_semantics<core_parallel>, #tpu.dimension_semantics<subcore_parallel>], iteration_bounds = array<i64: 2, 16>, scalar_prefetch = 0 : i64, scratch_operands = 8 : i64, tpu.core_type = #tpu.core_type<sc_vector_subcore>, window_params = [{transform_indices = #map}, {transform_indices = #map1}, {transform_indices = #map1}, {transform_indices = #map}, {transform_indices = #map}]} {
    %mul3A = arith.constant 16 : i32
    %mul3A_0 = arith.muli %arg0, %mul3A : i32
    %add3A = arith.addi %mul3A_0, %arg1 : i32
    %mul3A_1 = arith.constant 320 : i32
    %mul3A_2 = arith.muli %add3A, %mul3A_1 : i32
    %broadcast_in_dim3A = arith.constant -3.40282347E+38 : f32
    %broadcast_in_dim3A_3 = vector.broadcast %broadcast_in_dim3A : f32 to vector<16xf32>
    %broadcast_in_dim3A_4 = arith.constant 3.40282347E+38 : f32
    %broadcast_in_dim3A_5 = vector.broadcast %broadcast_in_dim3A_4 : f32 to vector<16xf32>
    %scan3A = arith.constant 0 : i32
    %scan3A_6 = arith.constant 0 : i32
    %scan3A_7 = arith.constant 320 : i32
    %scan3A_8 = arith.addi %scan3A_6, %scan3A_7 : i32
    %scan3A_9 = arith.constant 1 : i32
    scf.for %scan3A_17 = %scan3A_6 to %scan3A_8 step %scan3A_9  : i32 {
      %swap3A = arith.index_cast %scan3A_17 : i32 to index
      %swap3A_18 = arith.constant 0 : index
      %swap3A_19 = tpu.vector_load %arg12[%swap3A, %swap3A_18] {strides = array<i32>} : memref<320x128xf32, #tpu.memory_space<vmem>>, vector<16xf32>,
      tpu.vector_store %arg12[%swap3A, %swap3A_18], %broadcast_in_dim3A_3 {strides = array<i32>} : memref<320x128xf32, #tpu.memory_space<vmem>>, vector<16xf32>,
      %swap3A_20 = arith.index_cast %scan3A_17 : i32 to index
      %swap3A_21 = arith.constant 0 : index
      %swap3A_22 = tpu.vector_load %arg13[%swap3A_20, %swap3A_21] {strides = array<i32>} : memref<320x128xf32, #tpu.memory_space<vmem>>, vector<16xf32>,
      tpu.vector_store %arg13[%swap3A_20, %swap3A_21], %broadcast_in_dim3A_5 {strides = array<i32>} : memref<320x128xf32, #tpu.memory_space<vmem>>, vector<16xf32>,
      %swap3A_23 = arith.index_cast %scan3A_17 : i32 to index
      %swap3A_24 = arith.constant 16 : index
      %swap3A_25 = tpu.vector_load %arg12[%swap3A_23, %swap3A_24] {strides = array<i32>} : memref<320x128xf32, #tpu.memory_space<vmem>>, vector<16xf32>,
      tpu.vector_store %arg12[%swap3A_23, %swap3A_24], %broadcast_in_dim3A_3 {strides = array<i32>} : memref<320x128xf32, #tpu.memory_space<vmem>>, vector<16xf32>,
      %swap3A_26 = arith.index_cast %scan3A_17 : i32 to index
      %swap3A_27 = arith.constant 16 : index
      %swap3A_28 = tpu.vector_load %arg13[%swap3A_26, %swap3A_27] {strides = array<i32>} : memref<320x128xf32, #tpu.memory_space<vmem>>, vector<16xf32>,
      tpu.vector_store %arg13[%swap3A_26, %swap3A_27], %broadcast_in_dim3A_5 {strides = array<i32>} : memref<320x128xf32, #tpu.memory_space<vmem>>, vector<16xf32>,
      %swap3A_29 = arith.index_cast %scan3A_17 : i32 to index
      %swap3A_30 = arith.constant 32 : index
      %swap3A_31 = tpu.vector_load %arg12[%swap3A_29, %swap3A_30] {strides = array<i32>} : memref<320x128xf32, #tpu.memory_space<vmem>>, vector<16xf32>,
      tpu.vector_store %arg12[%swap3A_29, %swap3A_30], %broadcast_in_dim3A_3 {strides = array<i32>} : memref<320x128xf32, #tpu.memory_space<vmem>>, vector<16xf32>,
      %swap3A_32 = arith.index_cast %scan3A_17 : i32 to index
      %swap3A_33 = arith.constant 32 : index
      %swap3A_34 = tpu.vector_load %arg13[%swap3A_32, %swap3A_33] {strides = array<i32>} : memref<320x128xf32, #tpu.memory_space<vmem>>, vector<16xf32>,
      tpu.vector_store %arg13[%swap3A_32, %swap3A_33], %broadcast_in_dim3A_5 {strides = array<i32>} : memref<320x128xf32, #tpu.memory_space<vmem>>, vector<16xf32>,
      %swap3A_35 = arith.index_cast %scan3A_17 : i32 to index
      %swap3A_36 = arith.constant 48 : index
      %swap3A_37 = tpu.vector_load %arg12[%swap3A_35, %swap3A_36] {strides = array<i32>} : memref<320x128xf32, #tpu.memory_space<vmem>>, vector<16xf32>,
      tpu.vector_store %arg12[%swap3A_35, %swap3A_36], %broadcast_in_dim3A_3 {strides = array<i32>} : memref<320x128xf32, #tpu.memory_space<vmem>>, vector<16xf32>,
      %swap3A_38 = arith.index_cast %scan3A_17 : i32 to index
      %swap3A_39 = arith.constant 48 : index
      %swap3A_40 = tpu.vector_load %arg13[%swap3A_38, %swap3A_39] {strides = array<i32>} : memref<320x128xf32, #tpu.memory_space<vmem>>, vector<16xf32>,
      tpu.vector_store %arg13[%swap3A_38, %swap3A_39], %broadcast_in_dim3A_5 {strides = array<i32>} : memref<320x128xf32, #tpu.memory_space<vmem>>, vector<16xf32>,
      %swap3A_41 = arith.index_cast %scan3A_17 : i32 to index
      %swap3A_42 = arith.constant 64 : index
      %swap3A_43 = tpu.vector_load %arg12[%swap3A_41, %swap3A_42] {strides = array<i32>} : memref<320x128xf32, #tpu.memory_space<vmem>>, vector<16xf32>,
      tpu.vector_store %arg12[%swap3A_41, %swap3A_42], %broadcast_in_dim3A_3 {strides = array<i32>} : memref<320x128xf32, #tpu.memory_space<vmem>>, vector<16xf32>,
      %swap3A_44 = arith.index_cast %scan3A_17 : i32 to index
      %swap3A_45 = arith.constant 64 : index
      %swap3A_46 = tpu.vector_load %arg13[%swap3A_44, %swap3A_45] {strides = array<i32>} : memref<320x128xf32, #tpu.memory_space<vmem>>, vector<16xf32>,
      tpu.vector_store %arg13[%swap3A_44, %swap3A_45], %broadcast_in_dim3A_5 {strides = array<i32>} : memref<320x128xf32, #tpu.memory_space<vmem>>, vector<16xf32>,
      %swap3A_47 = arith.index_cast %scan3A_17 : i32 to index
      %swap3A_48 = arith.constant 80 : index
      %swap3A_49 = tpu.vector_load %arg12[%swap3A_47, %swap3A_48] {strides = array<i32>} : memref<320x128xf32, #tpu.memory_space<vmem>>, vector<16xf32>,
      tpu.vector_store %arg12[%swap3A_47, %swap3A_48], %broadcast_in_dim3A_3 {strides = array<i32>} : memref<320x128xf32, #tpu.memory_space<vmem>>, vector<16xf32>,
      %swap3A_50 = arith.index_cast %scan3A_17 : i32 to index
      %swap3A_51 = arith.constant 80 : index
      %swap3A_52 = tpu.vector_load %arg13[%swap3A_50, %swap3A_51] {strides = array<i32>} : memref<320x128xf32, #tpu.memory_space<vmem>>, vector<16xf32>,
      tpu.vector_store %arg13[%swap3A_50, %swap3A_51], %broadcast_in_dim3A_5 {strides = array<i32>} : memref<320x128xf32, #tpu.memory_space<vmem>>, vector<16xf32>,
      %swap3A_53 = arith.index_cast %scan3A_17 : i32 to index
      %swap3A_54 = arith.constant 96 : index
      %swap3A_55 = tpu.vector_load %arg12[%swap3A_53, %swap3A_54] {strides = array<i32>} : memref<320x128xf32, #tpu.memory_space<vmem>>, vector<16xf32>,
      tpu.vector_store %arg12[%swap3A_53, %swap3A_54], %broadcast_in_dim3A_3 {strides = array<i32>} : memref<320x128xf32, #tpu.memory_space<vmem>>, vector<16xf32>,
      %swap3A_56 = arith.index_cast %scan3A_17 : i32 to index
      %swap3A_57 = arith.constant 96 : index
      %swap3A_58 = tpu.vector_load %arg13[%swap3A_56, %swap3A_57] {strides = array<i32>} : memref<320x128xf32, #tpu.memory_space<vmem>>, vector<16xf32>,
      tpu.vector_store %arg13[%swap3A_56, %swap3A_57], %broadcast_in_dim3A_5 {strides = array<i32>} : memref<320x128xf32, #tpu.memory_space<vmem>>, vector<16xf32>,
      %swap3A_59 = arith.index_cast %scan3A_17 : i32 to index
      %swap3A_60 = arith.constant 112 : index
      %swap3A_61 = tpu.vector_load %arg12[%swap3A_59, %swap3A_60] {strides = array<i32>} : memref<320x128xf32, #tpu.memory_space<vmem>>, vector<16xf32>,
      tpu.vector_store %arg12[%swap3A_59, %swap3A_60], %broadcast_in_dim3A_3 {strides = array<i32>} : memref<320x128xf32, #tpu.memory_space<vmem>>, vector<16xf32>,
      %swap3A_62 = arith.index_cast %scan3A_17 : i32 to index
      %swap3A_63 = arith.constant 112 : index
      %swap3A_64 = tpu.vector_load %arg13[%swap3A_62, %swap3A_63] {strides = array<i32>} : memref<320x128xf32, #tpu.memory_space<vmem>>, vector<16xf32>,
      tpu.vector_store %arg13[%swap3A_62, %swap3A_63], %broadcast_in_dim3A_5 {strides = array<i32>} : memref<320x128xf32, #tpu.memory_space<vmem>>, vector<16xf32>,
    }
    %scan3A_10 = arith.constant 320 : i32
    %iota3A = tpu.iota {dimensions = array<i32: 0>} : vector<16xi32>
    %scan3A_11 = arith.constant 0 : i32
    %scan3A_12 = arith.constant 0 : i32
    %scan3A_13 = arith.constant 20 : i32
    %scan3A_14 = arith.addi %scan3A_12, %scan3A_13 : i32
    %scan3A_15 = arith.constant 1 : i32
    scf.for %scan3A_17 = %scan3A_12 to %scan3A_14 step %scan3A_15  : i32 {
      %add3A_18 = arith.addi %scan3A_17, %add3A : i32
      %rem3A = arith.constant 20 : i32
      %rem3A_19 = arith.remsi %add3A_18, %rem3A : i32
      %mul3A_20 = arith.constant 16000 : i32
      %mul3A_21 = arith.muli %rem3A_19, %mul3A_20 : i32
      "tpu.region"() ({
        %run_scoped3A = tpu.sem_alloc : memref<!tpu.dma_semaphore, #tpu.memory_space<semaphore_mem>>
        %dma_start3A = tpu.memref_slice %arg3[%mul3A_21] : memref<320000xi32, #tpu.memory_space<hbm>> -> memref<16000xi32, #tpu.memory_space<hbm>>
        %dma_start3A_135 = tpu.memref_slice %arg3[%mul3A_21] : memref<320000xi32, #tpu.memory_space<hbm>> -> memref<16000xi32, #tpu.memory_space<hbm>>
        tpu.enqueue_dma source(%dma_start3A_135 : memref<16000xi32, #tpu.memory_space<hbm>>) target(%arg7 : memref<16000xi32, #tpu.memory_space<vmem>>) target_semaphore(%run_scoped3A : memref<!tpu.dma_semaphore, #tpu.memory_space<semaphore_mem>>)
        %dma_wait3A = tpu.memref_slice %arg3[%mul3A_21] : memref<320000xi32, #tpu.memory_space<hbm>> -> memref<16000xi32, #tpu.memory_space<hbm>>
        %dma_wait3A_136 = tpu.memref_slice %arg3[%mul3A_21] : memref<320000xi32, #tpu.memory_space<hbm>> -> memref<16000xi32, #tpu.memory_space<hbm>>
        tpu.wait_dma2 semaphore(%run_scoped3A : memref<!tpu.dma_semaphore, #tpu.memory_space<semaphore_mem>>) src(%dma_wait3A_136 : memref<16000xi32, #tpu.memory_space<hbm>>) dst(%arg7 : memref<16000xi32, #tpu.memory_space<vmem>>)
        tpu.yield
      }) : () -> ()
      %mul3A_22 = arith.constant 16000 : i32
      %mul3A_23 = arith.muli %rem3A_19, %mul3A_22 : i32
      "tpu.region"() ({
        %run_scoped3A = tpu.sem_alloc : memref<!tpu.dma_semaphore, #tpu.memory_space<semaphore_mem>>
        %dma_start3A = tpu.memref_slice %arg4[%mul3A_23] : memref<320000xi32, #tpu.memory_space<hbm>> -> memref<16000xi32, #tpu.memory_space<hbm>>
        %dma_start3A_135 = tpu.memref_slice %arg4[%mul3A_23] : memref<320000xi32, #tpu.memory_space<hbm>> -> memref<16000xi32, #tpu.memory_space<hbm>>
        tpu.enqueue_dma source(%dma_start3A_135 : memref<16000xi32, #tpu.memory_space<hbm>>) target(%arg8 : memref<16000xi32, #tpu.memory_space<vmem>>) target_semaphore(%run_scoped3A : memref<!tpu.dma_semaphore, #tpu.memory_space<semaphore_mem>>)
        %dma_wait3A = tpu.memref_slice %arg4[%mul3A_23] : memref<320000xi32, #tpu.memory_space<hbm>> -> memref<16000xi32, #tpu.memory_space<hbm>>
        %dma_wait3A_136 = tpu.memref_slice %arg4[%mul3A_23] : memref<320000xi32, #tpu.memory_space<hbm>> -> memref<16000xi32, #tpu.memory_space<hbm>>
        tpu.wait_dma2 semaphore(%run_scoped3A : memref<!tpu.dma_semaphore, #tpu.memory_space<semaphore_mem>>) src(%dma_wait3A_136 : memref<16000xi32, #tpu.memory_space<hbm>>) dst(%arg8 : memref<16000xi32, #tpu.memory_space<vmem>>)
        tpu.yield
      }) : () -> ()
      %scan3A_24 = arith.constant 0 : i32
      %scan3A_25 = arith.constant 0 : i32
      %scan3A_26 = arith.constant 1000 : i32
      %scan3A_27 = arith.addi %scan3A_25, %scan3A_26 : i32
      %scan3A_28 = arith.constant 1 : i32
      %scan3A_29 = scf.for %scan3A_135 = %scan3A_25 to %scan3A_27 step %scan3A_28 iter_args(%scan3A_136 = %scan3A_24) -> (i32)  : i32 {
        %mul3A_137 = arith.constant 16 : i32
        %mul3A_138 = arith.muli %scan3A_135, %mul3A_137 : i32
        %get3A_139 = arith.index_cast %mul3A_138 : i32 to index
        %get3A_140 = tpu.vector_load %arg7[%get3A_139] {strides = array<i32>} : memref<16000xi32, #tpu.memory_space<vmem>>, vector<16xi32>,
        %mul3A_141 = arith.constant 16 : i32
        %mul3A_142 = arith.muli %scan3A_135, %mul3A_141 : i32
        %get3A_143 = arith.index_cast %mul3A_142 : i32 to index
        %get3A_144 = tpu.vector_load %arg8[%get3A_143] {strides = array<i32>} : memref<16000xi32, #tpu.memory_space<vmem>>, vector<16xi32>,
        %sub3A_145 = vector.broadcast %mul3A_2 : i32 to vector<16xi32>
        %sub3A_146 = arith.subi %get3A_140, %sub3A_145 : vector<16xi32>
        %ge3A = arith.constant 0 : i32
        %ge3A_147 = vector.broadcast %ge3A : i32 to vector<16xi32>
        %ge3A_148 = arith.cmpi sge, %sub3A_146, %ge3A_147 : vector<16xi32>
        %lt3A_149 = arith.constant 320 : i32
        %lt3A_150 = vector.broadcast %lt3A_149 : i32 to vector<16xi32>
        %lt3A_151 = arith.cmpi slt, %sub3A_146, %lt3A_150 : vector<16xi32>
        %and3A_152 = arith.andi %ge3A_148, %lt3A_151 : vector<16xi1>
        %swap3A_153 = arith.index_cast %scan3A_136 : i32 to index
        %swap3A_154 = tpu.vector_load %arg9[%swap3A_153] masked %and3A_152 {strides = array<i32>} : memref<1152xi32, #tpu.memory_space<vmem>>, vector<16xi32>, vector<16xi1>
        tpu.vector_store %arg9[%swap3A_153], %sub3A_146 masked %and3A_152 {strides = array<i32>} : memref<1152xi32, #tpu.memory_space<vmem>>, vector<16xi32>, vector<16xi1>
        %swap3A_155 = arith.index_cast %scan3A_136 : i32 to index
        %swap3A_156 = tpu.vector_load %arg10[%swap3A_155] masked %and3A_152 {strides = array<i32>} : memref<1152xi32, #tpu.memory_space<vmem>>, vector<16xi32>, vector<16xi1>
        tpu.vector_store %arg10[%swap3A_155], %get3A_144 masked %and3A_152 {strides = array<i32>} : memref<1152xi32, #tpu.memory_space<vmem>>, vector<16xi32>, vector<16xi1>
        %all_reduce_population_count3A = tpu.all_reduce %and3A_152 {dim = 0 : i64, kind = #tpu.reduction_kind<sum>} : vector<16xi1> -> vector<16xi32>
        %slice3A = vector.extract_strided_slice %all_reduce_population_count3A {offsets = [0], sizes = [1], strides = [1]} : vector<16xi32> to vector<1xi32>
        %squeeze3A = vector.extract %slice3A[0] : i32 from vector<1xi32>
        %add3A_157 = arith.addi %scan3A_136, %squeeze3A : i32
        scf.yield %add3A_157 : i32
      }
      %scan3A_30 = arith.constant 1000 : i32
      %add3A_31 = arith.constant 64 : i32
      %add3A_32 = arith.addi %scan3A_29, %add3A_31 : i32
      %sub3A = arith.constant 1 : i32
      %sub3A_33 = arith.subi %add3A_32, %sub3A : i32
      %jit3A = arith.constant 64 : i32
      %div3A = arith.divsi %sub3A_33, %jit3A : i32
      %sign3A = arith.constant 0 : i32
      %sign3A_34 = arith.cmpi sgt, %sub3A_33, %sign3A : i32
      %sign3A_35 = arith.extui %sign3A_34 : i1 to i32
      %sign3A_36 = arith.constant 0 : i32
      %sign3A_37 = arith.cmpi slt, %sub3A_33, %sign3A_36 : i32
      %sign3A_38 = arith.extui %sign3A_37 : i1 to i32
      %sign3A_39 = arith.subi %sign3A_35, %sign3A_38 : i32
      %sign3A_40 = arith.constant 0 : i32
      %sign3A_41 = arith.cmpi sgt, %jit3A, %sign3A_40 : i32
      %sign3A_42 = arith.extui %sign3A_41 : i1 to i32
      %sign3A_43 = arith.constant 0 : i32
      %sign3A_44 = arith.cmpi slt, %jit3A, %sign3A_43 : i32
      %sign3A_45 = arith.extui %sign3A_44 : i1 to i32
      %sign3A_46 = arith.subi %sign3A_42, %sign3A_45 : i32
      %ne3A = arith.cmpi ne, %sign3A_39, %sign3A_46 : i32
      %rem3A_47 = arith.remsi %sub3A_33, %jit3A : i32
      %ne3A_48 = arith.constant 0 : i32
      %ne3A_49 = arith.cmpi ne, %rem3A_47, %ne3A_48 : i32
      %and3A = arith.andi %ne3A, %ne3A_49 : i1
      %sub3A_50 = arith.constant 1 : i32
      %sub3A_51 = arith.subi %div3A, %sub3A_50 : i32
      %select_n3A = arith.select %and3A, %sub3A_51, %div3A : i32
      %mul3A_52 = arith.constant 64 : i32
      %mul3A_53 = arith.muli %select_n3A, %mul3A_52 : i32
      %jit3A_54 = arith.constant 16 : i32
      %div3A_55 = arith.divsi %scan3A_29, %jit3A_54 : i32
      %sign3A_56 = arith.constant 0 : i32
      %sign3A_57 = arith.cmpi sgt, %scan3A_29, %sign3A_56 : i32
      %sign3A_58 = arith.extui %sign3A_57 : i1 to i32
      %sign3A_59 = arith.constant 0 : i32
      %sign3A_60 = arith.cmpi slt, %scan3A_29, %sign3A_59 : i32
      %sign3A_61 = arith.extui %sign3A_60 : i1 to i32
      %sign3A_62 = arith.subi %sign3A_58, %sign3A_61 : i32
      %sign3A_63 = arith.constant 0 : i32
      %sign3A_64 = arith.cmpi sgt, %jit3A_54, %sign3A_63 : i32
      %sign3A_65 = arith.extui %sign3A_64 : i1 to i32
      %sign3A_66 = arith.constant 0 : i32
      %sign3A_67 = arith.cmpi slt, %jit3A_54, %sign3A_66 : i32
      %sign3A_68 = arith.extui %sign3A_67 : i1 to i32
      %sign3A_69 = arith.subi %sign3A_65, %sign3A_68 : i32
      %ne3A_70 = arith.cmpi ne, %sign3A_62, %sign3A_69 : i32
      %rem3A_71 = arith.remsi %scan3A_29, %jit3A_54 : i32
      %ne3A_72 = arith.constant 0 : i32
      %ne3A_73 = arith.cmpi ne, %rem3A_71, %ne3A_72 : i32
      %and3A_74 = arith.andi %ne3A_70, %ne3A_73 : i1
      %sub3A_75 = arith.constant 1 : i32
      %sub3A_76 = arith.subi %div3A_55, %sub3A_75 : i32
      %select_n3A_77 = arith.select %and3A_74, %sub3A_76, %div3A_55 : i32
      %mul3A_78 = arith.constant 16 : i32
      %mul3A_79 = arith.muli %select_n3A_77, %mul3A_78 : i32
      %add3A_80 = vector.broadcast %mul3A_79 : i32 to vector<16xi32>
      %add3A_81 = arith.addi %add3A_80, %iota3A : vector<16xi32>
      %lt3A = vector.broadcast %scan3A_29 : i32 to vector<16xi32>
      %lt3A_82 = arith.cmpi slt, %add3A_81, %lt3A : vector<16xi32>
      %broadcast_in_dim3A_83 = arith.constant 0 : i32
      %broadcast_in_dim3A_84 = vector.broadcast %broadcast_in_dim3A_83 : i32 to vector<16xi32>
      %get3A = arith.index_cast %mul3A_79 : i32 to index
      %get3A_85 = tpu.vector_load %arg10[%get3A] {strides = array<i32>} : memref<1152xi32, #tpu.memory_space<vmem>>, vector<16xi32>,
      %select_n3A_86 = arith.select %lt3A_82, %get3A_85, %broadcast_in_dim3A_84 : vector<16xi1>, vector<16xi32>
      %swap3A = arith.index_cast %mul3A_79 : i32 to index
      %swap3A_87 = tpu.vector_load %arg10[%swap3A] {strides = array<i32>} : memref<1152xi32, #tpu.memory_space<vmem>>, vector<16xi32>,
      tpu.vector_store %arg10[%swap3A], %select_n3A_86 {strides = array<i32>} : memref<1152xi32, #tpu.memory_space<vmem>>, vector<16xi32>,
      %sub3A_88 = arith.subi %mul3A_53, %mul3A_79 : i32
      %sub3A_89 = arith.constant 16 : i32
      %sub3A_90 = arith.subi %sub3A_88, %sub3A_89 : i32
      %jit3A_91 = arith.constant 16 : i32
      %div3A_92 = arith.divsi %sub3A_90, %jit3A_91 : i32
      %sign3A_93 = arith.constant 0 : i32
      %sign3A_94 = arith.cmpi sgt, %sub3A_90, %sign3A_93 : i32
      %sign3A_95 = arith.extui %sign3A_94 : i1 to i32
      %sign3A_96 = arith.constant 0 : i32
      %sign3A_97 = arith.cmpi slt, %sub3A_90, %sign3A_96 : i32
      %sign3A_98 = arith.extui %sign3A_97 : i1 to i32
      %sign3A_99 = arith.subi %sign3A_95, %sign3A_98 : i32
      %sign3A_100 = arith.constant 0 : i32
      %sign3A_101 = arith.cmpi sgt, %jit3A_91, %sign3A_100 : i32
      %sign3A_102 = arith.extui %sign3A_101 : i1 to i32
      %sign3A_103 = arith.constant 0 : i32
      %sign3A_104 = arith.cmpi slt, %jit3A_91, %sign3A_103 : i32
      %sign3A_105 = arith.extui %sign3A_104 : i1 to i32
      %sign3A_106 = arith.subi %sign3A_102, %sign3A_105 : i32
      %ne3A_107 = arith.cmpi ne, %sign3A_99, %sign3A_106 : i32
      %rem3A_108 = arith.remsi %sub3A_90, %jit3A_91 : i32
      %ne3A_109 = arith.constant 0 : i32
      %ne3A_110 = arith.cmpi ne, %rem3A_108, %ne3A_109 : i32
      %and3A_111 = arith.andi %ne3A_107, %ne3A_110 : i1
      %sub3A_112 = arith.constant 1 : i32
      %sub3A_113 = arith.subi %div3A_92, %sub3A_112 : i32
      %select_n3A_114 = arith.select %and3A_111, %sub3A_113, %div3A_92 : i32
      %max3A = arith.constant 0 : i32
      %max3A_115 = arith.maxsi %select_n3A_114, %max3A : i32
      %while3A = arith.constant 0 : i32
      %while3A_116 = arith.constant 0 : i32
      %while3A_117 = arith.subi %max3A_115, %while3A_116 : i32
      %while3A_118 = arith.addi %while3A_116, %while3A_117 : i32
      %while3A_119 = arith.constant 1 : i32
      %while3A_120 = arith.divsi %while3A_117, %while3A_119 : i32
      %while3A_121 = arith.muli %while3A_120, %while3A_119 : i32
      %while3A_122 = arith.addi %while3A_116, %while3A_121 : i32
      %while3A_123 = arith.constant 1 : i32
      scf.for %while3A_135 = %while3A_116 to %while3A_122 step %while3A_123  : i32 {
        %add3A_136 = arith.constant 16 : i32
        %add3A_137 = arith.addi %mul3A_79, %add3A_136 : i32
        %mul3A_138 = arith.constant 16 : i32
        %mul3A_139 = arith.muli %while3A_135, %mul3A_138 : i32
        %add3A_140 = arith.addi %add3A_137, %mul3A_139 : i32
        %swap3A_141 = arith.index_cast %add3A_140 : i32 to index
        %swap3A_142 = tpu.vector_load %arg10[%swap3A_141] {strides = array<i32>} : memref<1152xi32, #tpu.memory_space<vmem>>, vector<16xi32>,
        tpu.vector_store %arg10[%swap3A_141], %broadcast_in_dim3A_84 {strides = array<i32>} : memref<1152xi32, #tpu.memory_space<vmem>>, vector<16xi32>,
      }
      %while3A_124 = arith.constant 1 : i32
      scf.for %while3A_135 = %while3A_122 to %while3A_118 step %while3A_124  : i32 {
        %add3A_136 = arith.constant 16 : i32
        %add3A_137 = arith.addi %mul3A_79, %add3A_136 : i32
        %mul3A_138 = arith.constant 16 : i32
        %mul3A_139 = arith.muli %while3A_135, %mul3A_138 : i32
        %add3A_140 = arith.addi %add3A_137, %mul3A_139 : i32
        %swap3A_141 = arith.index_cast %add3A_140 : i32 to index
        %swap3A_142 = tpu.vector_load %arg10[%swap3A_141] {strides = array<i32>} : memref<1152xi32, #tpu.memory_space<vmem>>, vector<16xi32>,
        tpu.vector_store %arg10[%swap3A_141], %broadcast_in_dim3A_84 {strides = array<i32>} : memref<1152xi32, #tpu.memory_space<vmem>>, vector<16xi32>,
      }
      %while3A_125 = arith.constant 0 : i32
      %while3A_126 = arith.constant 0 : i32
      %while3A_127 = arith.subi %select_n3A, %while3A_126 : i32
      %while3A_128 = arith.addi %while3A_126, %while3A_127 : i32
      %while3A_129 = arith.constant 1 : i32
      %while3A_130 = arith.divsi %while3A_127, %while3A_129 : i32
      %while3A_131 = arith.muli %while3A_130, %while3A_129 : i32
      %while3A_132 = arith.addi %while3A_126, %while3A_131 : i32
      %while3A_133 = arith.constant 1 : i32
      scf.for %while3A_135 = %while3A_126 to %while3A_132 step %while3A_133  : i32 {
        %mul3A_136 = arith.constant 64 : i32
        %mul3A_137 = arith.muli %while3A_135, %mul3A_136 : i32
        %dma_start3A = tpu.memref_slice %arg10[%mul3A_137] : memref<1152xi32, #tpu.memory_space<vmem>> -> memref<64xi32, #tpu.memory_space<vmem>>
        %dma_start3A_138 = arith.constant 0 : i32
        %dma_start3A_139 = arith.constant 0 : i32
        %dma_start3A_140 = tpu.memref_slice %arg2[%dma_start3A_138, %dma_start3A_139] : memref<10000x128xf32, #tpu.memory_space<hbm>> -> memref<10000x128xf32, #tpu.memory_space<hbm>>
        tpu.enqueue_indirect_dma source(%dma_start3A_140 : memref<10000x128xf32, #tpu.memory_space<hbm>>) target(%arg11 : memref<64x128xf32, #tpu.memory_space<vmem>>) offsets(%dma_start3A : memref<64xi32, #tpu.memory_space<vmem>>) semaphore(%arg14 : memref<!tpu.dma_semaphore, #tpu.memory_space<semaphore_mem>>)
        %dma_wait3A = tpu.memref_slice %arg10[%mul3A_137] : memref<1152xi32, #tpu.memory_space<vmem>> -> memref<64xi32, #tpu.memory_space<vmem>>
        %dma_wait3A_141 = arith.constant 0 : i32
        %dma_wait3A_142 = arith.constant 0 : i32
        %dma_wait3A_143 = tpu.memref_slice %arg2[%dma_wait3A_141, %dma_wait3A_142] : memref<10000x128xf32, #tpu.memory_space<hbm>> -> memref<10000x128xf32, #tpu.memory_space<hbm>>
        tpu.wait_indirect_dma semaphore(%arg14 : memref<!tpu.dma_semaphore, #tpu.memory_space<semaphore_mem>>) src(%dma_wait3A_143 : memref<10000x128xf32, #tpu.memory_space<hbm>>) dst(%arg11 : memref<64x128xf32, #tpu.memory_space<vmem>>)
        %sub3A_144 = arith.subi %scan3A_29, %mul3A_137 : i32
        %min3A = arith.constant 64 : i32
        %min3A_145 = arith.minsi %sub3A_144, %min3A : i32
        %while3A_146 = arith.constant 0 : i32
        %while3A_147 = arith.constant 0 : i32
        %while3A_148 = arith.subi %min3A_145, %while3A_147 : i32
        %while3A_149 = arith.addi %while3A_147, %while3A_148 : i32
        %while3A_150 = arith.constant 1 : i32
        %while3A_151 = arith.divsi %while3A_148, %while3A_150 : i32
        %while3A_152 = arith.muli %while3A_151, %while3A_150 : i32
        %while3A_153 = arith.addi %while3A_147, %while3A_152 : i32
        %while3A_154 = arith.constant 1 : i32
        scf.for %while3A_156 = %while3A_147 to %while3A_153 step %while3A_154  : i32 {
          %add3A_157 = arith.addi %mul3A_137, %while3A_156 : i32
          %get3A_158 = arith.index_cast %add3A_157 : i32 to index
          %get3A_159 = tpu.vector_load %arg9[%get3A_158] {strides = array<i32>} : memref<1152xi32, #tpu.memory_space<vmem>>, vector<16xi32>,
          %slice3A = vector.extract_strided_slice %get3A_159 {offsets = [0], sizes = [1], strides = [1]} : vector<16xi32> to vector<1xi32>
          %squeeze3A = vector.extract %slice3A[0] : i32 from vector<1xi32>
          %get3A_160 = arith.index_cast %while3A_156 : i32 to index
          %get3A_161 = arith.constant 0 : index
          %get3A_162 = tpu.vector_load %arg11[%get3A_160, %get3A_161] {strides = array<i32>} : memref<64x128xf32, #tpu.memory_space<vmem>>, vector<16xf32>,
          %get3A_163 = arith.index_cast %while3A_156 : i32 to index
          %get3A_164 = arith.constant 16 : index
          %get3A_165 = tpu.vector_load %arg11[%get3A_163, %get3A_164] {strides = array<i32>} : memref<64x128xf32, #tpu.memory_space<vmem>>, vector<16xf32>,
          %get3A_166 = arith.index_cast %while3A_156 : i32 to index
          %get3A_167 = arith.constant 32 : index
          %get3A_168 = tpu.vector_load %arg11[%get3A_166, %get3A_167] {strides = array<i32>} : memref<64x128xf32, #tpu.memory_space<vmem>>, vector<16xf32>,
          %get3A_169 = arith.index_cast %while3A_156 : i32 to index
          %get3A_170 = arith.constant 48 : index
          %get3A_171 = tpu.vector_load %arg11[%get3A_169, %get3A_170] {strides = array<i32>} : memref<64x128xf32, #tpu.memory_space<vmem>>, vector<16xf32>,
          %get3A_172 = arith.index_cast %while3A_156 : i32 to index
          %get3A_173 = arith.constant 64 : index
          %get3A_174 = tpu.vector_load %arg11[%get3A_172, %get3A_173] {strides = array<i32>} : memref<64x128xf32, #tpu.memory_space<vmem>>, vector<16xf32>,
          %get3A_175 = arith.index_cast %while3A_156 : i32 to index
          %get3A_176 = arith.constant 80 : index
          %get3A_177 = tpu.vector_load %arg11[%get3A_175, %get3A_176] {strides = array<i32>} : memref<64x128xf32, #tpu.memory_space<vmem>>, vector<16xf32>,
          %get3A_178 = arith.index_cast %while3A_156 : i32 to index
          %get3A_179 = arith.constant 96 : index
          %get3A_180 = tpu.vector_load %arg11[%get3A_178, %get3A_179] {strides = array<i32>} : memref<64x128xf32, #tpu.memory_space<vmem>>, vector<16xf32>,
          %get3A_181 = arith.index_cast %while3A_156 : i32 to index
          %get3A_182 = arith.constant 112 : index
          %get3A_183 = tpu.vector_load %arg11[%get3A_181, %get3A_182] {strides = array<i32>} : memref<64x128xf32, #tpu.memory_space<vmem>>, vector<16xf32>,
          %get3A_184 = arith.index_cast %squeeze3A : i32 to index
          %get3A_185 = arith.constant 0 : index
          %get3A_186 = tpu.vector_load %arg12[%get3A_184, %get3A_185] {strides = array<i32>} : memref<320x128xf32, #tpu.memory_space<vmem>>, vector<16xf32>,
          %get3A_187 = arith.index_cast %squeeze3A : i32 to index
          %get3A_188 = arith.constant 16 : index
          %get3A_189 = tpu.vector_load %arg12[%get3A_187, %get3A_188] {strides = array<i32>} : memref<320x128xf32, #tpu.memory_space<vmem>>, vector<16xf32>,
          %get3A_190 = arith.index_cast %squeeze3A : i32 to index
          %get3A_191 = arith.constant 32 : index
          %get3A_192 = tpu.vector_load %arg12[%get3A_190, %get3A_191] {strides = array<i32>} : memref<320x128xf32, #tpu.memory_space<vmem>>, vector<16xf32>,
          %get3A_193 = arith.index_cast %squeeze3A : i32 to index
          %get3A_194 = arith.constant 48 : index
          %get3A_195 = tpu.vector_load %arg12[%get3A_193, %get3A_194] {strides = array<i32>} : memref<320x128xf32, #tpu.memory_space<vmem>>, vector<16xf32>,
          %get3A_196 = arith.index_cast %squeeze3A : i32 to index
          %get3A_197 = arith.constant 64 : index
          %get3A_198 = tpu.vector_load %arg12[%get3A_196, %get3A_197] {strides = array<i32>} : memref<320x128xf32, #tpu.memory_space<vmem>>, vector<16xf32>,
          %get3A_199 = arith.index_cast %squeeze3A : i32 to index
          %get3A_200 = arith.constant 80 : index
          %get3A_201 = tpu.vector_load %arg12[%get3A_199, %get3A_200] {strides = array<i32>} : memref<320x128xf32, #tpu.memory_space<vmem>>, vector<16xf32>,
          %get3A_202 = arith.index_cast %squeeze3A : i32 to index
          %get3A_203 = arith.constant 96 : index
          %get3A_204 = tpu.vector_load %arg12[%get3A_202, %get3A_203] {strides = array<i32>} : memref<320x128xf32, #tpu.memory_space<vmem>>, vector<16xf32>,
          %get3A_205 = arith.index_cast %squeeze3A : i32 to index
          %get3A_206 = arith.constant 112 : index
          %get3A_207 = tpu.vector_load %arg12[%get3A_205, %get3A_206] {strides = array<i32>} : memref<320x128xf32, #tpu.memory_space<vmem>>, vector<16xf32>,
          %get3A_208 = arith.index_cast %squeeze3A : i32 to index
          %get3A_209 = arith.constant 0 : index
          %get3A_210 = tpu.vector_load %arg13[%get3A_208, %get3A_209] {strides = array<i32>} : memref<320x128xf32, #tpu.memory_space<vmem>>, vector<16xf32>,
          %get3A_211 = arith.index_cast %squeeze3A : i32 to index
          %get3A_212 = arith.constant 16 : index
          %get3A_213 = tpu.vector_load %arg13[%get3A_211, %get3A_212] {strides = array<i32>} : memref<320x128xf32, #tpu.memory_space<vmem>>, vector<16xf32>,
          %get3A_214 = arith.index_cast %squeeze3A : i32 to index
          %get3A_215 = arith.constant 32 : index
          %get3A_216 = tpu.vector_load %arg13[%get3A_214, %get3A_215] {strides = array<i32>} : memref<320x128xf32, #tpu.memory_space<vmem>>, vector<16xf32>,
          %get3A_217 = arith.index_cast %squeeze3A : i32 to index
          %get3A_218 = arith.constant 48 : index
          %get3A_219 = tpu.vector_load %arg13[%get3A_217, %get3A_218] {strides = array<i32>} : memref<320x128xf32, #tpu.memory_space<vmem>>, vector<16xf32>,
          %get3A_220 = arith.index_cast %squeeze3A : i32 to index
          %get3A_221 = arith.constant 64 : index
          %get3A_222 = tpu.vector_load %arg13[%get3A_220, %get3A_221] {strides = array<i32>} : memref<320x128xf32, #tpu.memory_space<vmem>>, vector<16xf32>,
          %get3A_223 = arith.index_cast %squeeze3A : i32 to index
          %get3A_224 = arith.constant 80 : index
          %get3A_225 = tpu.vector_load %arg13[%get3A_223, %get3A_224] {strides = array<i32>} : memref<320x128xf32, #tpu.memory_space<vmem>>, vector<16xf32>,
          %get3A_226 = arith.index_cast %squeeze3A : i32 to index
          %get3A_227 = arith.constant 96 : index
          %get3A_228 = tpu.vector_load %arg13[%get3A_226, %get3A_227] {strides = array<i32>} : memref<320x128xf32, #tpu.memory_space<vmem>>, vector<16xf32>,
          %get3A_229 = arith.index_cast %squeeze3A : i32 to index
          %get3A_230 = arith.constant 112 : index
          %get3A_231 = tpu.vector_load %arg13[%get3A_229, %get3A_230] {strides = array<i32>} : memref<320x128xf32, #tpu.memory_space<vmem>>, vector<16xf32>,
          %max3A_232 = arith.maximumf %get3A_186, %get3A_162 : vector<16xf32>
          %swap3A_233 = arith.index_cast %squeeze3A : i32 to index
          %swap3A_234 = arith.constant 0 : index
          %swap3A_235 = tpu.vector_load %arg12[%swap3A_233, %swap3A_234] {strides = array<i32>} : memref<320x128xf32, #tpu.memory_space<vmem>>, vector<16xf32>,
          tpu.vector_store %arg12[%swap3A_233, %swap3A_234], %max3A_232 {strides = array<i32>} : memref<320x128xf32, #tpu.memory_space<vmem>>, vector<16xf32>,
          %max3A_236 = arith.maximumf %get3A_189, %get3A_165 : vector<16xf32>
          %swap3A_237 = arith.index_cast %squeeze3A : i32 to index
          %swap3A_238 = arith.constant 16 : index
          %swap3A_239 = tpu.vector_load %arg12[%swap3A_237, %swap3A_238] {strides = array<i32>} : memref<320x128xf32, #tpu.memory_space<vmem>>, vector<16xf32>,
          tpu.vector_store %arg12[%swap3A_237, %swap3A_238], %max3A_236 {strides = array<i32>} : memref<320x128xf32, #tpu.memory_space<vmem>>, vector<16xf32>,
          %max3A_240 = arith.maximumf %get3A_192, %get3A_168 : vector<16xf32>
          %swap3A_241 = arith.index_cast %squeeze3A : i32 to index
          %swap3A_242 = arith.constant 32 : index
          %swap3A_243 = tpu.vector_load %arg12[%swap3A_241, %swap3A_242] {strides = array<i32>} : memref<320x128xf32, #tpu.memory_space<vmem>>, vector<16xf32>,
          tpu.vector_store %arg12[%swap3A_241, %swap3A_242], %max3A_240 {strides = array<i32>} : memref<320x128xf32, #tpu.memory_space<vmem>>, vector<16xf32>,
          %max3A_244 = arith.maximumf %get3A_195, %get3A_171 : vector<16xf32>
          %swap3A_245 = arith.index_cast %squeeze3A : i32 to index
          %swap3A_246 = arith.constant 48 : index
          %swap3A_247 = tpu.vector_load %arg12[%swap3A_245, %swap3A_246] {strides = array<i32>} : memref<320x128xf32, #tpu.memory_space<vmem>>, vector<16xf32>,
          tpu.vector_store %arg12[%swap3A_245, %swap3A_246], %max3A_244 {strides = array<i32>} : memref<320x128xf32, #tpu.memory_space<vmem>>, vector<16xf32>,
          %max3A_248 = arith.maximumf %get3A_198, %get3A_174 : vector<16xf32>
          %swap3A_249 = arith.index_cast %squeeze3A : i32 to index
          %swap3A_250 = arith.constant 64 : index
          %swap3A_251 = tpu.vector_load %arg12[%swap3A_249, %swap3A_250] {strides = array<i32>} : memref<320x128xf32, #tpu.memory_space<vmem>>, vector<16xf32>,
          tpu.vector_store %arg12[%swap3A_249, %swap3A_250], %max3A_248 {strides = array<i32>} : memref<320x128xf32, #tpu.memory_space<vmem>>, vector<16xf32>,
          %max3A_252 = arith.maximumf %get3A_201, %get3A_177 : vector<16xf32>
          %swap3A_253 = arith.index_cast %squeeze3A : i32 to index
          %swap3A_254 = arith.constant 80 : index
          %swap3A_255 = tpu.vector_load %arg12[%swap3A_253, %swap3A_254] {strides = array<i32>} : memref<320x128xf32, #tpu.memory_space<vmem>>, vector<16xf32>,
          tpu.vector_store %arg12[%swap3A_253, %swap3A_254], %max3A_252 {strides = array<i32>} : memref<320x128xf32, #tpu.memory_space<vmem>>, vector<16xf32>,
          %max3A_256 = arith.maximumf %get3A_204, %get3A_180 : vector<16xf32>
          %swap3A_257 = arith.index_cast %squeeze3A : i32 to index
          %swap3A_258 = arith.constant 96 : index
          %swap3A_259 = tpu.vector_load %arg12[%swap3A_257, %swap3A_258] {strides = array<i32>} : memref<320x128xf32, #tpu.memory_space<vmem>>, vector<16xf32>,
          tpu.vector_store %arg12[%swap3A_257, %swap3A_258], %max3A_256 {strides = array<i32>} : memref<320x128xf32, #tpu.memory_space<vmem>>, vector<16xf32>,
          %max3A_260 = arith.maximumf %get3A_207, %get3A_183 : vector<16xf32>
          %swap3A_261 = arith.index_cast %squeeze3A : i32 to index
          %swap3A_262 = arith.constant 112 : index
          %swap3A_263 = tpu.vector_load %arg12[%swap3A_261, %swap3A_262] {strides = array<i32>} : memref<320x128xf32, #tpu.memory_space<vmem>>, vector<16xf32>,
          tpu.vector_store %arg12[%swap3A_261, %swap3A_262], %max3A_260 {strides = array<i32>} : memref<320x128xf32, #tpu.memory_space<vmem>>, vector<16xf32>,
          %min3A_264 = arith.minimumf %get3A_210, %get3A_162 : vector<16xf32>
          %swap3A_265 = arith.index_cast %squeeze3A : i32 to index
          %swap3A_266 = arith.constant 0 : index
          %swap3A_267 = tpu.vector_load %arg13[%swap3A_265, %swap3A_266] {strides = array<i32>} : memref<320x128xf32, #tpu.memory_space<vmem>>, vector<16xf32>,
          tpu.vector_store %arg13[%swap3A_265, %swap3A_266], %min3A_264 {strides = array<i32>} : memref<320x128xf32, #tpu.memory_space<vmem>>, vector<16xf32>,
          %min3A_268 = arith.minimumf %get3A_213, %get3A_165 : vector<16xf32>
          %swap3A_269 = arith.index_cast %squeeze3A : i32 to index
          %swap3A_270 = arith.constant 16 : index
          %swap3A_271 = tpu.vector_load %arg13[%swap3A_269, %swap3A_270] {strides = array<i32>} : memref<320x128xf32, #tpu.memory_space<vmem>>, vector<16xf32>,
          tpu.vector_store %arg13[%swap3A_269, %swap3A_270], %min3A_268 {strides = array<i32>} : memref<320x128xf32, #tpu.memory_space<vmem>>, vector<16xf32>,
          %min3A_272 = arith.minimumf %get3A_216, %get3A_168 : vector<16xf32>
          %swap3A_273 = arith.index_cast %squeeze3A : i32 to index
          %swap3A_274 = arith.constant 32 : index
          %swap3A_275 = tpu.vector_load %arg13[%swap3A_273, %swap3A_274] {strides = array<i32>} : memref<320x128xf32, #tpu.memory_space<vmem>>, vector<16xf32>,
          tpu.vector_store %arg13[%swap3A_273, %swap3A_274], %min3A_272 {strides = array<i32>} : memref<320x128xf32, #tpu.memory_space<vmem>>, vector<16xf32>,
          %min3A_276 = arith.minimumf %get3A_219, %get3A_171 : vector<16xf32>
          %swap3A_277 = arith.index_cast %squeeze3A : i32 to index
          %swap3A_278 = arith.constant 48 : index
          %swap3A_279 = tpu.vector_load %arg13[%swap3A_277, %swap3A_278] {strides = array<i32>} : memref<320x128xf32, #tpu.memory_space<vmem>>, vector<16xf32>,
          tpu.vector_store %arg13[%swap3A_277, %swap3A_278], %min3A_276 {strides = array<i32>} : memref<320x128xf32, #tpu.memory_space<vmem>>, vector<16xf32>,
          %min3A_280 = arith.minimumf %get3A_222, %get3A_174 : vector<16xf32>
          %swap3A_281 = arith.index_cast %squeeze3A : i32 to index
          %swap3A_282 = arith.constant 64 : index
          %swap3A_283 = tpu.vector_load %arg13[%swap3A_281, %swap3A_282] {strides = array<i32>} : memref<320x128xf32, #tpu.memory_space<vmem>>, vector<16xf32>,
          tpu.vector_store %arg13[%swap3A_281, %swap3A_282], %min3A_280 {strides = array<i32>} : memref<320x128xf32, #tpu.memory_space<vmem>>, vector<16xf32>,
          %min3A_284 = arith.minimumf %get3A_225, %get3A_177 : vector<16xf32>
          %swap3A_285 = arith.index_cast %squeeze3A : i32 to index
          %swap3A_286 = arith.constant 80 : index
          %swap3A_287 = tpu.vector_load %arg13[%swap3A_285, %swap3A_286] {strides = array<i32>} : memref<320x128xf32, #tpu.memory_space<vmem>>, vector<16xf32>,
          tpu.vector_store %arg13[%swap3A_285, %swap3A_286], %min3A_284 {strides = array<i32>} : memref<320x128xf32, #tpu.memory_space<vmem>>, vector<16xf32>,
          %min3A_288 = arith.minimumf %get3A_228, %get3A_180 : vector<16xf32>
          %swap3A_289 = arith.index_cast %squeeze3A : i32 to index
          %swap3A_290 = arith.constant 96 : index
          %swap3A_291 = tpu.vector_load %arg13[%swap3A_289, %swap3A_290] {strides = array<i32>} : memref<320x128xf32, #tpu.memory_space<vmem>>, vector<16xf32>,
          tpu.vector_store %arg13[%swap3A_289, %swap3A_290], %min3A_288 {strides = array<i32>} : memref<320x128xf32, #tpu.memory_space<vmem>>, vector<16xf32>,
          %min3A_292 = arith.minimumf %get3A_231, %get3A_183 : vector<16xf32>
          %swap3A_293 = arith.index_cast %squeeze3A : i32 to index
          %swap3A_294 = arith.constant 112 : index
          %swap3A_295 = tpu.vector_load %arg13[%swap3A_293, %swap3A_294] {strides = array<i32>} : memref<320x128xf32, #tpu.memory_space<vmem>>, vector<16xf32>,
          tpu.vector_store %arg13[%swap3A_293, %swap3A_294], %min3A_292 {strides = array<i32>} : memref<320x128xf32, #tpu.memory_space<vmem>>, vector<16xf32>,
        }
        %while3A_155 = arith.constant 1 : i32
        scf.for %while3A_156 = %while3A_153 to %while3A_149 step %while3A_155  : i32 {
          %add3A_157 = arith.addi %mul3A_137, %while3A_156 : i32
          %get3A_158 = arith.index_cast %add3A_157 : i32 to index
          %get3A_159 = tpu.vector_load %arg9[%get3A_158] {strides = array<i32>} : memref<1152xi32, #tpu.memory_space<vmem>>, vector<16xi32>,
          %slice3A = vector.extract_strided_slice %get3A_159 {offsets = [0], sizes = [1], strides = [1]} : vector<16xi32> to vector<1xi32>
          %squeeze3A = vector.extract %slice3A[0] : i32 from vector<1xi32>
          %get3A_160 = arith.index_cast %while3A_156 : i32 to index
          %get3A_161 = arith.constant 0 : index
          %get3A_162 = tpu.vector_load %arg11[%get3A_160, %get3A_161] {strides = array<i32>} : memref<64x128xf32, #tpu.memory_space<vmem>>, vector<16xf32>,
          %get3A_163 = arith.index_cast %while3A_156 : i32 to index
          %get3A_164 = arith.constant 16 : index
          %get3A_165 = tpu.vector_load %arg11[%get3A_163, %get3A_164] {strides = array<i32>} : memref<64x128xf32, #tpu.memory_space<vmem>>, vector<16xf32>,
          %get3A_166 = arith.index_cast %while3A_156 : i32 to index
          %get3A_167 = arith.constant 32 : index
          %get3A_168 = tpu.vector_load %arg11[%get3A_166, %get3A_167] {strides = array<i32>} : memref<64x128xf32, #tpu.memory_space<vmem>>, vector<16xf32>,
          %get3A_169 = arith.index_cast %while3A_156 : i32 to index
          %get3A_170 = arith.constant 48 : index
          %get3A_171 = tpu.vector_load %arg11[%get3A_169, %get3A_170] {strides = array<i32>} : memref<64x128xf32, #tpu.memory_space<vmem>>, vector<16xf32>,
          %get3A_172 = arith.index_cast %while3A_156 : i32 to index
          %get3A_173 = arith.constant 64 : index
          %get3A_174 = tpu.vector_load %arg11[%get3A_172, %get3A_173] {strides = array<i32>} : memref<64x128xf32, #tpu.memory_space<vmem>>, vector<16xf32>,
          %get3A_175 = arith.index_cast %while3A_156 : i32 to index
          %get3A_176 = arith.constant 80 : index
          %get3A_177 = tpu.vector_load %arg11[%get3A_175, %get3A_176] {strides = array<i32>} : memref<64x128xf32, #tpu.memory_space<vmem>>, vector<16xf32>,
          %get3A_178 = arith.index_cast %while3A_156 : i32 to index
          %get3A_179 = arith.constant 96 : index
          %get3A_180 = tpu.vector_load %arg11[%get3A_178, %get3A_179] {strides = array<i32>} : memref<64x128xf32, #tpu.memory_space<vmem>>, vector<16xf32>,
          %get3A_181 = arith.index_cast %while3A_156 : i32 to index
          %get3A_182 = arith.constant 112 : index
          %get3A_183 = tpu.vector_load %arg11[%get3A_181, %get3A_182] {strides = array<i32>} : memref<64x128xf32, #tpu.memory_space<vmem>>, vector<16xf32>,
          %get3A_184 = arith.index_cast %squeeze3A : i32 to index
          %get3A_185 = arith.constant 0 : index
          %get3A_186 = tpu.vector_load %arg12[%get3A_184, %get3A_185] {strides = array<i32>} : memref<320x128xf32, #tpu.memory_space<vmem>>, vector<16xf32>,
          %get3A_187 = arith.index_cast %squeeze3A : i32 to index
          %get3A_188 = arith.constant 16 : index
          %get3A_189 = tpu.vector_load %arg12[%get3A_187, %get3A_188] {strides = array<i32>} : memref<320x128xf32, #tpu.memory_space<vmem>>, vector<16xf32>,
          %get3A_190 = arith.index_cast %squeeze3A : i32 to index
          %get3A_191 = arith.constant 32 : index
          %get3A_192 = tpu.vector_load %arg12[%get3A_190, %get3A_191] {strides = array<i32>} : memref<320x128xf32, #tpu.memory_space<vmem>>, vector<16xf32>,
          %get3A_193 = arith.index_cast %squeeze3A : i32 to index
          %get3A_194 = arith.constant 48 : index
          %get3A_195 = tpu.vector_load %arg12[%get3A_193, %get3A_194] {strides = array<i32>} : memref<320x128xf32, #tpu.memory_space<vmem>>, vector<16xf32>,
          %get3A_196 = arith.index_cast %squeeze3A : i32 to index
          %get3A_197 = arith.constant 64 : index
          %get3A_198 = tpu.vector_load %arg12[%get3A_196, %get3A_197] {strides = array<i32>} : memref<320x128xf32, #tpu.memory_space<vmem>>, vector<16xf32>,
          %get3A_199 = arith.index_cast %squeeze3A : i32 to index
          %get3A_200 = arith.constant 80 : index
          %get3A_201 = tpu.vector_load %arg12[%get3A_199, %get3A_200] {strides = array<i32>} : memref<320x128xf32, #tpu.memory_space<vmem>>, vector<16xf32>,
          %get3A_202 = arith.index_cast %squeeze3A : i32 to index
          %get3A_203 = arith.constant 96 : index
          %get3A_204 = tpu.vector_load %arg12[%get3A_202, %get3A_203] {strides = array<i32>} : memref<320x128xf32, #tpu.memory_space<vmem>>, vector<16xf32>,
          %get3A_205 = arith.index_cast %squeeze3A : i32 to index
          %get3A_206 = arith.constant 112 : index
          %get3A_207 = tpu.vector_load %arg12[%get3A_205, %get3A_206] {strides = array<i32>} : memref<320x128xf32, #tpu.memory_space<vmem>>, vector<16xf32>,
          %get3A_208 = arith.index_cast %squeeze3A : i32 to index
          %get3A_209 = arith.constant 0 : index
          %get3A_210 = tpu.vector_load %arg13[%get3A_208, %get3A_209] {strides = array<i32>} : memref<320x128xf32, #tpu.memory_space<vmem>>, vector<16xf32>,
          %get3A_211 = arith.index_cast %squeeze3A : i32 to index
          %get3A_212 = arith.constant 16 : index
          %get3A_213 = tpu.vector_load %arg13[%get3A_211, %get3A_212] {strides = array<i32>} : memref<320x128xf32, #tpu.memory_space<vmem>>, vector<16xf32>,
          %get3A_214 = arith.index_cast %squeeze3A : i32 to index
          %get3A_215 = arith.constant 32 : index
          %get3A_216 = tpu.vector_load %arg13[%get3A_214, %get3A_215] {strides = array<i32>} : memref<320x128xf32, #tpu.memory_space<vmem>>, vector<16xf32>,
          %get3A_217 = arith.index_cast %squeeze3A : i32 to index
          %get3A_218 = arith.constant 48 : index
          %get3A_219 = tpu.vector_load %arg13[%get3A_217, %get3A_218] {strides = array<i32>} : memref<320x128xf32, #tpu.memory_space<vmem>>, vector<16xf32>,
          %get3A_220 = arith.index_cast %squeeze3A : i32 to index
          %get3A_221 = arith.constant 64 : index
          %get3A_222 = tpu.vector_load %arg13[%get3A_220, %get3A_221] {strides = array<i32>} : memref<320x128xf32, #tpu.memory_space<vmem>>, vector<16xf32>,
          %get3A_223 = arith.index_cast %squeeze3A : i32 to index
          %get3A_224 = arith.constant 80 : index
          %get3A_225 = tpu.vector_load %arg13[%get3A_223, %get3A_224] {strides = array<i32>} : memref<320x128xf32, #tpu.memory_space<vmem>>, vector<16xf32>,
          %get3A_226 = arith.index_cast %squeeze3A : i32 to index
          %get3A_227 = arith.constant 96 : index
          %get3A_228 = tpu.vector_load %arg13[%get3A_226, %get3A_227] {strides = array<i32>} : memref<320x128xf32, #tpu.memory_space<vmem>>, vector<16xf32>,
          %get3A_229 = arith.index_cast %squeeze3A : i32 to index
          %get3A_230 = arith.constant 112 : index
          %get3A_231 = tpu.vector_load %arg13[%get3A_229, %get3A_230] {strides = array<i32>} : memref<320x128xf32, #tpu.memory_space<vmem>>, vector<16xf32>,
          %max3A_232 = arith.maximumf %get3A_186, %get3A_162 : vector<16xf32>
          %swap3A_233 = arith.index_cast %squeeze3A : i32 to index
          %swap3A_234 = arith.constant 0 : index
          %swap3A_235 = tpu.vector_load %arg12[%swap3A_233, %swap3A_234] {strides = array<i32>} : memref<320x128xf32, #tpu.memory_space<vmem>>, vector<16xf32>,
          tpu.vector_store %arg12[%swap3A_233, %swap3A_234], %max3A_232 {strides = array<i32>} : memref<320x128xf32, #tpu.memory_space<vmem>>, vector<16xf32>,
          %max3A_236 = arith.maximumf %get3A_189, %get3A_165 : vector<16xf32>
          %swap3A_237 = arith.index_cast %squeeze3A : i32 to index
          %swap3A_238 = arith.constant 16 : index
          %swap3A_239 = tpu.vector_load %arg12[%swap3A_237, %swap3A_238] {strides = array<i32>} : memref<320x128xf32, #tpu.memory_space<vmem>>, vector<16xf32>,
          tpu.vector_store %arg12[%swap3A_237, %swap3A_238], %max3A_236 {strides = array<i32>} : memref<320x128xf32, #tpu.memory_space<vmem>>, vector<16xf32>,
          %max3A_240 = arith.maximumf %get3A_192, %get3A_168 : vector<16xf32>
          %swap3A_241 = arith.index_cast %squeeze3A : i32 to index
          %swap3A_242 = arith.constant 32 : index
          %swap3A_243 = tpu.vector_load %arg12[%swap3A_241, %swap3A_242] {strides = array<i32>} : memref<320x128xf32, #tpu.memory_space<vmem>>, vector<16xf32>,
          tpu.vector_store %arg12[%swap3A_241, %swap3A_242], %max3A_240 {strides = array<i32>} : memref<320x128xf32, #tpu.memory_space<vmem>>, vector<16xf32>,
          %max3A_244 = arith.maximumf %get3A_195, %get3A_171 : vector<16xf32>
          %swap3A_245 = arith.index_cast %squeeze3A : i32 to index
          %swap3A_246 = arith.constant 48 : index
          %swap3A_247 = tpu.vector_load %arg12[%swap3A_245, %swap3A_246] {strides = array<i32>} : memref<320x128xf32, #tpu.memory_space<vmem>>, vector<16xf32>,
          tpu.vector_store %arg12[%swap3A_245, %swap3A_246], %max3A_244 {strides = array<i32>} : memref<320x128xf32, #tpu.memory_space<vmem>>, vector<16xf32>,
          %max3A_248 = arith.maximumf %get3A_198, %get3A_174 : vector<16xf32>
          %swap3A_249 = arith.index_cast %squeeze3A : i32 to index
          %swap3A_250 = arith.constant 64 : index
          %swap3A_251 = tpu.vector_load %arg12[%swap3A_249, %swap3A_250] {strides = array<i32>} : memref<320x128xf32, #tpu.memory_space<vmem>>, vector<16xf32>,
          tpu.vector_store %arg12[%swap3A_249, %swap3A_250], %max3A_248 {strides = array<i32>} : memref<320x128xf32, #tpu.memory_space<vmem>>, vector<16xf32>,
          %max3A_252 = arith.maximumf %get3A_201, %get3A_177 : vector<16xf32>
          %swap3A_253 = arith.index_cast %squeeze3A : i32 to index
          %swap3A_254 = arith.constant 80 : index
          %swap3A_255 = tpu.vector_load %arg12[%swap3A_253, %swap3A_254] {strides = array<i32>} : memref<320x128xf32, #tpu.memory_space<vmem>>, vector<16xf32>,
          tpu.vector_store %arg12[%swap3A_253, %swap3A_254], %max3A_252 {strides = array<i32>} : memref<320x128xf32, #tpu.memory_space<vmem>>, vector<16xf32>,
          %max3A_256 = arith.maximumf %get3A_204, %get3A_180 : vector<16xf32>
          %swap3A_257 = arith.index_cast %squeeze3A : i32 to index
          %swap3A_258 = arith.constant 96 : index
          %swap3A_259 = tpu.vector_load %arg12[%swap3A_257, %swap3A_258] {strides = array<i32>} : memref<320x128xf32, #tpu.memory_space<vmem>>, vector<16xf32>,
          tpu.vector_store %arg12[%swap3A_257, %swap3A_258], %max3A_256 {strides = array<i32>} : memref<320x128xf32, #tpu.memory_space<vmem>>, vector<16xf32>,
          %max3A_260 = arith.maximumf %get3A_207, %get3A_183 : vector<16xf32>
          %swap3A_261 = arith.index_cast %squeeze3A : i32 to index
          %swap3A_262 = arith.constant 112 : index
          %swap3A_263 = tpu.vector_load %arg12[%swap3A_261, %swap3A_262] {strides = array<i32>} : memref<320x128xf32, #tpu.memory_space<vmem>>, vector<16xf32>,
          tpu.vector_store %arg12[%swap3A_261, %swap3A_262], %max3A_260 {strides = array<i32>} : memref<320x128xf32, #tpu.memory_space<vmem>>, vector<16xf32>,
          %min3A_264 = arith.minimumf %get3A_210, %get3A_162 : vector<16xf32>
          %swap3A_265 = arith.index_cast %squeeze3A : i32 to index
          %swap3A_266 = arith.constant 0 : index
          %swap3A_267 = tpu.vector_load %arg13[%swap3A_265, %swap3A_266] {strides = array<i32>} : memref<320x128xf32, #tpu.memory_space<vmem>>, vector<16xf32>,
          tpu.vector_store %arg13[%swap3A_265, %swap3A_266], %min3A_264 {strides = array<i32>} : memref<320x128xf32, #tpu.memory_space<vmem>>, vector<16xf32>,
          %min3A_268 = arith.minimumf %get3A_213, %get3A_165 : vector<16xf32>
          %swap3A_269 = arith.index_cast %squeeze3A : i32 to index
          %swap3A_270 = arith.constant 16 : index
          %swap3A_271 = tpu.vector_load %arg13[%swap3A_269, %swap3A_270] {strides = array<i32>} : memref<320x128xf32, #tpu.memory_space<vmem>>, vector<16xf32>,
          tpu.vector_store %arg13[%swap3A_269, %swap3A_270], %min3A_268 {strides = array<i32>} : memref<320x128xf32, #tpu.memory_space<vmem>>, vector<16xf32>,
          %min3A_272 = arith.minimumf %get3A_216, %get3A_168 : vector<16xf32>
          %swap3A_273 = arith.index_cast %squeeze3A : i32 to index
          %swap3A_274 = arith.constant 32 : index
          %swap3A_275 = tpu.vector_load %arg13[%swap3A_273, %swap3A_274] {strides = array<i32>} : memref<320x128xf32, #tpu.memory_space<vmem>>, vector<16xf32>,
          tpu.vector_store %arg13[%swap3A_273, %swap3A_274], %min3A_272 {strides = array<i32>} : memref<320x128xf32, #tpu.memory_space<vmem>>, vector<16xf32>,
          %min3A_276 = arith.minimumf %get3A_219, %get3A_171 : vector<16xf32>
          %swap3A_277 = arith.index_cast %squeeze3A : i32 to index
          %swap3A_278 = arith.constant 48 : index
          %swap3A_279 = tpu.vector_load %arg13[%swap3A_277, %swap3A_278] {strides = array<i32>} : memref<320x128xf32, #tpu.memory_space<vmem>>, vector<16xf32>,
          tpu.vector_store %arg13[%swap3A_277, %swap3A_278], %min3A_276 {strides = array<i32>} : memref<320x128xf32, #tpu.memory_space<vmem>>, vector<16xf32>,
          %min3A_280 = arith.minimumf %get3A_222, %get3A_174 : vector<16xf32>
          %swap3A_281 = arith.index_cast %squeeze3A : i32 to index
          %swap3A_282 = arith.constant 64 : index
          %swap3A_283 = tpu.vector_load %arg13[%swap3A_281, %swap3A_282] {strides = array<i32>} : memref<320x128xf32, #tpu.memory_space<vmem>>, vector<16xf32>,
          tpu.vector_store %arg13[%swap3A_281, %swap3A_282], %min3A_280 {strides = array<i32>} : memref<320x128xf32, #tpu.memory_space<vmem>>, vector<16xf32>,
          %min3A_284 = arith.minimumf %get3A_225, %get3A_177 : vector<16xf32>
          %swap3A_285 = arith.index_cast %squeeze3A : i32 to index
          %swap3A_286 = arith.constant 80 : index
          %swap3A_287 = tpu.vector_load %arg13[%swap3A_285, %swap3A_286] {strides = array<i32>} : memref<320x128xf32, #tpu.memory_space<vmem>>, vector<16xf32>,
          tpu.vector_store %arg13[%swap3A_285, %swap3A_286], %min3A_284 {strides = array<i32>} : memref<320x128xf32, #tpu.memory_space<vmem>>, vector<16xf32>,
          %min3A_288 = arith.minimumf %get3A_228, %get3A_180 : vector<16xf32>
          %swap3A_289 = arith.index_cast %squeeze3A : i32 to index
          %swap3A_290 = arith.constant 96 : index
          %swap3A_291 = tpu.vector_load %arg13[%swap3A_289, %swap3A_290] {strides = array<i32>} : memref<320x128xf32, #tpu.memory_space<vmem>>, vector<16xf32>,
          tpu.vector_store %arg13[%swap3A_289, %swap3A_290], %min3A_288 {strides = array<i32>} : memref<320x128xf32, #tpu.memory_space<vmem>>, vector<16xf32>,
          %min3A_292 = arith.minimumf %get3A_231, %get3A_183 : vector<16xf32>
          %swap3A_293 = arith.index_cast %squeeze3A : i32 to index
          %swap3A_294 = arith.constant 112 : index
          %swap3A_295 = tpu.vector_load %arg13[%swap3A_293, %swap3A_294] {strides = array<i32>} : memref<320x128xf32, #tpu.memory_space<vmem>>, vector<16xf32>,
          tpu.vector_store %arg13[%swap3A_293, %swap3A_294], %min3A_292 {strides = array<i32>} : memref<320x128xf32, #tpu.memory_space<vmem>>, vector<16xf32>,
        }
      }
      %while3A_134 = arith.constant 1 : i32
      scf.for %while3A_135 = %while3A_132 to %while3A_128 step %while3A_134  : i32 {
        %mul3A_136 = arith.constant 64 : i32
        %mul3A_137 = arith.muli %while3A_135, %mul3A_136 : i32
        %dma_start3A = tpu.memref_slice %arg10[%mul3A_137] : memref<1152xi32, #tpu.memory_space<vmem>> -> memref<64xi32, #tpu.memory_space<vmem>>
        %dma_start3A_138 = arith.constant 0 : i32
        %dma_start3A_139 = arith.constant 0 : i32
        %dma_start3A_140 = tpu.memref_slice %arg2[%dma_start3A_138, %dma_start3A_139] : memref<10000x128xf32, #tpu.memory_space<hbm>> -> memref<10000x128xf32, #tpu.memory_space<hbm>>
        tpu.enqueue_indirect_dma source(%dma_start3A_140 : memref<10000x128xf32, #tpu.memory_space<hbm>>) target(%arg11 : memref<64x128xf32, #tpu.memory_space<vmem>>) offsets(%dma_start3A : memref<64xi32, #tpu.memory_space<vmem>>) semaphore(%arg14 : memref<!tpu.dma_semaphore, #tpu.memory_space<semaphore_mem>>)
        %dma_wait3A = tpu.memref_slice %arg10[%mul3A_137] : memref<1152xi32, #tpu.memory_space<vmem>> -> memref<64xi32, #tpu.memory_space<vmem>>
        %dma_wait3A_141 = arith.constant 0 : i32
        %dma_wait3A_142 = arith.constant 0 : i32
        %dma_wait3A_143 = tpu.memref_slice %arg2[%dma_wait3A_141, %dma_wait3A_142] : memref<10000x128xf32, #tpu.memory_space<hbm>> -> memref<10000x128xf32, #tpu.memory_space<hbm>>
        tpu.wait_indirect_dma semaphore(%arg14 : memref<!tpu.dma_semaphore, #tpu.memory_space<semaphore_mem>>) src(%dma_wait3A_143 : memref<10000x128xf32, #tpu.memory_space<hbm>>) dst(%arg11 : memref<64x128xf32, #tpu.memory_space<vmem>>)
        %sub3A_144 = arith.subi %scan3A_29, %mul3A_137 : i32
        %min3A = arith.constant 64 : i32
        %min3A_145 = arith.minsi %sub3A_144, %min3A : i32
        %while3A_146 = arith.constant 0 : i32
        %while3A_147 = arith.constant 0 : i32
        %while3A_148 = arith.subi %min3A_145, %while3A_147 : i32
        %while3A_149 = arith.addi %while3A_147, %while3A_148 : i32
        %while3A_150 = arith.constant 1 : i32
        %while3A_151 = arith.divsi %while3A_148, %while3A_150 : i32
        %while3A_152 = arith.muli %while3A_151, %while3A_150 : i32
        %while3A_153 = arith.addi %while3A_147, %while3A_152 : i32
        %while3A_154 = arith.constant 1 : i32
        scf.for %while3A_156 = %while3A_147 to %while3A_153 step %while3A_154  : i32 {
          %add3A_157 = arith.addi %mul3A_137, %while3A_156 : i32
          %get3A_158 = arith.index_cast %add3A_157 : i32 to index
          %get3A_159 = tpu.vector_load %arg9[%get3A_158] {strides = array<i32>} : memref<1152xi32, #tpu.memory_space<vmem>>, vector<16xi32>,
          %slice3A = vector.extract_strided_slice %get3A_159 {offsets = [0], sizes = [1], strides = [1]} : vector<16xi32> to vector<1xi32>
          %squeeze3A = vector.extract %slice3A[0] : i32 from vector<1xi32>
          %get3A_160 = arith.index_cast %while3A_156 : i32 to index
          %get3A_161 = arith.constant 0 : index
          %get3A_162 = tpu.vector_load %arg11[%get3A_160, %get3A_161] {strides = array<i32>} : memref<64x128xf32, #tpu.memory_space<vmem>>, vector<16xf32>,
          %get3A_163 = arith.index_cast %while3A_156 : i32 to index
          %get3A_164 = arith.constant 16 : index
          %get3A_165 = tpu.vector_load %arg11[%get3A_163, %get3A_164] {strides = array<i32>} : memref<64x128xf32, #tpu.memory_space<vmem>>, vector<16xf32>,
          %get3A_166 = arith.index_cast %while3A_156 : i32 to index
          %get3A_167 = arith.constant 32 : index
          %get3A_168 = tpu.vector_load %arg11[%get3A_166, %get3A_167] {strides = array<i32>} : memref<64x128xf32, #tpu.memory_space<vmem>>, vector<16xf32>,
          %get3A_169 = arith.index_cast %while3A_156 : i32 to index
          %get3A_170 = arith.constant 48 : index
          %get3A_171 = tpu.vector_load %arg11[%get3A_169, %get3A_170] {strides = array<i32>} : memref<64x128xf32, #tpu.memory_space<vmem>>, vector<16xf32>,
          %get3A_172 = arith.index_cast %while3A_156 : i32 to index
          %get3A_173 = arith.constant 64 : index
          %get3A_174 = tpu.vector_load %arg11[%get3A_172, %get3A_173] {strides = array<i32>} : memref<64x128xf32, #tpu.memory_space<vmem>>, vector<16xf32>,
          %get3A_175 = arith.index_cast %while3A_156 : i32 to index
          %get3A_176 = arith.constant 80 : index
          %get3A_177 = tpu.vector_load %arg11[%get3A_175, %get3A_176] {strides = array<i32>} : memref<64x128xf32, #tpu.memory_space<vmem>>, vector<16xf32>,
          %get3A_178 = arith.index_cast %while3A_156 : i32 to index
          %get3A_179 = arith.constant 96 : index
          %get3A_180 = tpu.vector_load %arg11[%get3A_178, %get3A_179] {strides = array<i32>} : memref<64x128xf32, #tpu.memory_space<vmem>>, vector<16xf32>,
          %get3A_181 = arith.index_cast %while3A_156 : i32 to index
          %get3A_182 = arith.constant 112 : index
          %get3A_183 = tpu.vector_load %arg11[%get3A_181, %get3A_182] {strides = array<i32>} : memref<64x128xf32, #tpu.memory_space<vmem>>, vector<16xf32>,
          %get3A_184 = arith.index_cast %squeeze3A : i32 to index
          %get3A_185 = arith.constant 0 : index
          %get3A_186 = tpu.vector_load %arg12[%get3A_184, %get3A_185] {strides = array<i32>} : memref<320x128xf32, #tpu.memory_space<vmem>>, vector<16xf32>,
          %get3A_187 = arith.index_cast %squeeze3A : i32 to index
          %get3A_188 = arith.constant 16 : index
          %get3A_189 = tpu.vector_load %arg12[%get3A_187, %get3A_188] {strides = array<i32>} : memref<320x128xf32, #tpu.memory_space<vmem>>, vector<16xf32>,
          %get3A_190 = arith.index_cast %squeeze3A : i32 to index
          %get3A_191 = arith.constant 32 : index
          %get3A_192 = tpu.vector_load %arg12[%get3A_190, %get3A_191] {strides = array<i32>} : memref<320x128xf32, #tpu.memory_space<vmem>>, vector<16xf32>,
          %get3A_193 = arith.index_cast %squeeze3A : i32 to index
          %get3A_194 = arith.constant 48 : index
          %get3A_195 = tpu.vector_load %arg12[%get3A_193, %get3A_194] {strides = array<i32>} : memref<320x128xf32, #tpu.memory_space<vmem>>, vector<16xf32>,
          %get3A_196 = arith.index_cast %squeeze3A : i32 to index
          %get3A_197 = arith.constant 64 : index
          %get3A_198 = tpu.vector_load %arg12[%get3A_196, %get3A_197] {strides = array<i32>} : memref<320x128xf32, #tpu.memory_space<vmem>>, vector<16xf32>,
          %get3A_199 = arith.index_cast %squeeze3A : i32 to index
          %get3A_200 = arith.constant 80 : index
          %get3A_201 = tpu.vector_load %arg12[%get3A_199, %get3A_200] {strides = array<i32>} : memref<320x128xf32, #tpu.memory_space<vmem>>, vector<16xf32>,
          %get3A_202 = arith.index_cast %squeeze3A : i32 to index
          %get3A_203 = arith.constant 96 : index
          %get3A_204 = tpu.vector_load %arg12[%get3A_202, %get3A_203] {strides = array<i32>} : memref<320x128xf32, #tpu.memory_space<vmem>>, vector<16xf32>,
          %get3A_205 = arith.index_cast %squeeze3A : i32 to index
          %get3A_206 = arith.constant 112 : index
          %get3A_207 = tpu.vector_load %arg12[%get3A_205, %get3A_206] {strides = array<i32>} : memref<320x128xf32, #tpu.memory_space<vmem>>, vector<16xf32>,
          %get3A_208 = arith.index_cast %squeeze3A : i32 to index
          %get3A_209 = arith.constant 0 : index
          %get3A_210 = tpu.vector_load %arg13[%get3A_208, %get3A_209] {strides = array<i32>} : memref<320x128xf32, #tpu.memory_space<vmem>>, vector<16xf32>,
          %get3A_211 = arith.index_cast %squeeze3A : i32 to index
          %get3A_212 = arith.constant 16 : index
          %get3A_213 = tpu.vector_load %arg13[%get3A_211, %get3A_212] {strides = array<i32>} : memref<320x128xf32, #tpu.memory_space<vmem>>, vector<16xf32>,
          %get3A_214 = arith.index_cast %squeeze3A : i32 to index
          %get3A_215 = arith.constant 32 : index
          %get3A_216 = tpu.vector_load %arg13[%get3A_214, %get3A_215] {strides = array<i32>} : memref<320x128xf32, #tpu.memory_space<vmem>>, vector<16xf32>,
          %get3A_217 = arith.index_cast %squeeze3A : i32 to index
          %get3A_218 = arith.constant 48 : index
          %get3A_219 = tpu.vector_load %arg13[%get3A_217, %get3A_218] {strides = array<i32>} : memref<320x128xf32, #tpu.memory_space<vmem>>, vector<16xf32>,
          %get3A_220 = arith.index_cast %squeeze3A : i32 to index
          %get3A_221 = arith.constant 64 : index
          %get3A_222 = tpu.vector_load %arg13[%get3A_220, %get3A_221] {strides = array<i32>} : memref<320x128xf32, #tpu.memory_space<vmem>>, vector<16xf32>,
          %get3A_223 = arith.index_cast %squeeze3A : i32 to index
          %get3A_224 = arith.constant 80 : index
          %get3A_225 = tpu.vector_load %arg13[%get3A_223, %get3A_224] {strides = array<i32>} : memref<320x128xf32, #tpu.memory_space<vmem>>, vector<16xf32>,
          %get3A_226 = arith.index_cast %squeeze3A : i32 to index
          %get3A_227 = arith.constant 96 : index
          %get3A_228 = tpu.vector_load %arg13[%get3A_226, %get3A_227] {strides = array<i32>} : memref<320x128xf32, #tpu.memory_space<vmem>>, vector<16xf32>,
          %get3A_229 = arith.index_cast %squeeze3A : i32 to index
          %get3A_230 = arith.constant 112 : index
          %get3A_231 = tpu.vector_load %arg13[%get3A_229, %get3A_230] {strides = array<i32>} : memref<320x128xf32, #tpu.memory_space<vmem>>, vector<16xf32>,
          %max3A_232 = arith.maximumf %get3A_186, %get3A_162 : vector<16xf32>
          %swap3A_233 = arith.index_cast %squeeze3A : i32 to index
          %swap3A_234 = arith.constant 0 : index
          %swap3A_235 = tpu.vector_load %arg12[%swap3A_233, %swap3A_234] {strides = array<i32>} : memref<320x128xf32, #tpu.memory_space<vmem>>, vector<16xf32>,
          tpu.vector_store %arg12[%swap3A_233, %swap3A_234], %max3A_232 {strides = array<i32>} : memref<320x128xf32, #tpu.memory_space<vmem>>, vector<16xf32>,
          %max3A_236 = arith.maximumf %get3A_189, %get3A_165 : vector<16xf32>
          %swap3A_237 = arith.index_cast %squeeze3A : i32 to index
          %swap3A_238 = arith.constant 16 : index
          %swap3A_239 = tpu.vector_load %arg12[%swap3A_237, %swap3A_238] {strides = array<i32>} : memref<320x128xf32, #tpu.memory_space<vmem>>, vector<16xf32>,
          tpu.vector_store %arg12[%swap3A_237, %swap3A_238], %max3A_236 {strides = array<i32>} : memref<320x128xf32, #tpu.memory_space<vmem>>, vector<16xf32>,
          %max3A_240 = arith.maximumf %get3A_192, %get3A_168 : vector<16xf32>
          %swap3A_241 = arith.index_cast %squeeze3A : i32 to index
          %swap3A_242 = arith.constant 32 : index
          %swap3A_243 = tpu.vector_load %arg12[%swap3A_241, %swap3A_242] {strides = array<i32>} : memref<320x128xf32, #tpu.memory_space<vmem>>, vector<16xf32>,
          tpu.vector_store %arg12[%swap3A_241, %swap3A_242], %max3A_240 {strides = array<i32>} : memref<320x128xf32, #tpu.memory_space<vmem>>, vector<16xf32>,
          %max3A_244 = arith.maximumf %get3A_195, %get3A_171 : vector<16xf32>
          %swap3A_245 = arith.index_cast %squeeze3A : i32 to index
          %swap3A_246 = arith.constant 48 : index
          %swap3A_247 = tpu.vector_load %arg12[%swap3A_245, %swap3A_246] {strides = array<i32>} : memref<320x128xf32, #tpu.memory_space<vmem>>, vector<16xf32>,
          tpu.vector_store %arg12[%swap3A_245, %swap3A_246], %max3A_244 {strides = array<i32>} : memref<320x128xf32, #tpu.memory_space<vmem>>, vector<16xf32>,
          %max3A_248 = arith.maximumf %get3A_198, %get3A_174 : vector<16xf32>
          %swap3A_249 = arith.index_cast %squeeze3A : i32 to index
          %swap3A_250 = arith.constant 64 : index
          %swap3A_251 = tpu.vector_load %arg12[%swap3A_249, %swap3A_250] {strides = array<i32>} : memref<320x128xf32, #tpu.memory_space<vmem>>, vector<16xf32>,
          tpu.vector_store %arg12[%swap3A_249, %swap3A_250], %max3A_248 {strides = array<i32>} : memref<320x128xf32, #tpu.memory_space<vmem>>, vector<16xf32>,
          %max3A_252 = arith.maximumf %get3A_201, %get3A_177 : vector<16xf32>
          %swap3A_253 = arith.index_cast %squeeze3A : i32 to index
          %swap3A_254 = arith.constant 80 : index
          %swap3A_255 = tpu.vector_load %arg12[%swap3A_253, %swap3A_254] {strides = array<i32>} : memref<320x128xf32, #tpu.memory_space<vmem>>, vector<16xf32>,
          tpu.vector_store %arg12[%swap3A_253, %swap3A_254], %max3A_252 {strides = array<i32>} : memref<320x128xf32, #tpu.memory_space<vmem>>, vector<16xf32>,
          %max3A_256 = arith.maximumf %get3A_204, %get3A_180 : vector<16xf32>
          %swap3A_257 = arith.index_cast %squeeze3A : i32 to index
          %swap3A_258 = arith.constant 96 : index
          %swap3A_259 = tpu.vector_load %arg12[%swap3A_257, %swap3A_258] {strides = array<i32>} : memref<320x128xf32, #tpu.memory_space<vmem>>, vector<16xf32>,
          tpu.vector_store %arg12[%swap3A_257, %swap3A_258], %max3A_256 {strides = array<i32>} : memref<320x128xf32, #tpu.memory_space<vmem>>, vector<16xf32>,
          %max3A_260 = arith.maximumf %get3A_207, %get3A_183 : vector<16xf32>
          %swap3A_261 = arith.index_cast %squeeze3A : i32 to index
          %swap3A_262 = arith.constant 112 : index
          %swap3A_263 = tpu.vector_load %arg12[%swap3A_261, %swap3A_262] {strides = array<i32>} : memref<320x128xf32, #tpu.memory_space<vmem>>, vector<16xf32>,
          tpu.vector_store %arg12[%swap3A_261, %swap3A_262], %max3A_260 {strides = array<i32>} : memref<320x128xf32, #tpu.memory_space<vmem>>, vector<16xf32>,
          %min3A_264 = arith.minimumf %get3A_210, %get3A_162 : vector<16xf32>
          %swap3A_265 = arith.index_cast %squeeze3A : i32 to index
          %swap3A_266 = arith.constant 0 : index
          %swap3A_267 = tpu.vector_load %arg13[%swap3A_265, %swap3A_266] {strides = array<i32>} : memref<320x128xf32, #tpu.memory_space<vmem>>, vector<16xf32>,
          tpu.vector_store %arg13[%swap3A_265, %swap3A_266], %min3A_264 {strides = array<i32>} : memref<320x128xf32, #tpu.memory_space<vmem>>, vector<16xf32>,
          %min3A_268 = arith.minimumf %get3A_213, %get3A_165 : vector<16xf32>
          %swap3A_269 = arith.index_cast %squeeze3A : i32 to index
          %swap3A_270 = arith.constant 16 : index
          %swap3A_271 = tpu.vector_load %arg13[%swap3A_269, %swap3A_270] {strides = array<i32>} : memref<320x128xf32, #tpu.memory_space<vmem>>, vector<16xf32>,
          tpu.vector_store %arg13[%swap3A_269, %swap3A_270], %min3A_268 {strides = array<i32>} : memref<320x128xf32, #tpu.memory_space<vmem>>, vector<16xf32>,
          %min3A_272 = arith.minimumf %get3A_216, %get3A_168 : vector<16xf32>
          %swap3A_273 = arith.index_cast %squeeze3A : i32 to index
          %swap3A_274 = arith.constant 32 : index
          %swap3A_275 = tpu.vector_load %arg13[%swap3A_273, %swap3A_274] {strides = array<i32>} : memref<320x128xf32, #tpu.memory_space<vmem>>, vector<16xf32>,
          tpu.vector_store %arg13[%swap3A_273, %swap3A_274], %min3A_272 {strides = array<i32>} : memref<320x128xf32, #tpu.memory_space<vmem>>, vector<16xf32>,
          %min3A_276 = arith.minimumf %get3A_219, %get3A_171 : vector<16xf32>
          %swap3A_277 = arith.index_cast %squeeze3A : i32 to index
          %swap3A_278 = arith.constant 48 : index
          %swap3A_279 = tpu.vector_load %arg13[%swap3A_277, %swap3A_278] {strides = array<i32>} : memref<320x128xf32, #tpu.memory_space<vmem>>, vector<16xf32>,
          tpu.vector_store %arg13[%swap3A_277, %swap3A_278], %min3A_276 {strides = array<i32>} : memref<320x128xf32, #tpu.memory_space<vmem>>, vector<16xf32>,
          %min3A_280 = arith.minimumf %get3A_222, %get3A_174 : vector<16xf32>
          %swap3A_281 = arith.index_cast %squeeze3A : i32 to index
          %swap3A_282 = arith.constant 64 : index
          %swap3A_283 = tpu.vector_load %arg13[%swap3A_281, %swap3A_282] {strides = array<i32>} : memref<320x128xf32, #tpu.memory_space<vmem>>, vector<16xf32>,
          tpu.vector_store %arg13[%swap3A_281, %swap3A_282], %min3A_280 {strides = array<i32>} : memref<320x128xf32, #tpu.memory_space<vmem>>, vector<16xf32>,
          %min3A_284 = arith.minimumf %get3A_225, %get3A_177 : vector<16xf32>
          %swap3A_285 = arith.index_cast %squeeze3A : i32 to index
          %swap3A_286 = arith.constant 80 : index
          %swap3A_287 = tpu.vector_load %arg13[%swap3A_285, %swap3A_286] {strides = array<i32>} : memref<320x128xf32, #tpu.memory_space<vmem>>, vector<16xf32>,
          tpu.vector_store %arg13[%swap3A_285, %swap3A_286], %min3A_284 {strides = array<i32>} : memref<320x128xf32, #tpu.memory_space<vmem>>, vector<16xf32>,
          %min3A_288 = arith.minimumf %get3A_228, %get3A_180 : vector<16xf32>
          %swap3A_289 = arith.index_cast %squeeze3A : i32 to index
          %swap3A_290 = arith.constant 96 : index
          %swap3A_291 = tpu.vector_load %arg13[%swap3A_289, %swap3A_290] {strides = array<i32>} : memref<320x128xf32, #tpu.memory_space<vmem>>, vector<16xf32>,
          tpu.vector_store %arg13[%swap3A_289, %swap3A_290], %min3A_288 {strides = array<i32>} : memref<320x128xf32, #tpu.memory_space<vmem>>, vector<16xf32>,
          %min3A_292 = arith.minimumf %get3A_231, %get3A_183 : vector<16xf32>
          %swap3A_293 = arith.index_cast %squeeze3A : i32 to index
          %swap3A_294 = arith.constant 112 : index
          %swap3A_295 = tpu.vector_load %arg13[%swap3A_293, %swap3A_294] {strides = array<i32>} : memref<320x128xf32, #tpu.memory_space<vmem>>, vector<16xf32>,
          tpu.vector_store %arg13[%swap3A_293, %swap3A_294], %min3A_292 {strides = array<i32>} : memref<320x128xf32, #tpu.memory_space<vmem>>, vector<16xf32>,
        }
        %while3A_155 = arith.constant 1 : i32
        scf.for %while3A_156 = %while3A_153 to %while3A_149 step %while3A_155  : i32 {
          %add3A_157 = arith.addi %mul3A_137, %while3A_156 : i32
          %get3A_158 = arith.index_cast %add3A_157 : i32 to index
          %get3A_159 = tpu.vector_load %arg9[%get3A_158] {strides = array<i32>} : memref<1152xi32, #tpu.memory_space<vmem>>, vector<16xi32>,
          %slice3A = vector.extract_strided_slice %get3A_159 {offsets = [0], sizes = [1], strides = [1]} : vector<16xi32> to vector<1xi32>
          %squeeze3A = vector.extract %slice3A[0] : i32 from vector<1xi32>
          %get3A_160 = arith.index_cast %while3A_156 : i32 to index
          %get3A_161 = arith.constant 0 : index
          %get3A_162 = tpu.vector_load %arg11[%get3A_160, %get3A_161] {strides = array<i32>} : memref<64x128xf32, #tpu.memory_space<vmem>>, vector<16xf32>,
          %get3A_163 = arith.index_cast %while3A_156 : i32 to index
          %get3A_164 = arith.constant 16 : index
          %get3A_165 = tpu.vector_load %arg11[%get3A_163, %get3A_164] {strides = array<i32>} : memref<64x128xf32, #tpu.memory_space<vmem>>, vector<16xf32>,
          %get3A_166 = arith.index_cast %while3A_156 : i32 to index
          %get3A_167 = arith.constant 32 : index
          %get3A_168 = tpu.vector_load %arg11[%get3A_166, %get3A_167] {strides = array<i32>} : memref<64x128xf32, #tpu.memory_space<vmem>>, vector<16xf32>,
          %get3A_169 = arith.index_cast %while3A_156 : i32 to index
          %get3A_170 = arith.constant 48 : index
          %get3A_171 = tpu.vector_load %arg11[%get3A_169, %get3A_170] {strides = array<i32>} : memref<64x128xf32, #tpu.memory_space<vmem>>, vector<16xf32>,
          %get3A_172 = arith.index_cast %while3A_156 : i32 to index
          %get3A_173 = arith.constant 64 : index
          %get3A_174 = tpu.vector_load %arg11[%get3A_172, %get3A_173] {strides = array<i32>} : memref<64x128xf32, #tpu.memory_space<vmem>>, vector<16xf32>,
          %get3A_175 = arith.index_cast %while3A_156 : i32 to index
          %get3A_176 = arith.constant 80 : index
          %get3A_177 = tpu.vector_load %arg11[%get3A_175, %get3A_176] {strides = array<i32>} : memref<64x128xf32, #tpu.memory_space<vmem>>, vector<16xf32>,
          %get3A_178 = arith.index_cast %while3A_156 : i32 to index
          %get3A_179 = arith.constant 96 : index
          %get3A_180 = tpu.vector_load %arg11[%get3A_178, %get3A_179] {strides = array<i32>} : memref<64x128xf32, #tpu.memory_space<vmem>>, vector<16xf32>,
          %get3A_181 = arith.index_cast %while3A_156 : i32 to index
          %get3A_182 = arith.constant 112 : index
          %get3A_183 = tpu.vector_load %arg11[%get3A_181, %get3A_182] {strides = array<i32>} : memref<64x128xf32, #tpu.memory_space<vmem>>, vector<16xf32>,
          %get3A_184 = arith.index_cast %squeeze3A : i32 to index
          %get3A_185 = arith.constant 0 : index
          %get3A_186 = tpu.vector_load %arg12[%get3A_184, %get3A_185] {strides = array<i32>} : memref<320x128xf32, #tpu.memory_space<vmem>>, vector<16xf32>,
          %get3A_187 = arith.index_cast %squeeze3A : i32 to index
          %get3A_188 = arith.constant 16 : index
          %get3A_189 = tpu.vector_load %arg12[%get3A_187, %get3A_188] {strides = array<i32>} : memref<320x128xf32, #tpu.memory_space<vmem>>, vector<16xf32>,
          %get3A_190 = arith.index_cast %squeeze3A : i32 to index
          %get3A_191 = arith.constant 32 : index
          %get3A_192 = tpu.vector_load %arg12[%get3A_190, %get3A_191] {strides = array<i32>} : memref<320x128xf32, #tpu.memory_space<vmem>>, vector<16xf32>,
          %get3A_193 = arith.index_cast %squeeze3A : i32 to index
          %get3A_194 = arith.constant 48 : index
          %get3A_195 = tpu.vector_load %arg12[%get3A_193, %get3A_194] {strides = array<i32>} : memref<320x128xf32, #tpu.memory_space<vmem>>, vector<16xf32>,
          %get3A_196 = arith.index_cast %squeeze3A : i32 to index
          %get3A_197 = arith.constant 64 : index
          %get3A_198 = tpu.vector_load %arg12[%get3A_196, %get3A_197] {strides = array<i32>} : memref<320x128xf32, #tpu.memory_space<vmem>>, vector<16xf32>,
          %get3A_199 = arith.index_cast %squeeze3A : i32 to index
          %get3A_200 = arith.constant 80 : index
          %get3A_201 = tpu.vector_load %arg12[%get3A_199, %get3A_200] {strides = array<i32>} : memref<320x128xf32, #tpu.memory_space<vmem>>, vector<16xf32>,
          %get3A_202 = arith.index_cast %squeeze3A : i32 to index
          %get3A_203 = arith.constant 96 : index
          %get3A_204 = tpu.vector_load %arg12[%get3A_202, %get3A_203] {strides = array<i32>} : memref<320x128xf32, #tpu.memory_space<vmem>>, vector<16xf32>,
          %get3A_205 = arith.index_cast %squeeze3A : i32 to index
          %get3A_206 = arith.constant 112 : index
          %get3A_207 = tpu.vector_load %arg12[%get3A_205, %get3A_206] {strides = array<i32>} : memref<320x128xf32, #tpu.memory_space<vmem>>, vector<16xf32>,
          %get3A_208 = arith.index_cast %squeeze3A : i32 to index
          %get3A_209 = arith.constant 0 : index
          %get3A_210 = tpu.vector_load %arg13[%get3A_208, %get3A_209] {strides = array<i32>} : memref<320x128xf32, #tpu.memory_space<vmem>>, vector<16xf32>,
          %get3A_211 = arith.index_cast %squeeze3A : i32 to index
          %get3A_212 = arith.constant 16 : index
          %get3A_213 = tpu.vector_load %arg13[%get3A_211, %get3A_212] {strides = array<i32>} : memref<320x128xf32, #tpu.memory_space<vmem>>, vector<16xf32>,
          %get3A_214 = arith.index_cast %squeeze3A : i32 to index
          %get3A_215 = arith.constant 32 : index
          %get3A_216 = tpu.vector_load %arg13[%get3A_214, %get3A_215] {strides = array<i32>} : memref<320x128xf32, #tpu.memory_space<vmem>>, vector<16xf32>,
          %get3A_217 = arith.index_cast %squeeze3A : i32 to index
          %get3A_218 = arith.constant 48 : index
          %get3A_219 = tpu.vector_load %arg13[%get3A_217, %get3A_218] {strides = array<i32>} : memref<320x128xf32, #tpu.memory_space<vmem>>, vector<16xf32>,
          %get3A_220 = arith.index_cast %squeeze3A : i32 to index
          %get3A_221 = arith.constant 64 : index
          %get3A_222 = tpu.vector_load %arg13[%get3A_220, %get3A_221] {strides = array<i32>} : memref<320x128xf32, #tpu.memory_space<vmem>>, vector<16xf32>,
          %get3A_223 = arith.index_cast %squeeze3A : i32 to index
          %get3A_224 = arith.constant 80 : index
          %get3A_225 = tpu.vector_load %arg13[%get3A_223, %get3A_224] {strides = array<i32>} : memref<320x128xf32, #tpu.memory_space<vmem>>, vector<16xf32>,
          %get3A_226 = arith.index_cast %squeeze3A : i32 to index
          %get3A_227 = arith.constant 96 : index
          %get3A_228 = tpu.vector_load %arg13[%get3A_226, %get3A_227] {strides = array<i32>} : memref<320x128xf32, #tpu.memory_space<vmem>>, vector<16xf32>,
          %get3A_229 = arith.index_cast %squeeze3A : i32 to index
          %get3A_230 = arith.constant 112 : index
          %get3A_231 = tpu.vector_load %arg13[%get3A_229, %get3A_230] {strides = array<i32>} : memref<320x128xf32, #tpu.memory_space<vmem>>, vector<16xf32>,
          %max3A_232 = arith.maximumf %get3A_186, %get3A_162 : vector<16xf32>
          %swap3A_233 = arith.index_cast %squeeze3A : i32 to index
          %swap3A_234 = arith.constant 0 : index
          %swap3A_235 = tpu.vector_load %arg12[%swap3A_233, %swap3A_234] {strides = array<i32>} : memref<320x128xf32, #tpu.memory_space<vmem>>, vector<16xf32>,
          tpu.vector_store %arg12[%swap3A_233, %swap3A_234], %max3A_232 {strides = array<i32>} : memref<320x128xf32, #tpu.memory_space<vmem>>, vector<16xf32>,
          %max3A_236 = arith.maximumf %get3A_189, %get3A_165 : vector<16xf32>
          %swap3A_237 = arith.index_cast %squeeze3A : i32 to index
          %swap3A_238 = arith.constant 16 : index
          %swap3A_239 = tpu.vector_load %arg12[%swap3A_237, %swap3A_238] {strides = array<i32>} : memref<320x128xf32, #tpu.memory_space<vmem>>, vector<16xf32>,
          tpu.vector_store %arg12[%swap3A_237, %swap3A_238], %max3A_236 {strides = array<i32>} : memref<320x128xf32, #tpu.memory_space<vmem>>, vector<16xf32>,
          %max3A_240 = arith.maximumf %get3A_192, %get3A_168 : vector<16xf32>
          %swap3A_241 = arith.index_cast %squeeze3A : i32 to index
          %swap3A_242 = arith.constant 32 : index
          %swap3A_243 = tpu.vector_load %arg12[%swap3A_241, %swap3A_242] {strides = array<i32>} : memref<320x128xf32, #tpu.memory_space<vmem>>, vector<16xf32>,
          tpu.vector_store %arg12[%swap3A_241, %swap3A_242], %max3A_240 {strides = array<i32>} : memref<320x128xf32, #tpu.memory_space<vmem>>, vector<16xf32>,
          %max3A_244 = arith.maximumf %get3A_195, %get3A_171 : vector<16xf32>
          %swap3A_245 = arith.index_cast %squeeze3A : i32 to index
          %swap3A_246 = arith.constant 48 : index
          %swap3A_247 = tpu.vector_load %arg12[%swap3A_245, %swap3A_246] {strides = array<i32>} : memref<320x128xf32, #tpu.memory_space<vmem>>, vector<16xf32>,
          tpu.vector_store %arg12[%swap3A_245, %swap3A_246], %max3A_244 {strides = array<i32>} : memref<320x128xf32, #tpu.memory_space<vmem>>, vector<16xf32>,
          %max3A_248 = arith.maximumf %get3A_198, %get3A_174 : vector<16xf32>
          %swap3A_249 = arith.index_cast %squeeze3A : i32 to index
          %swap3A_250 = arith.constant 64 : index
          %swap3A_251 = tpu.vector_load %arg12[%swap3A_249, %swap3A_250] {strides = array<i32>} : memref<320x128xf32, #tpu.memory_space<vmem>>, vector<16xf32>,
          tpu.vector_store %arg12[%swap3A_249, %swap3A_250], %max3A_248 {strides = array<i32>} : memref<320x128xf32, #tpu.memory_space<vmem>>, vector<16xf32>,
          %max3A_252 = arith.maximumf %get3A_201, %get3A_177 : vector<16xf32>
          %swap3A_253 = arith.index_cast %squeeze3A : i32 to index
          %swap3A_254 = arith.constant 80 : index
          %swap3A_255 = tpu.vector_load %arg12[%swap3A_253, %swap3A_254] {strides = array<i32>} : memref<320x128xf32, #tpu.memory_space<vmem>>, vector<16xf32>,
          tpu.vector_store %arg12[%swap3A_253, %swap3A_254], %max3A_252 {strides = array<i32>} : memref<320x128xf32, #tpu.memory_space<vmem>>, vector<16xf32>,
          %max3A_256 = arith.maximumf %get3A_204, %get3A_180 : vector<16xf32>
          %swap3A_257 = arith.index_cast %squeeze3A : i32 to index
          %swap3A_258 = arith.constant 96 : index
          %swap3A_259 = tpu.vector_load %arg12[%swap3A_257, %swap3A_258] {strides = array<i32>} : memref<320x128xf32, #tpu.memory_space<vmem>>, vector<16xf32>,
          tpu.vector_store %arg12[%swap3A_257, %swap3A_258], %max3A_256 {strides = array<i32>} : memref<320x128xf32, #tpu.memory_space<vmem>>, vector<16xf32>,
          %max3A_260 = arith.maximumf %get3A_207, %get3A_183 : vector<16xf32>
          %swap3A_261 = arith.index_cast %squeeze3A : i32 to index
          %swap3A_262 = arith.constant 112 : index
          %swap3A_263 = tpu.vector_load %arg12[%swap3A_261, %swap3A_262] {strides = array<i32>} : memref<320x128xf32, #tpu.memory_space<vmem>>, vector<16xf32>,
          tpu.vector_store %arg12[%swap3A_261, %swap3A_262], %max3A_260 {strides = array<i32>} : memref<320x128xf32, #tpu.memory_space<vmem>>, vector<16xf32>,
          %min3A_264 = arith.minimumf %get3A_210, %get3A_162 : vector<16xf32>
          %swap3A_265 = arith.index_cast %squeeze3A : i32 to index
          %swap3A_266 = arith.constant 0 : index
          %swap3A_267 = tpu.vector_load %arg13[%swap3A_265, %swap3A_266] {strides = array<i32>} : memref<320x128xf32, #tpu.memory_space<vmem>>, vector<16xf32>,
          tpu.vector_store %arg13[%swap3A_265, %swap3A_266], %min3A_264 {strides = array<i32>} : memref<320x128xf32, #tpu.memory_space<vmem>>, vector<16xf32>,
          %min3A_268 = arith.minimumf %get3A_213, %get3A_165 : vector<16xf32>
          %swap3A_269 = arith.index_cast %squeeze3A : i32 to index
          %swap3A_270 = arith.constant 16 : index
          %swap3A_271 = tpu.vector_load %arg13[%swap3A_269, %swap3A_270] {strides = array<i32>} : memref<320x128xf32, #tpu.memory_space<vmem>>, vector<16xf32>,
          tpu.vector_store %arg13[%swap3A_269, %swap3A_270], %min3A_268 {strides = array<i32>} : memref<320x128xf32, #tpu.memory_space<vmem>>, vector<16xf32>,
          %min3A_272 = arith.minimumf %get3A_216, %get3A_168 : vector<16xf32>
          %swap3A_273 = arith.index_cast %squeeze3A : i32 to index
          %swap3A_274 = arith.constant 32 : index
          %swap3A_275 = tpu.vector_load %arg13[%swap3A_273, %swap3A_274] {strides = array<i32>} : memref<320x128xf32, #tpu.memory_space<vmem>>, vector<16xf32>,
          tpu.vector_store %arg13[%swap3A_273, %swap3A_274], %min3A_272 {strides = array<i32>} : memref<320x128xf32, #tpu.memory_space<vmem>>, vector<16xf32>,
          %min3A_276 = arith.minimumf %get3A_219, %get3A_171 : vector<16xf32>
          %swap3A_277 = arith.index_cast %squeeze3A : i32 to index
          %swap3A_278 = arith.constant 48 : index
          %swap3A_279 = tpu.vector_load %arg13[%swap3A_277, %swap3A_278] {strides = array<i32>} : memref<320x128xf32, #tpu.memory_space<vmem>>, vector<16xf32>,
          tpu.vector_store %arg13[%swap3A_277, %swap3A_278], %min3A_276 {strides = array<i32>} : memref<320x128xf32, #tpu.memory_space<vmem>>, vector<16xf32>,
          %min3A_280 = arith.minimumf %get3A_222, %get3A_174 : vector<16xf32>
          %swap3A_281 = arith.index_cast %squeeze3A : i32 to index
          %swap3A_282 = arith.constant 64 : index
          %swap3A_283 = tpu.vector_load %arg13[%swap3A_281, %swap3A_282] {strides = array<i32>} : memref<320x128xf32, #tpu.memory_space<vmem>>, vector<16xf32>,
          tpu.vector_store %arg13[%swap3A_281, %swap3A_282], %min3A_280 {strides = array<i32>} : memref<320x128xf32, #tpu.memory_space<vmem>>, vector<16xf32>,
          %min3A_284 = arith.minimumf %get3A_225, %get3A_177 : vector<16xf32>
          %swap3A_285 = arith.index_cast %squeeze3A : i32 to index
          %swap3A_286 = arith.constant 80 : index
          %swap3A_287 = tpu.vector_load %arg13[%swap3A_285, %swap3A_286] {strides = array<i32>} : memref<320x128xf32, #tpu.memory_space<vmem>>, vector<16xf32>,
          tpu.vector_store %arg13[%swap3A_285, %swap3A_286], %min3A_284 {strides = array<i32>} : memref<320x128xf32, #tpu.memory_space<vmem>>, vector<16xf32>,
          %min3A_288 = arith.minimumf %get3A_228, %get3A_180 : vector<16xf32>
          %swap3A_289 = arith.index_cast %squeeze3A : i32 to index
          %swap3A_290 = arith.constant 96 : index
          %swap3A_291 = tpu.vector_load %arg13[%swap3A_289, %swap3A_290] {strides = array<i32>} : memref<320x128xf32, #tpu.memory_space<vmem>>, vector<16xf32>,
          tpu.vector_store %arg13[%swap3A_289, %swap3A_290], %min3A_288 {strides = array<i32>} : memref<320x128xf32, #tpu.memory_space<vmem>>, vector<16xf32>,
          %min3A_292 = arith.minimumf %get3A_231, %get3A_183 : vector<16xf32>
          %swap3A_293 = arith.index_cast %squeeze3A : i32 to index
          %swap3A_294 = arith.constant 112 : index
          %swap3A_295 = tpu.vector_load %arg13[%swap3A_293, %swap3A_294] {strides = array<i32>} : memref<320x128xf32, #tpu.memory_space<vmem>>, vector<16xf32>,
          tpu.vector_store %arg13[%swap3A_293, %swap3A_294], %min3A_292 {strides = array<i32>} : memref<320x128xf32, #tpu.memory_space<vmem>>, vector<16xf32>,
        }
      }
    }
    %scan3A_16 = arith.constant 20 : i32
    "tpu.region"() ({
      %run_scoped3A = tpu.sem_alloc : memref<!tpu.dma_semaphore, #tpu.memory_space<semaphore_mem>>
      %dma_start3A = arith.constant 0 : i32
      %dma_start3A_17 = tpu.memref_slice %arg5[%mul3A_2, %dma_start3A] : memref<10240x128xf32, #tpu.memory_space<hbm>> -> memref<320x128xf32, #tpu.memory_space<hbm>>
      %dma_start3A_18 = arith.constant 0 : i32
      %dma_start3A_19 = tpu.memref_slice %arg5[%mul3A_2, %dma_start3A_18] : memref<10240x128xf32, #tpu.memory_space<hbm>> -> memref<320x128xf32, #tpu.memory_space<hbm>>
      tpu.enqueue_dma source(%arg12 : memref<320x128xf32, #tpu.memory_space<vmem>>) target(%dma_start3A_19 : memref<320x128xf32, #tpu.memory_space<hbm>>) target_semaphore(%run_scoped3A : memref<!tpu.dma_semaphore, #tpu.memory_space<semaphore_mem>>)
      %dma_wait3A = arith.constant 0 : i32
      %dma_wait3A_20 = tpu.memref_slice %arg5[%mul3A_2, %dma_wait3A] : memref<10240x128xf32, #tpu.memory_space<hbm>> -> memref<320x128xf32, #tpu.memory_space<hbm>>
      %dma_wait3A_21 = arith.constant 0 : i32
      %dma_wait3A_22 = tpu.memref_slice %arg5[%mul3A_2, %dma_wait3A_21] : memref<10240x128xf32, #tpu.memory_space<hbm>> -> memref<320x128xf32, #tpu.memory_space<hbm>>
      tpu.wait_dma2 semaphore(%run_scoped3A : memref<!tpu.dma_semaphore, #tpu.memory_space<semaphore_mem>>) src(%arg12 : memref<320x128xf32, #tpu.memory_space<vmem>>) dst(%dma_wait3A_22 : memref<320x128xf32, #tpu.memory_space<hbm>>)
      tpu.yield
    }) : () -> ()
    "tpu.region"() ({
      %run_scoped3A = tpu.sem_alloc : memref<!tpu.dma_semaphore, #tpu.memory_space<semaphore_mem>>
      %dma_start3A = arith.constant 0 : i32
      %dma_start3A_17 = tpu.memref_slice %arg6[%mul3A_2, %dma_start3A] : memref<10240x128xf32, #tpu.memory_space<hbm>> -> memref<320x128xf32, #tpu.memory_space<hbm>>
      %dma_start3A_18 = arith.constant 0 : i32
      %dma_start3A_19 = tpu.memref_slice %arg6[%mul3A_2, %dma_start3A_18] : memref<10240x128xf32, #tpu.memory_space<hbm>> -> memref<320x128xf32, #tpu.memory_space<hbm>>
      tpu.enqueue_dma source(%arg13 : memref<320x128xf32, #tpu.memory_space<vmem>>) target(%dma_start3A_19 : memref<320x128xf32, #tpu.memory_space<hbm>>) target_semaphore(%run_scoped3A : memref<!tpu.dma_semaphore, #tpu.memory_space<semaphore_mem>>)
      %dma_wait3A = arith.constant 0 : i32
      %dma_wait3A_20 = tpu.memref_slice %arg6[%mul3A_2, %dma_wait3A] : memref<10240x128xf32, #tpu.memory_space<hbm>> -> memref<320x128xf32, #tpu.memory_space<hbm>>
      %dma_wait3A_21 = arith.constant 0 : i32
      %dma_wait3A_22 = tpu.memref_slice %arg6[%mul3A_2, %dma_wait3A_21] : memref<10240x128xf32, #tpu.memory_space<hbm>> -> memref<320x128xf32, #tpu.memory_space<hbm>>
      tpu.wait_dma2 semaphore(%run_scoped3A : memref<!tpu.dma_semaphore, #tpu.memory_space<semaphore_mem>>) src(%arg13 : memref<320x128xf32, #tpu.memory_space<vmem>>) dst(%dma_wait3A_22 : memref<320x128xf32, #tpu.memory_space<hbm>>)
      tpu.yield
    }) : () -> ()
    return
  }
}

module attributes {stable_mosaic.version = 14 : i64} {
  func.func @_mul_body(%arg0: memref<10000x128xf32, #tpu.memory_space<vmem>>, %arg1: memref<10000x1xf32, #tpu.memory_space<vmem>>, %arg2: memref<10000x128xf32, #tpu.memory_space<vmem>>) attributes {dimension_semantics = [], scalar_prefetch = 0 : i64, scratch_operands = 0 : i64, tpu.core_type = #tpu.core_type<tc>} {
    %get3A = arith.constant 0 : index
    %get3A_0 = arith.constant 0 : index
    %get3A_1 = vector.load %arg0[%get3A, %get3A_0] : memref<10000x128xf32, #tpu.memory_space<vmem>>, vector<10000x128xf32>
    %get3A_2 = arith.constant 0 : index
    %get3A_3 = arith.constant 0 : index
    %get3A_4 = vector.load %arg1[%get3A_2, %get3A_3] : memref<10000x1xf32, #tpu.memory_space<vmem>>, vector<10000x1xf32>
    %mul3A = vector.broadcast %get3A_4 : vector<10000x1xf32> to vector<10000x128xf32>
    %mul3A_5 = arith.mulf %get3A_1, %mul3A : vector<10000x128xf32>
    %swap3A = arith.constant 0 : index
    %swap3A_6 = arith.constant 0 : index
    %swap3A_7 = vector.load %arg2[%swap3A, %swap3A_6] : memref<10000x128xf32, #tpu.memory_space<vmem>>, vector<10000x128xf32>
    tpu.vector_store %arg2[%swap3A, %swap3A_6], %mul3A_5 {strides = array<i32>} : memref<10000x128xf32, #tpu.memory_space<vmem>>, vector<10000x128xf32>,
    return
  }
}

module attributes {stable_mosaic.version = 14 : i64} {
  func.func @_epi_body(%arg0: memref<10000x128xf32, #tpu.memory_space<vmem>>, %arg1: memref<10000x128xf32, #tpu.memory_space<vmem>>, %arg2: memref<10000x128xf32, #tpu.memory_space<vmem>>, %arg3: memref<10000x128xf32, #tpu.memory_space<vmem>>, %arg4: memref<10000x1xf32, #tpu.memory_space<vmem>>, %arg5: memref<10000x128xf32, #tpu.memory_space<vmem>>, %arg6: memref<10000x1xf32, #tpu.memory_space<vmem>>, %arg7: memref<1x128xf32, #tpu.memory_space<vmem>>, %arg8: memref<1x128xf32, #tpu.memory_space<vmem>>, %arg9: memref<10000x128xf32, #tpu.memory_space<vmem>>) attributes {dimension_semantics = [], scalar_prefetch = 0 : i64, scratch_operands = 0 : i64, tpu.core_type = #tpu.core_type<tc>} {
    %get3A = arith.constant 0 : index
    %get3A_0 = arith.constant 0 : index
    %get3A_1 = vector.load %arg4[%get3A, %get3A_0] : memref<10000x1xf32, #tpu.memory_space<vmem>>, vector<10000x1xf32>
    %div3A = arith.constant 1.000000e+00 : f32
    %div3A_2 = vector.broadcast %div3A : f32 to vector<10000x1xf32>
    %div3A_3 = arith.divf %div3A_2, %get3A_1 : vector<10000x1xf32>
    %get3A_4 = arith.constant 0 : index
    %get3A_5 = arith.constant 0 : index
    %get3A_6 = vector.load %arg0[%get3A_4, %get3A_5] : memref<10000x128xf32, #tpu.memory_space<vmem>>, vector<10000x128xf32>
    %mul3A = vector.broadcast %div3A_3 : vector<10000x1xf32> to vector<10000x128xf32>
    %mul3A_7 = arith.mulf %get3A_6, %mul3A : vector<10000x128xf32>
    %get3A_8 = arith.constant 0 : index
    %get3A_9 = arith.constant 0 : index
    %get3A_10 = vector.load %arg1[%get3A_8, %get3A_9] : memref<10000x128xf32, #tpu.memory_space<vmem>>, vector<10000x128xf32>
    %mul3A_11 = vector.broadcast %div3A_3 : vector<10000x1xf32> to vector<10000x128xf32>
    %mul3A_12 = arith.mulf %get3A_10, %mul3A_11 : vector<10000x128xf32>
    %mul3A_13 = arith.mulf %mul3A_7, %mul3A_7 : vector<10000x128xf32>
    %sub3A = arith.subf %mul3A_12, %mul3A_13 : vector<10000x128xf32>
    %max3A = arith.constant 0.000000e+00 : f32
    %max3A_14 = vector.broadcast %max3A : f32 to vector<10000x128xf32>
    %max3A_15 = arith.maximumf %sub3A, %max3A_14 : vector<10000x128xf32>
    %add3A = arith.constant 9.99999974E-6 : f32
    %add3A_16 = vector.broadcast %add3A : f32 to vector<10000x128xf32>
    %add3A_17 = arith.addf %max3A_15, %add3A_16 : vector<10000x128xf32>
    %sqrt3A = math.sqrt %add3A_17 : vector<10000x128xf32>
    %get3A_18 = arith.constant 0 : index
    %get3A_19 = arith.constant 0 : index
    %get3A_20 = vector.load %arg2[%get3A_18, %get3A_19] : memref<10000x128xf32, #tpu.memory_space<vmem>>, vector<10000x128xf32>
    %add3A_21 = arith.addf %mul3A_7, %get3A_20 : vector<10000x128xf32>
    %get3A_22 = arith.constant 0 : index
    %get3A_23 = arith.constant 0 : index
    %get3A_24 = vector.load %arg3[%get3A_22, %get3A_23] : memref<10000x128xf32, #tpu.memory_space<vmem>>, vector<10000x128xf32>
    %add3A_25 = arith.addf %add3A_21, %get3A_24 : vector<10000x128xf32>
    %add3A_26 = arith.addf %add3A_25, %sqrt3A : vector<10000x128xf32>
    %add3A_27 = arith.constant 1.000000e+00 : f32
    %add3A_28 = vector.broadcast %add3A_27 : f32 to vector<10000x1xf32>
    %add3A_29 = arith.addf %get3A_1, %add3A_28 : vector<10000x1xf32>
    %log3A = math.log %add3A_29 : vector<10000x1xf32>
    %mul3A_30 = arith.constant 0.288539022 : f32
    %mul3A_31 = vector.broadcast %mul3A_30 : f32 to vector<10000x1xf32>
    %mul3A_32 = arith.mulf %log3A, %mul3A_31 : vector<10000x1xf32>
    %add3A_33 = arith.constant 1.000000e+00 : f32
    %add3A_34 = vector.broadcast %add3A_33 : f32 to vector<10000x1xf32>
    %add3A_35 = arith.addf %add3A_34, %mul3A_32 : vector<10000x1xf32>
    %div3A_36 = arith.constant 3.46573591 : f32
    %div3A_37 = vector.broadcast %div3A_36 : f32 to vector<10000x1xf32>
    %div3A_38 = arith.divf %div3A_37, %log3A : vector<10000x1xf32>
    %add3A_39 = arith.addf %add3A_35, %div3A_38 : vector<10000x1xf32>
    %get3A_40 = arith.constant 0 : index
    %get3A_41 = arith.constant 0 : index
    %get3A_42 = vector.load %arg5[%get3A_40, %get3A_41] : memref<10000x128xf32, #tpu.memory_space<vmem>>, vector<10000x128xf32>
    %get3A_43 = arith.constant 0 : index
    %get3A_44 = arith.constant 0 : index
    %get3A_45 = vector.load %arg6[%get3A_43, %get3A_44] : memref<10000x1xf32, #tpu.memory_space<vmem>>, vector<10000x1xf32>
    %mul3A_46 = vector.broadcast %get3A_45 : vector<10000x1xf32> to vector<10000x128xf32>
    %mul3A_47 = arith.mulf %mul3A_46, %add3A_26 : vector<10000x128xf32>
    %mul3A_48 = vector.broadcast %add3A_39 : vector<10000x1xf32> to vector<10000x128xf32>
    %mul3A_49 = arith.mulf %mul3A_47, %mul3A_48 : vector<10000x128xf32>
    %add3A_50 = arith.addf %get3A_42, %mul3A_49 : vector<10000x128xf32>
    %mul3A_51 = arith.constant 0.0769230798 : f32
    %mul3A_52 = vector.broadcast %mul3A_51 : f32 to vector<10000x128xf32>
    %mul3A_53 = arith.mulf %add3A_50, %mul3A_52 : vector<10000x128xf32>
    %reduce_sum3A = arith.constant dense<0.000000e+00> : vector<128xf32>
    %reduce_sum3A_54 = vector.multi_reduction <add>, %mul3A_53, %reduce_sum3A [0] : vector<10000x128xf32> to vector<128xf32>
    %broadcast_in_dim3A = vector.shape_cast %reduce_sum3A_54 : vector<128xf32> to vector<1x128xf32>
    %div3A_55 = arith.constant 1.000000e+04 : f32
    %div3A_56 = vector.broadcast %div3A_55 : f32 to vector<1x128xf32>
    %div3A_57 = arith.divf %broadcast_in_dim3A, %div3A_56 : vector<1x128xf32>
    %mul3A_58 = arith.mulf %mul3A_53, %mul3A_53 : vector<10000x128xf32>
    %reduce_sum3A_59 = arith.constant dense<0.000000e+00> : vector<128xf32>
    %reduce_sum3A_60 = vector.multi_reduction <add>, %mul3A_58, %reduce_sum3A_59 [0] : vector<10000x128xf32> to vector<128xf32>
    %broadcast_in_dim3A_61 = vector.shape_cast %reduce_sum3A_60 : vector<128xf32> to vector<1x128xf32>
    %div3A_62 = arith.constant 1.000000e+04 : f32
    %div3A_63 = vector.broadcast %div3A_62 : f32 to vector<1x128xf32>
    %div3A_64 = arith.divf %broadcast_in_dim3A_61, %div3A_63 : vector<1x128xf32>
    %mul3A_65 = arith.mulf %div3A_57, %div3A_57 : vector<1x128xf32>
    %sub3A_66 = arith.subf %div3A_64, %mul3A_65 : vector<1x128xf32>
    %sub3A_67 = vector.broadcast %div3A_57 : vector<1x128xf32> to vector<10000x128xf32>
    %sub3A_68 = arith.subf %mul3A_53, %sub3A_67 : vector<10000x128xf32>
    %add3A_69 = arith.constant 9.99999974E-6 : f32
    %add3A_70 = vector.broadcast %add3A_69 : f32 to vector<1x128xf32>
    %add3A_71 = arith.addf %sub3A_66, %add3A_70 : vector<1x128xf32>
    %sqrt3A_72 = math.sqrt %add3A_71 : vector<1x128xf32>
    %div3A_73 = vector.broadcast %sqrt3A_72 : vector<1x128xf32> to vector<10000x128xf32>
    %div3A_74 = arith.divf %sub3A_68, %div3A_73 : vector<10000x128xf32>
    %get3A_75 = arith.constant 0 : index
    %get3A_76 = arith.constant 0 : index
    %get3A_77 = vector.load %arg7[%get3A_75, %get3A_76] : memref<1x128xf32, #tpu.memory_space<vmem>>, vector<1x128xf32>
    %mul3A_78 = vector.broadcast %get3A_77 : vector<1x128xf32> to vector<10000x128xf32>
    %mul3A_79 = arith.mulf %div3A_74, %mul3A_78 : vector<10000x128xf32>
    %get3A_80 = arith.constant 0 : index
    %get3A_81 = arith.constant 0 : index
    %get3A_82 = vector.load %arg8[%get3A_80, %get3A_81] : memref<1x128xf32, #tpu.memory_space<vmem>>, vector<1x128xf32>
    %add3A_83 = vector.broadcast %get3A_82 : vector<1x128xf32> to vector<10000x128xf32>
    %add3A_84 = arith.addf %mul3A_79, %add3A_83 : vector<10000x128xf32>
    %swap3A = arith.constant 0 : index
    %swap3A_85 = arith.constant 0 : index
    %swap3A_86 = vector.load %arg9[%swap3A, %swap3A_85] : memref<10000x128xf32, #tpu.memory_space<vmem>>, vector<10000x128xf32>
    tpu.vector_store %arg9[%swap3A, %swap3A_85], %add3A_84 {strides = array<i32>} : memref<10000x128xf32, #tpu.memory_space<vmem>>, vector<10000x128xf32>,
    return
  }
}

</mosaic_0001>

<sc_bundles>
// kernel: kernel.6.cloned.1.call-start
scs
__scs_entry_jumppad:
0x0: {  	(pc) =	sbr.rel $0x88, $3  }
0x1: {  	(tag) =	ssettag $0x0;
	lr =	simm.s32 $0x1  }
0x2: {  	[smem:$0x3F9C] =	sst lr;
	_ =	strace $0xD0000000  }
0x3: {  	_ = 	snop  }
0x4: {  	_ = 	snop  }
0x5: {  	_ = 	snop  }
0x6: {  	_ = 	snop  }
0x7: {  	_ = 	snop  }
__scs_overlays_trampoline_lowered:
0x8: {  	[smem:$0x3FAB] =	sst s0  }
0x9: {  	[smem:$0x3FAC] =	sst s1  }
0xa: {  	[smem:$0x3FAD] =	sst s2  }
0xb: {  	[smem:$0x3FAE] =	sst s3  }
0xc: {  	[smem:$0x3FAF] =	sst s4  }
0xd: {  	[smem:$0x3FB0] =	sst s5  }
0xe: {  	[smem:$0x3FB1] =	sst s6  }
0xf: {  	[smem:$0x3FB2] =	sst s7  }
0x10: {  	[smem:$0x3FB3] =	sst s8  }
0x11: {  	[smem:$0x3FB4] =	sst s9;
	s0 =	simm.s32 @!p0 $0x0  }
0x12: {  	s1 =	sld [smem:$0x3F9A];
	s0 =	simm.s32 @p0 $0x1  }
0x13: {  	[smem:$0x3FB5] =	sst s0;
	s0 =	simm.s32 @!p1 $0x0  }
0x14: {  	s2 =	sld [smem:$0x3F99];
	s0 =	simm.s32 @p1 $0x1  }
0x15: {  	[smem:$0x3FB6] =	sst s0;
	s0 =	simm.s32 @!p2 $0x0  }
0x16: {  	s3 =	sld [smem:$0x3FDB];
	s0 =	simm.s32 @p2 $0x1  }
0x17: {  	s4 =	simm.s32 $0x1BF5;
	[smem:$0x3FB8] =	sst s0  }
0x18: {  	s0 =	sld [smem:$0x3F9B];
	_ =	swait.ge [sflag:s4], $0x0  }
0x19: {  	s7 =	sld [smem:$0x3F9C]  }
0x1a: {  	s8 =	sadd.s32 $0xFFFFE003, lr  }
0x1b: {  	s9 =	sadd.s32 $0xFFFFFEF7, lr;
	s5 =	simm.s32 $0xFFFFFFFF;
	p2 =	slt.u32 s8, $0xFFFFF086  }
0x1c: {  	p1 =	slt.u32 s9, $0xF7A;
	s5 =	simm.s32 @!p2 $0x0  }
0x1d: {  	s5 =	simm.s32 @p1 $0x1;
	p0 =	seq.s32 s7, s2  }
0x1e: {  	s7 =	smul.u32 @!p0 $0xF7A, s2;
	p2 =	seq.s32 @!p0 s5, $0x0  }
0x1f: {  	s9 =	smul.u32 $0xF7A, s1;
	s8 =	simm.s32 @!p0 $0x1BF5;
	p2 =	por !p2, p0  }
0x20: {  	[sflag:s8] =	ssyncset.s32 @!p0 $0xFFFFF086;
	s6 =	sadd.s32 @!p0 s3, s7;
	s7 =	simm.s32 @!p0 $0x108  }
0x21: {  	s3 =	sadd.s32 s3, s9;
	s6 =	sadd.s32 @!p0 $0x88, s6;
	s7 =	simm.s32 @p2 $0x1082  }
0x22: {  	[simem:s7], [sflag:s8] =	dma.local @!p0 [hbm:s6], $0xF7A  }
0x23: {  	s9 =	sor.u32 $0xD0000000, s2;
	s6 =	simm.s32 $0x108;
	_ =	swait.ge @!p0 [sflag:s8], $0x0  }
0x24: {  	s3 =	sadd.s32 $0x88, s3;
	s6 =	simm.s32 @!p1 $0x1082;
	[sflag:s4] =	ssyncset.s32 $0xFFFFF086  }
0x25: {  	[simem:s6], [sflag:s4] =	dma.local [hbm:s3], $0xF7A  }
0x26: {  	[smem:$0x3F9C] =	sst s1;
	(tag) =	ssettag s2;
	_ =	strace s9  }
0x27: {  	s1 =	sld [smem:$0x3FAC]  }
0x28: {  	s2 =	sld [smem:$0x3FAD]  }
0x29: {  	s4 =	sld [smem:$0x3FAF]  }
0x2a: {  	p0 =	seq.s32 s5, $0x0;
	s5 =	sld [smem:$0x3FB0]  }
0x2b: {  	s6 =	sld [smem:$0x3FB1]  }
0x2c: {  	s7 =	sld [smem:$0x3FB2]  }
0x2d: {  	s3 =	simm.s32 $0x108;
	s8 =	sld [smem:$0x3FB3]  }
0x2e: {  	s3 =	simm.s32 @!p0 $0x1082;
	s9 =	sld [smem:$0x3FB4]  }
0x2f: {  	lr =	sadd.s32 s0, s3;
	s0 =	sld [smem:$0x3FAB]  }
0x30: {  	s3 =	sld [smem:$0x3FAE]  }
0x31: {  	[smem:$0x3FB7] =	sst s10  }
0x32: {  	s10 =	sld [smem:$0x3FB5];
	_ =	sdelay $0x3  }
0x33: {  	p0 =	seq.s32 s10, $0x1;
	s10 =	sld [smem:$0x3FB7];
	_ =	sdelay $0x3  }
0x34: {  	[smem:$0x3FB7] =	sst s10  }
0x35: {  	s10 =	sld [smem:$0x3FB6];
	_ =	sdelay $0x3  }
0x36: {  	p1 =	seq.s32 s10, $0x1;
	s10 =	sld [smem:$0x3FB7];
	_ =	sdelay $0x3  }
0x37: {  	[smem:$0x3FB7] =	sst s10  }
0x38: {  	s10 =	sld [smem:$0x3FB8]  }
0x39: {  	_ = 	snop;
	(pc) =	sbr.ind lr, $3  }
0x3a: {  	_ = 	snop  }
0x3b: {  	_ = 	snop  }
0x3c: {  	p2 =	seq.s32 s10, $0x1;
	s10 =	sld [smem:$0x3FB7]  }
0x3d: {  	_ =	shalt  }
0x3e: {  	_ =	shalt  }
0x3f: {  	_ =	shalt  }
0x40: {  	_ =	shalt  }
0x41: {  	_ =	shalt  }
0x42: {  	_ =	shalt  }
0x43: {  	_ =	shalt  }
0x44: {  	_ =	shalt  }
0x45: {  	_ =	shalt  }
0x46: {  	_ =	shalt  }
0x47: {  	_ =	shalt  }
0x48: {  	_ =	shalt  }
0x49: {  	_ =	shalt  }
0x4a: {  	_ =	shalt  }
0x4b: {  	_ =	shalt  }
0x4c: {  	_ =	shalt  }
0x4d: {  	_ =	shalt  }
0x4e: {  	_ =	shalt  }
0x4f: {  	_ =	shalt  }
0x50: {  	_ =	shalt  }
0x51: {  	_ =	shalt  }
0x52: {  	_ =	shalt  }
0x53: {  	_ =	shalt  }
0x54: {  	_ =	shalt  }
0x55: {  	_ =	shalt  }
0x56: {  	_ =	shalt  }
0x57: {  	_ =	shalt  }
0x58: {  	_ =	shalt  }
0x59: {  	_ =	shalt  }
0x5a: {  	_ =	shalt  }
0x5b: {  	_ =	shalt  }
0x5c: {  	_ =	shalt  }
0x5d: {  	_ =	shalt  }
0x5e: {  	_ =	shalt  }
0x5f: {  	_ =	shalt  }
0x60: {  	_ =	shalt  }
0x61: {  	_ =	shalt  }
0x62: {  	_ =	shalt  }
0x63: {  	_ =	shalt  }
0x64: {  	_ =	shalt  }
0x65: {  	_ =	shalt  }
0x66: {  	_ =	shalt  }
0x67: {  	_ =	shalt  }
0x68: {  	_ =	shalt  }
0x69: {  	_ =	shalt  }
0x6a: {  	_ =	shalt  }
0x6b: {  	_ =	shalt  }
0x6c: {  	_ =	shalt  }
0x6d: {  	_ =	shalt  }
0x6e: {  	_ =	shalt  }
0x6f: {  	_ =	shalt  }
0x70: {  	_ =	shalt  }
0x71: {  	_ =	shalt  }
0x72: {  	_ =	shalt  }
0x73: {  	_ =	shalt  }
0x74: {  	_ =	shalt  }
0x75: {  	_ =	shalt  }
0x76: {  	_ =	shalt  }
0x77: {  	_ =	shalt  }
0x78: {  	_ =	shalt  }
0x79: {  	_ =	shalt  }
0x7a: {  	_ =	shalt  }
0x7b: {  	_ =	shalt  }
0x7c: {  	_ =	shalt  }
0x7d: {  	_ =	shalt  }
0x7e: {  	_ =	shalt  }
0x7f: {  	_ =	shalt  }
0x80: {  	_ =	shalt  }
0x81: {  	_ =	shalt  }
0x82: {  	_ =	shalt  }
0x83: {  	_ =	shalt  }
0x84: {  	_ =	shalt  }
0x85: {  	_ =	shalt  }
0x86: {  	_ =	shalt  }
0x87: {  	_ =	shalt  }
.Lfunc_end0:
.L_simem_size_0:
called_computation_lowered:
.L_overlay_start_0:
0x88: {  	s2 =	sld [smem:$0x3FD9]  }
0x89: {  	s3 =	sld [smem:$0x3FFE];
	_ =	sdelay $0x1  }
0x8a: {  	s1 =	srdreg.scid  }
0x8b: {  	s0 =	sand.u32 $0x1, s1  }
0x8c: {  	s17 =	sshll.u32 s0, $0xA;
	s2 =	sadd.s32 s3, s2  }
0x8d: {  	s2 =	sadd.s32 s2, s17  }
0x8e: {  	[smem:$0x3FC3] =	sst s2  }
0x8f: {  	_ = 	snop  }
0x90: {  	s18 =	sld [smem:$0x3FD0];
	(tm) =	ssettm $0x1  }
0x91: {  	s19 =	sld [smem:$0x3FFB];
	_ =	sdelay $0x3  }
0x92: {  	_ =	strace s19  }
0x93: {  	s2 =	sld [smem:$0x3FFC];
	_ =	sdelay $0x3  }
0x94: {  	_ =	strace s2  }
0x95: {  	s2 =	sld [smem:$0x3FFD];
	_ =	sdelay $0x3  }
0x96: {  	_ =	strace s2  }
0x97: {  	_ =	strace $0x8FFFFFFF  }
0x98: {  	s20 =	sld [smem:$0x3FDB];
	_ =	sdelay $0x1  }
0x99: {  	s4 =	simm.s32 $_scs_section_size  }
0x9a: {  	s5 =	simm.s32 $_size__tile_overlayer_lowered;
	s6 =	simm.s32 $_tile_overlayer_lowered  }
0x9b: {  	s7 =	simm.s32 $0x1BFF;
	s21 =	sshll.u32 s6, $0x1;
	s4 =	sadd.s32 s4, s20  }
0x9c: {  	s22 =	simm.s32 $0x0;
	s5 =	sshll.u32 s5, $0x1;
	s6 =	sadd.s32 s21, s4  }
0x9d: {  	[timem:s22], [sflag:s7] =	dma.local [hbm:s6], s5  }
0x9e: {  	_ =	swait.ge [sflag:s7], s5  }
0x9f: {  	s5 =	ssub.s32 $0x0, s5;
	[sflag:s7] =	ssyncset.done $0x0  }
0xa0: {  	[sflag:s7] =	ssyncadd.s32 s5;
	_ =	sdelay $0x1  }
0xa1: {  	s23 =	simm.s32 $0x1B8B  }
0xa2: {  	_ =	swait.ge [sflag:s23], $0x1  }
0xa3: {  	[sflag:s23] =	ssyncset.done $0x0  }
0xa4: {  	[sflag:s23] =	ssyncadd.s32 $0xFFFFFFFF  }
0xa5: {  	s5 =	sld [smem:$0x0]  }
0xa6: {  	s6 =	sand.u32 $0xFFFFFFFE, s1  }
0xa7: {  	p0 =	sne.s32 s1, s6  }
0xa8: {  	s6 =	sshll.u32 @p0 s6, $0xE  }
0xa9: {  	s6 =	sadd.s32 @p0 $0x11B8D, s6;
	s7 =	sshll.u32 @p0 s5, $0x11  }
0xaa: {  	s6 =	sor.u32 @p0 s7, s6  }
0xab: {  	[sflag:s6] =	ssyncadd.remote.s32 @p0 $0x1;
	_ =	sdelay $0x1  }
0xac: {  	s6 =	simm.s32 @p0 $0x1B8D  }
0xad: {  	_ =	swait.eq @p0 [sflag:s6], $0x1  }
0xae: {  	[sflag:s6] =	ssyncadd.s32 @p0 $0xFFFFFFFF  }
0xaf: {  	s7 =	sshll.u32 @!p0 s1, $0xE  }
0xb0: {  	s7 =	sor.u32 @!p0 $0x4000, s7;
	s6 =	simm.s32 @!p0 $0x1B8D  }
0xb1: {  	s5 =	sshll.u32 @!p0 s5, $0x11;
	s7 =	sadd.s32 @!p0 $0x11B8D, s7;
	_ =	swait.eq @!p0 [sflag:s6], $0x1  }
0xb2: {  	s5 =	sor.u32 @!p0 s5, s7;
	[sflag:s6] =	ssyncadd.s32 @!p0 $0xFFFFFFFF  }
0xb3: {  	s25 =	simm.s32 $0x1B8E;
	s24 =	sld [smem:$0x3FFE];
	[sflag:s5] =	ssyncadd.remote.s32 @!p0 $0x1  }
0xb4: {  	s26 =	simm.s32 $execute0_lowered;
	[smem:$0x3FD2] =	sst s25  }
0xb5: {  	s6 =	sshll.u32 s26, $0x1;
	_ =	strace $0x80000049;
	[dreg:$0x1] =	wrdreg $0xFFFFFFFF  }
0xb6: {  	s28 =	simm.s32 $_size_execute0_lowered;
	s4 =	sadd.s32 s4, s6;
	[dreg:$0x0] =	wrdreg $0x0  }
0xb7: {  	s6 =	sshll.u32 s28, $0x1;
	[dreg:$0x2] =	wrdreg s4  }
0xb8: {  	[dreg:$0x3] =	wrdreg s6  }
0xb9: {  	[dreg:$0x4] =	wrdreg $0xC0  }
0xba: {  	_ =	task [dreg:s22], $0x5FFFF  }
0xbb: {  	[dreg:$0x1] =	wrdreg $0xFFFFFFFF  }
0xbc: {  	[dreg:$0x0] =	wrdreg $0x60  }
0xbd: {  	[dreg:$0x2] =	wrdreg s24  }
0xbe: {  	[dreg:$0x3] =	wrdreg s18  }
0xbf: {  	[dreg:$0x4] =	wrdreg $0x55800  }
0xc0: {  	[dreg:$0x5] =	wrdreg $0x195800  }
0xc1: {  	[dreg:$0x6] =	wrdreg $0x9  }
0xc2: {  	_ =	task.clear_ibuf [dreg:s22], $0x7FFFF;
	_ =	strace $0x90000049  }
0xc3: {  	s29 =	simm.s32 $0x9;
	_ =	strace $0x8000004B  }
0xc4: {  	_ =	swait.ge [sflag:s29], $0x1  }
0xc5: {  	[sflag:s29] =	ssyncadd.s32 $0xFFFFFFFF  }
0xc6: {  	_ =	strace $0x9000004B  }
0xc7: {  	_ =	sfence  }
0xc8: {  	s30 =	sld [smem:$0x0];
	_ =	sdelay $0x2  }
0xc9: {  	s31 =	sshll.u32 s1, $0xD;
	s1 =	sshrl.u32 s1, $0x2  }
0xca: {  	s4 =	sand.u32 $0x4000, s31;
	s1 =	sadd.s32 s1, s30  }
0xcb: {  	s0 =	sor.u32 s4, s0;
	s1 =	sshll.u32 s1, $0x11  }
0xcc: {  	s0 =	sor.u32 s1, s0  }
0xcd: {  	s0 =	sadd.s32 $0x8F2B, s0  }
0xce: {  	[sflag:s0] =	ssyncadd.remote.s32 $0x1  }
0xcf: {  	_ =	sfence.sel $0xFFFF  }
0xd0: {  	[dreg:$0x0] =	wrdreg $0xFFFFFFFF;
	(pc) =	sbr.abs _section_cstart, $3  }
0xd1: {  	[dreg:$0x1] =	wrdreg $0xFFFFFFFF  }
0xd2: {  	_ =	task.clear_ibuf [dreg:s22], $0x2FFFF;
	_ =	strace $0x9FFFFFFF  }
0xd3: {  	(tm) =	ssettm $0x7FFFFFFF  }
tec
execute0_lowered:
.L_overlay_start_1:
0x0: {  	(tag) =	ssettag $0x1  }
0x1: {  	s0 =	rddreg [dreg:$0x0]  }
0x2: {  	s1 =	rddreg [dreg:$0x1]  }
0x3: {  	s2 =	rddreg [dreg:$0x2]  }
0x4: {  	s4 =	rddreg [dreg:$0x3]  }
0x5: {  	s5 =	simm.s32 $0x0;
	s3 =	stileid.u32;
	s9 =	srdreg.scid  }
0x6: {  	s28 =	simm.s32 $0x40;
	s29 =	simm.s32 $0x1;
	s30 =	simm.s32 $0x5200  }
0x7: {  	s31 =	simm.s32 $0x3;
	[smem:$0x7FF] =	sst s5;
	s8 =	smul.u32 $0x2800, s3  }
0x8: {  	s6 =	sadd.s32 $0x32A00, s0;
	s10 =	smul.u32 $0x50000, s3;
	s7 =	sadd.s32 $0x1A00, s0  }
0x9: {  	s11 =	smul.u32 $0x280, s3;
	s9 =	sand.u32 $0x1, s9;
	_ =	strace $0x8000004A  }
0xa: {  	s12 =	ssub.s32 $0x2, s9;
	p0 =	seq.s32 s9, $0x1;
	p1 =	seq.s32 s9, $0x0  }
0xb: {  	s21 =	sadd.s32 s8, s0;
	s19 =	sshrl.u32 s10, $0x2;
	s20 =	sshrl.u32 s11, $0x3  }
0xc: {  	s13 =	sshrl.u32 s12, $0x1;
	s18 =	sadd.s32 s11, s4;
	s8 =	sadd.s32 s19, s2  }
0xd: {  	s0 =	sadd.s32 s20, s0;
	s22 =	ssub.s32 s12, s13;
	s19 =	sadd.s32 $0xA9C00, s21  }
0xe: {  	s21 =	sadd.s32 $0xD1C00, s21;
	s23 =	sadd.s32 $0x2000, s8;
	s24 =	sadd.s32 $0x4000, s8  }
0xf: {  	s25 =	sadd.s32 $0x6000, s8;
	s26 =	sadd.s32 $0x8000, s8;
	s13 =	sadd.s32 $0xA000, s8  }
.Ltmp0:
0x10: {  	s14 =	sadd.s32 $0xC000, s8;
	[dreg:$0x5] =	wrdreg s23;
	(pc) =	sbr.rel .LBB2_1-.Ltmp0, $4  }
0x11: {  	s15 =	sadd.s32 $0xE000, s8;
	s16 =	sadd.s32 $0x10000, s8;
	[dreg:$0x6] =	wrdreg s24  }
0x12: {  	s17 =	sadd.s32 $0x12000, s8;
	s20 =	sadd.s32 $0xF9C00, s0;
	[dreg:$0x7] =	wrdreg s25  }
0x13: {  	s22 =	smax.u32 s22, $0x1;
	s0 =	simm.s32 $0x5280;
	[dreg:$0x8] =	wrdreg s26  }
0x14: {  	v0 =	vimm.f32 $0.0e+00;
	v1 =	vimm.f32 $1.000000000e+00;
	s23 =	simm.s32 $0x3200;
	s24 =	simm.s32 $0x2;
	s26 =	simm.s32 $0x1900  }
.LBB2_13:
0x15: {  	s9 =	sshll.u32 @p0 s3, $0x6  }
0x16: {  	[bflag:$0x0] =	sbarrier.arrive $0xFFFF;
	s10 =	sshrl.u32 @p0 s8, $0x3;
	s9 =	sor.u32 @p0 $0x1C02, s9  }
0x17: {  	[hbm:s21], [sflag:s9] =	dma.local @p0 [spmem:s10], $0x2800  }
0x18: {  	s9 =	simm.s32 @p0 $0x2  }
0x19: {  	_ =	swait.ge @p0 [sflag:s9], $0x2800  }
0x1a: {  	s10 =	sshll.u32 @!p0 s3, $0x6;
	[sflag:s9] =	ssyncset.done @p0 $0x0  }
0x1b: {  	[sflag:s9] =	ssyncadd.s32 @p0 $0xFFFFD800;
	s9 =	sor.u32 @!p0 $0x1C02, s10;
	s10 =	sshrl.u32 @!p0 s8, $0x3  }
0x1c: {  	[hbm:s19], [sflag:s9] =	dma.local @!p0 [spmem:s10], $0x2800  }
0x1d: {  	s10 =	simm.s32 @!p0 $0x2  }
0x1e: {  	s5 =	sadd.s32 $0x1, s5;
	_ =	swait.ge @!p0 [sflag:s10], $0x2800  }
0x1f: {  	p2 =	sne.s32 s5, s22;
	[sflag:s10] =	ssyncset.done @!p0 $0x0  }
.Ltmp1:
0x20: {  	s11 =	sshrl.u32 @!p0 s18, $0x3;
	[sflag:s10] =	ssyncadd.s32 @!p0 $0xFFFFD800;
	(pc) =	sbr.rel @!p2 .LBB2_14-.Ltmp1, $4  }
0x21: {  	[hbm:s20], [sflag:s9] =	dma.local @!p0 [spmem:s11], $0x50  }
0x22: {  	_ =	swait.ge @!p0 [sflag:s10], $0x50  }
0x23: {  	[sflag:s10] =	ssyncset.done @!p0 $0x0  }
0x24: {  	[sflag:s10] =	ssyncadd.s32 @!p0 $0xFFFFFFB0  }
.LBB2_1:
0x25: {  	s9 =	simm.s32 $0x0;
	s10 =	simm.s32 $0x200  }
.LBB2_2:
0x26: {  	p2 =	sne.s32 s10, $0x7E00;
	[tilespmem:s9+$0x3270] =	vst v0  }
0x27: {  	[tilespmem:s9+$0x3200] =	vst v0  }
0x28: {  	[tilespmem:s9+$0x3210] =	vst v0  }
.Ltmp2:
0x29: {  	[tilespmem:s9+$0x3220] =	vst v0;
	(pc) =	sbr.rel @p2 .LBB2_2-.Ltmp2, $4  }
0x2a: {  	[tilespmem:s9+$0x3230] =	vst v0  }
0x2b: {  	[tilespmem:s9+$0x3240] =	vst v0  }
0x2c: {  	[tilespmem:s9+$0x3250] =	vst v0  }
0x2d: {  	[tilespmem:s9+$0x3260] =	vst v0;
	s9 =	sshra.s32 s10, $0x2;
	s10 =	sadd.s32 $0x200, s10  }
0x2e: {  	[tilespmem:s9+$0x3270] =	vst v0  }
0x2f: {  	[tilespmem:s9+$0x3200] =	vst v0  }
0x30: {  	[tilespmem:s9+$0x3210] =	vst v0  }
0x31: {  	[tilespmem:s9+$0x3220] =	vst v0  }
0x32: {  	[tilespmem:s9+$0x3230] =	vst v0  }
0x33: {  	[tilespmem:s9+$0x3240] =	vst v0  }
0x34: {  	[tilespmem:s9+$0x3250] =	vst v0  }
0x35: {  	[tilespmem:s9+$0x3260] =	vst v0  }
0x36: {  	[spmem:s8] =	stream.linear.scatter [tilespmem:s23], [sflag:$0x2], $0x2000, $0x38;
	[tilespmem:$0x19800] =	vst v63  }
0x37: {  	_ =	swait.ge [sflag:s24], $0x2000  }
0x38: {  	[sflag:s24] =	ssyncset.done $0x0  }
0x39: {  	s25 =	rddreg [dreg:$0x5];
	[sflag:s24] =	ssyncadd.s32 $0xFFFFE000  }
0x3a: {  	[spmem:s25] =	stream.linear.scatter [tilespmem:s23], [sflag:$0x2], $0x2000, $0x38;
	[tilespmem:$0x19800] =	vst v63  }
0x3b: {  	_ =	swait.ge [sflag:s24], $0x2000  }
0x3c: {  	[sflag:s24] =	ssyncset.done $0x0  }
0x3d: {  	s10 =	rddreg [dreg:$0x6];
	[sflag:s24] =	ssyncadd.s32 $0xFFFFE000  }
0x3e: {  	[spmem:s10] =	stream.linear.scatter [tilespmem:s23], [sflag:$0x2], $0x2000, $0x38;
	[tilespmem:$0x19800] =	vst v63  }
0x3f: {  	_ =	swait.ge [sflag:s24], $0x2000  }
0x40: {  	[sflag:s24] =	ssyncset.done $0x0  }
0x41: {  	s11 =	rddreg [dreg:$0x7];
	[sflag:s24] =	ssyncadd.s32 $0xFFFFE000  }
0x42: {  	[spmem:s11] =	stream.linear.scatter [tilespmem:s23], [sflag:$0x2], $0x2000, $0x38;
	[tilespmem:$0x19800] =	vst v63  }
0x43: {  	_ =	swait.ge [sflag:s24], $0x2000  }
0x44: {  	[sflag:s24] =	ssyncset.done $0x0  }
0x45: {  	s12 =	rddreg [dreg:$0x8];
	[sflag:s24] =	ssyncadd.s32 $0xFFFFE000  }
0x46: {  	[spmem:s12] =	stream.linear.scatter [tilespmem:s23], [sflag:$0x2], $0x2000, $0x38;
	[tilespmem:$0x19800] =	vst v63  }
0x47: {  	_ =	swait.ge [sflag:s24], $0x2000  }
0x48: {  	[sflag:s24] =	ssyncset.done $0x0  }
0x49: {  	[sflag:s24] =	ssyncadd.s32 $0xFFFFE000  }
0x4a: {  	[spmem:s13] =	stream.linear.scatter [tilespmem:s23], [sflag:$0x2], $0x2000, $0x38;
	[tilespmem:$0x19800] =	vst v63  }
0x4b: {  	_ =	swait.ge [sflag:s24], $0x2000  }
0x4c: {  	[sflag:s24] =	ssyncset.done $0x0  }
0x4d: {  	[sflag:s24] =	ssyncadd.s32 $0xFFFFE000  }
0x4e: {  	[spmem:s14] =	stream.linear.scatter [tilespmem:s23], [sflag:$0x2], $0x2000, $0x38;
	[tilespmem:$0x19800] =	vst v63  }
0x4f: {  	_ =	swait.ge [sflag:s24], $0x2000  }
0x50: {  	[sflag:s24] =	ssyncset.done $0x0  }
0x51: {  	[sflag:s24] =	ssyncadd.s32 $0xFFFFE000  }
0x52: {  	[spmem:s15] =	stream.linear.scatter [tilespmem:s23], [sflag:$0x2], $0x2000, $0x38;
	[tilespmem:$0x19800] =	vst v63  }
0x53: {  	_ =	swait.ge [sflag:s24], $0x2000  }
0x54: {  	[sflag:s24] =	ssyncset.done $0x0  }
0x55: {  	[sflag:s24] =	ssyncadd.s32 $0xFFFFE000  }
0x56: {  	[spmem:s16] =	stream.linear.scatter [tilespmem:s23], [sflag:$0x2], $0x2000, $0x38;
	[tilespmem:$0x19800] =	vst v63  }
0x57: {  	_ =	swait.ge [sflag:s24], $0x2000  }
0x58: {  	[sflag:s24] =	ssyncset.done $0x0  }
0x59: {  	[sflag:s24] =	ssyncadd.s32 $0xFFFFE000  }
0x5a: {  	[spmem:s17] =	stream.linear.scatter [tilespmem:s23], [sflag:$0x2], $0x2000, $0x38;
	[tilespmem:$0x19800] =	vst v63  }
0x5b: {  	_ =	swait.ge [sflag:s24], $0x2000  }
0x5c: {  	[sflag:s24] =	ssyncset.done $0x0  }
0x5d: {  	[sflag:s24] =	ssyncadd.s32 $0xFFFFE000  }
0x5e: {  	[tilespmem:$0x5280] =	vst v1  }
0x5f: {  	[tilespmem:$0x5290] =	vst v1  }
0x60: {  	[tilespmem:$0x52A0] =	vst v1  }
0x61: {  	[tilespmem:$0x52B0] =	vst v1  }
0x62: {  	[tilespmem:$0x5300] =	vst v0  }
0x63: {  	[tilespmem:$0x5310] =	vst v0  }
0x64: {  	[tilespmem:$0x5320] =	vst v0  }
0x65: {  	[tilespmem:$0x5330] =	vst v0  }
0x66: {  	[tilespmem:$0x5340] =	vst v0  }
0x67: {  	[tilespmem:$0x5350] =	vst v0  }
0x68: {  	[tilespmem:$0x5360] =	vst v0  }
0x69: {  	[tilespmem:$0x5370] =	vst v0  }
0x6a: {  	[tilespmem:$0x5380] =	vst v0  }
0x6b: {  	[tilespmem:$0x5390] =	vst v0  }
0x6c: {  	[tilespmem:$0x53A0] =	vst v0  }
0x6d: {  	[tilespmem:$0x53B0] =	vst v0  }
0x6e: {  	[tilespmem:$0x53C0] =	vst v0  }
0x6f: {  	[tilespmem:$0x53D0] =	vst v0  }
0x70: {  	[tilespmem:$0x53E0] =	vst v0  }
0x71: {  	[tilespmem:$0x53F0] =	vst v0  }
0x72: {  	[tilespmem:$0x5400] =	vst v0  }
0x73: {  	[tilespmem:$0x5410] =	vst v0  }
0x74: {  	[tilespmem:$0x5420] =	vst v0  }
0x75: {  	[tilespmem:$0x5430] =	vst v0  }
0x76: {  	[tilespmem:$0x5440] =	vst v0  }
0x77: {  	[tilespmem:$0x5450] =	vst v0  }
0x78: {  	[tilespmem:$0x5460] =	vst v0  }
0x79: {  	[tilespmem:$0x5470] =	vst v0  }
0x7a: {  	[tilespmem:$0x5480] =	vst v0  }
0x7b: {  	[tilespmem:$0x5490] =	vst v0  }
0x7c: {  	[tilespmem:$0x54A0] =	vst v0  }
0x7d: {  	[tilespmem:$0x54B0] =	vst v0  }
0x7e: {  	[tilespmem:$0x54C0] =	vst v0  }
0x7f: {  	[tilespmem:$0x54D0] =	vst v0  }
0x80: {  	[tilespmem:$0x54E0] =	vst v0  }
0x81: {  	[tilespmem:$0x54F0] =	vst v0  }
0x82: {  	[tilespmem:$0x5500] =	vst v0  }
0x83: {  	[tilespmem:$0x5510] =	vst v0  }
0x84: {  	[tilespmem:$0x5520] =	vst v0  }
0x85: {  	[tilespmem:$0x5530] =	vst v0  }
0x86: {  	[tilespmem:$0x5540] =	vst v0  }
0x87: {  	[tilespmem:$0x5550] =	vst v0  }
0x88: {  	[tilespmem:$0x5560] =	vst v0  }
0x89: {  	s25 =	simm.s32 $0x5300;
	[tilespmem:$0x5570] =	vst v0  }
0x8a: {  	[spmem:s18] =	stream.linear.scatter [tilespmem:s25], [sflag:$0x2], $0x280, $0x38;
	[tilespmem:$0x19800] =	vst v63  }
.Ltmp3:
0x8b: {  	_ =	swait.ge [sflag:s24], $0x280;
	(pc) =	sbr.rel .LBB2_4-.Ltmp3, $4  }
0x8c: {  	[sflag:s24] =	ssyncset.done $0x0  }
0x8d: {  	[sflag:s24] =	ssyncadd.s32 $0xFFFFFD80  }
0x8e: {  	[bflag:$0x0] =	sbarrier.arrive $0xFFFF  }
0x8f: {  	s25 =	simm.s32 $0x0  }
.LBB2_12:
0x90: {  	s25 =	sadd.s32 $0x1, s25  }
0x91: {  	p2 =	sne.s32 s25, $0x4  }
.Ltmp4:
0x92: {  	_ = 	snop;
	(pc) =	sbr.rel @!p2 .LBB2_13-.Ltmp4, $1  }
0x93: {  	_ =	sdelay $0x3  }
.LBB2_4:
0x94: {  	s9 =	sshll.u32 s25, $0x4  }
0x95: {  	s9 =	sor.u32 s3, s9  }
0x96: {  	p2 =	sgt.u32 s9, $0x31  }
.Ltmp5:
0x97: {  	_ = 	snop;
	(pc) =	sbr.rel @p2 .LBB2_12-.Ltmp5, $1  }
0x98: {  	_ =	sdelay $0x3  }
0x99: {  	s10 =	smul.u32 $0x320, s9;
	_ =	sdelay $0x1  }
0x9a: {  	s9 =	simm.s32 $0x0;
	s11 =	sadd.s32 s7, s10  }
0x9b: {  	[tilespmem:s9], [sflag:$0x2] =	stream.linear.gather [hbm4b:s11+s9], $0x1900, $0x38;
	[tilespmem:$0x19800] =	vst v63  }
0x9c: {  	_ =	swait.ge [sflag:s24], $0x1900  }
0x9d: {  	[sflag:s24] =	ssyncset.done $0x0  }
.Ltmp6:
0x9e: {  	s10 =	sadd.s32 s1, s10;
	[sflag:s24] =	ssyncadd.s32 $0xFFFFE700;
	(pc) =	sbr.rel .LBB2_6-.Ltmp6, $4  }
0x9f: {  	[tilespmem:s26], [sflag:$0x2] =	stream.linear.gather [hbm4b:s10+s9], $0x1900, $0x38;
	[tilespmem:$0x19800] =	vst v63  }
0xa0: {  	_ =	swait.ge [sflag:s24], $0x1900  }
0xa1: {  	[sflag:s24] =	ssyncset.done $0x0  }
0xa2: {  	[sflag:s24] =	ssyncadd.s32 $0xFFFFE700  }
.LBB2_10:
0xa3: {  	[spmem:s2] =	stream.indirect.scatter.add.f32 [tilespmem:s23], [sflag:$0x3], $0x80, s30, s28, $0xb8;
	[tilespmem:$0x19800] =	vst v63  }
0xa4: {  	_ =	swait.ge [sflag:s31], $0x2000  }
0xa5: {  	[sflag:s31] =	ssyncset.done $0x0  }
0xa6: {  	[sflag:s31] =	ssyncadd.s32 $0xFFFFE000  }
0xa7: {  	[spmem:s4] =	stream.indirect.scatter.add.f32 [tilespmem:s0], [sflag:$0x2], $0x1, s30, s28, $0xb8;
	[tilespmem:$0x19800] =	vst v63  }
0xa8: {  	_ =	swait.ge [sflag:s24], $0x40  }
0xa9: {  	[sflag:s24] =	ssyncset.done $0x0  }
0xaa: {  	[sflag:s24] =	ssyncadd.s32 $0xFFFFFFC0  }
.LBB2_11:
0xab: {  	s9 =	sadd.s32 $0x1, s9  }
0xac: {  	p2 =	sne.s32 s9, $0x64  }
.Ltmp7:
0xad: {  	_ = 	snop;
	(pc) =	sbr.rel @!p2 .LBB2_12-.Ltmp7, $1  }
0xae: {  	_ =	sdelay $0x3  }
.LBB2_6:
0xaf: {  	s10 =	sshll.u32 s9, $0x6  }
0xb0: {  	s11 =	sadd.s32 $0x1900, s10  }
0xb1: {  	[tilespmem:s23], [sflag:$0x1] =	stream.indirect.gather [hbm4b:s6+s28], $0x80, s11, s28, $0xb8;
	[tilespmem:$0x19800] =	vst v63  }
0xb2: {  	_ =	swait.ge [sflag:s29], $0x2000  }
0xb3: {  	[sflag:s29] =	ssyncset.done $0x0  }
0xb4: {  	[sflag:s29] =	ssyncadd.s32 $0xFFFFE000  }
0xb5: {  	v2 =	vld [tilespmem:s10+$0x0];
	_ =	sdelay $0x4  }
0xb6: {  	[tilespmem:$0x5200] =	vst v2  }
0xb7: {  	v2 =	vld [tilespmem:s10+$0x10];
	_ =	sdelay $0x4  }
0xb8: {  	[tilespmem:$0x5210] =	vst v2  }
0xb9: {  	v2 =	vld [tilespmem:s10+$0x20];
	_ =	sdelay $0x4  }
0xba: {  	[tilespmem:$0x5220] =	vst v2  }
0xbb: {  	v2 =	vld [tilespmem:s10+$0x30]  }
.Ltmp8:
0xbc: {  	_ = 	snop;
	(pc) =	sbr.rel @p1 .LBB2_10-.Ltmp8, $2  }
0xbd: {  	_ =	sdelay $0x2  }
0xbe: {  	[tilespmem:$0x5230] =	vst v2  }
0xbf: {  	s10 =	simm.s32 $0x0  }
0xc0: {  	v5 =	vld [tilespmem:s10+$0x3200]  }
0xc1: {  	v7 =	vld [tilespmem:s10+$0x3210]  }
0xc2: {  	v6 =	vld [tilespmem:s10+$0x3220]  }
0xc3: {  	v4 =	vld [tilespmem:s10+$0x3230]  }
0xc4: {  	v2 =	vld [tilespmem:s10+$0x3240]  }
0xc5: {  	v3 =	vld [tilespmem:s10+$0x3250];
	v8 =	vmul.f32 v5, v5  }
0xc6: {  	s11 =	simm.s32 $0x200;
	v7 =	vmul.f32 v7, v7;
	v5 =	vld [tilespmem:s10+$0x3260]  }
.LBB2_8:
0xc7: {  	s12 =	sshra.s32 s11, $0x2;
	p2 =	sne.s32 s11, $0x7E00;
	[tilespmem:s10+$0x3200] =	vst v8;
	v6 =	vmul.f32 v6, v6;
	v8 =	vld [tilespmem:s10+$0x3270]  }
0xc8: {  	v9 =	vld [tilespmem:s12+$0x3200];
	[tilespmem:s10+$0x3210] =	vst v7;
	v4 =	vmul.f32 v4, v4  }
0xc9: {  	v7 =	vld [tilespmem:s12+$0x3210];
	[tilespmem:s10+$0x3220] =	vst v6;
	v2 =	vmul.f32 v2, v2  }
.Ltmp9:
0xca: {  	v6 =	vld [tilespmem:s12+$0x3220];
	[tilespmem:s10+$0x3230] =	vst v4;
	v3 =	vmul.f32 v3, v3;
	(pc) =	sbr.rel @p2 .LBB2_8-.Ltmp9, $4  }
0xcb: {  	v4 =	vld [tilespmem:s12+$0x3230];
	[tilespmem:s10+$0x3240] =	vst v2;
	v5 =	vmul.f32 v5, v5  }
0xcc: {  	v2 =	vld [tilespmem:s12+$0x3240];
	[tilespmem:s10+$0x3250] =	vst v3;
	v10 =	vmul.f32 v8, v8  }
0xcd: {  	v8 =	vmul.f32 v9, v9;
	v3 =	vld [tilespmem:s12+$0x3250];
	[tilespmem:s10+$0x3260] =	vst v5  }
0xce: {  	s11 =	sadd.s32 $0x200, s11;
	v7 =	vmul.f32 v7, v7;
	v5 =	vld [tilespmem:s12+$0x3260];
	[tilespmem:s10+$0x3270] =	vst v10;
	s10 =	smov.u32 s12  }
0xcf: {  	[tilespmem:s10+$0x3200] =	vst v8;
	v6 =	vmul.f32 v6, v6;
	v63 =	vld [tilespmem:s10+$0x3270]  }
0xd0: {  	[tilespmem:s10+$0x3210] =	vst v7;
	v4 =	vmul.f32 v4, v4  }
0xd1: {  	[tilespmem:s10+$0x3220] =	vst v6;
	v2 =	vmul.f32 v2, v2  }
0xd2: {  	[tilespmem:s10+$0x3230] =	vst v4;
	v3 =	vmul.f32 v3, v3  }
0xd3: {  	[tilespmem:s10+$0x3240] =	vst v2;
	v2 =	vmul.f32 v5, v5  }
0xd4: {  	[tilespmem:s10+$0x3250] =	vst v3;
	v3 =	vmul.f32 v63, v63  }
0xd5: {  	[tilespmem:s10+$0x3260] =	vst v2  }
.Ltmp10:
0xd6: {  	[tilespmem:s10+$0x3270] =	vst v3;
	(pc) =	sbr.rel .LBB2_11-.Ltmp10, $4  }
0xd7: {  	[spmem:s2] =	stream.indirect.scatter.add.f32 [tilespmem:s23], [sflag:$0x3], $0x80, s30, s28, $0xb8;
	[tilespmem:$0x19800] =	vst v63  }
0xd8: {  	_ =	swait.ge [sflag:s31], $0x2000  }
0xd9: {  	[sflag:s31] =	ssyncset.done $0x0  }
0xda: {  	[sflag:s31] =	ssyncadd.s32 $0xFFFFE000  }
.LBB2_14:
0xdb: {  	_ =	sfence.sel $0x180000  }
0xdc: {  	[bflag:$0x0] =	sbarrier.arrive $0xFFFF  }
0xdd: {  	_ =	strace $0x9000004A  }
0xde: {  	[bflag:$0x2] =	sbarrier.arrive $0xFFFF  }
0xdf: {  	p0 =	sne.s32 s3, $0x0;
	s0 =	rddreg [dreg:$0x4]  }
0xe0: {  	s0 =	sadd.s32 @!p0 $0x100000, s0  }
0xe1: {  	[sflag:s0] =	ssyncadd.tile.s32 @!p0 $0x1;
	_ =	shalt  }
.Lfunc_end2:
_tile_overlayer_lowered:
.L_overlay_start_2:
0xe2: {  	(tag) =	ssettag $0x2  }
0xe3: {  	s0 =	rddreg [dreg:$0x0];
	s2 =	stileid.u32  }
0xe4: {  	s1 =	rddreg [dreg:$0x1];
	p0 =	sne.s32 s2, $0x0  }
0xe5: {  	s3 =	rddreg [dreg:$0x2];
	[bflag:$0x3] =	sbarrier.arrive $0xFFFF;
	s2 =	simm.s32 @!p0 $0x1C02  }
0xe6: {  	[timem:s3], [sflag:s2] =	dma.local @!p0 [hbm:s0], s1  }
0xe7: {  	s0 =	simm.s32 @!p0 $0x2  }
0xe8: {  	_ =	swait.ge @!p0 [sflag:s0], s1  }
0xe9: {  	s1 =	ssub.s32 @!p0 $0x0, s1;
	[sflag:s0] =	ssyncset.done @!p0 $0x0  }
0xea: {  	[sflag:s0] =	ssyncadd.s32 @!p0 s1  }
0xeb: {  	[bflag:$0x3] =	sbarrier.arrive $0xFFFF  }
0xec: {  	_ =	shalt  }

// kernel: kernel.9.cloned.1.call-start
scs
__scs_entry_jumppad:
0x0: {  	(pc) =	sbr.rel $0x88, $3  }
0x1: {  	(tag) =	ssettag $0x0;
	lr =	simm.s32 $0x1  }
0x2: {  	[smem:$0x3F9C] =	sst lr;
	_ =	strace $0xD0000000  }
0x3: {  	_ = 	snop  }
0x4: {  	_ = 	snop  }
0x5: {  	_ = 	snop  }
0x6: {  	_ = 	snop  }
0x7: {  	_ = 	snop  }
__scs_overlays_trampoline_lowered:
0x8: {  	[smem:$0x3FAB] =	sst s0  }
0x9: {  	[smem:$0x3FAC] =	sst s1  }
0xa: {  	[smem:$0x3FAD] =	sst s2  }
0xb: {  	[smem:$0x3FAE] =	sst s3  }
0xc: {  	[smem:$0x3FAF] =	sst s4  }
0xd: {  	[smem:$0x3FB0] =	sst s5  }
0xe: {  	[smem:$0x3FB1] =	sst s6  }
0xf: {  	[smem:$0x3FB2] =	sst s7  }
0x10: {  	[smem:$0x3FB3] =	sst s8  }
0x11: {  	[smem:$0x3FB4] =	sst s9;
	s0 =	simm.s32 @!p0 $0x0  }
0x12: {  	s1 =	sld [smem:$0x3F9A];
	s0 =	simm.s32 @p0 $0x1  }
0x13: {  	[smem:$0x3FB5] =	sst s0;
	s0 =	simm.s32 @!p1 $0x0  }
0x14: {  	s2 =	sld [smem:$0x3F99];
	s0 =	simm.s32 @p1 $0x1  }
0x15: {  	[smem:$0x3FB6] =	sst s0;
	s0 =	simm.s32 @!p2 $0x0  }
0x16: {  	s3 =	sld [smem:$0x3FDB];
	s0 =	simm.s32 @p2 $0x1  }
0x17: {  	s4 =	simm.s32 $0x1BF5;
	[smem:$0x3FB8] =	sst s0  }
0x18: {  	s0 =	sld [smem:$0x3F9B];
	_ =	swait.ge [sflag:s4], $0x0  }
0x19: {  	s7 =	sld [smem:$0x3F9C]  }
0x1a: {  	s8 =	sadd.s32 $0xFFFFE003, lr  }
0x1b: {  	s9 =	sadd.s32 $0xFFFFFEF7, lr;
	s5 =	simm.s32 $0xFFFFFFFF;
	p2 =	slt.u32 s8, $0xFFFFF086  }
0x1c: {  	p1 =	slt.u32 s9, $0xF7A;
	s5 =	simm.s32 @!p2 $0x0  }
0x1d: {  	s5 =	simm.s32 @p1 $0x1;
	p0 =	seq.s32 s7, s2  }
0x1e: {  	s7 =	smul.u32 @!p0 $0xF7A, s2;
	p2 =	seq.s32 @!p0 s5, $0x0  }
0x1f: {  	s9 =	smul.u32 $0xF7A, s1;
	s8 =	simm.s32 @!p0 $0x1BF5;
	p2 =	por !p2, p0  }
0x20: {  	[sflag:s8] =	ssyncset.s32 @!p0 $0xFFFFF086;
	s6 =	sadd.s32 @!p0 s3, s7;
	s7 =	simm.s32 @!p0 $0x108  }
0x21: {  	s3 =	sadd.s32 s3, s9;
	s6 =	sadd.s32 @!p0 $0x88, s6;
	s7 =	simm.s32 @p2 $0x1082  }
0x22: {  	[simem:s7], [sflag:s8] =	dma.local @!p0 [hbm:s6], $0xF7A  }
0x23: {  	s9 =	sor.u32 $0xD0000000, s2;
	s6 =	simm.s32 $0x108;
	_ =	swait.ge @!p0 [sflag:s8], $0x0  }
0x24: {  	s3 =	sadd.s32 $0x88, s3;
	s6 =	simm.s32 @!p1 $0x1082;
	[sflag:s4] =	ssyncset.s32 $0xFFFFF086  }
0x25: {  	[simem:s6], [sflag:s4] =	dma.local [hbm:s3], $0xF7A  }
0x26: {  	[smem:$0x3F9C] =	sst s1;
	(tag) =	ssettag s2;
	_ =	strace s9  }
0x27: {  	s1 =	sld [smem:$0x3FAC]  }
0x28: {  	s2 =	sld [smem:$0x3FAD]  }
0x29: {  	s4 =	sld [smem:$0x3FAF]  }
0x2a: {  	p0 =	seq.s32 s5, $0x0;
	s5 =	sld [smem:$0x3FB0]  }
0x2b: {  	s6 =	sld [smem:$0x3FB1]  }
0x2c: {  	s7 =	sld [smem:$0x3FB2]  }
0x2d: {  	s3 =	simm.s32 $0x108;
	s8 =	sld [smem:$0x3FB3]  }
0x2e: {  	s3 =	simm.s32 @!p0 $0x1082;
	s9 =	sld [smem:$0x3FB4]  }
0x2f: {  	lr =	sadd.s32 s0, s3;
	s0 =	sld [smem:$0x3FAB]  }
0x30: {  	s3 =	sld [smem:$0x3FAE]  }
0x31: {  	[smem:$0x3FB7] =	sst s10  }
0x32: {  	s10 =	sld [smem:$0x3FB5];
	_ =	sdelay $0x3  }
0x33: {  	p0 =	seq.s32 s10, $0x1;
	s10 =	sld [smem:$0x3FB7];
	_ =	sdelay $0x3  }
0x34: {  	[smem:$0x3FB7] =	sst s10  }
0x35: {  	s10 =	sld [smem:$0x3FB6];
	_ =	sdelay $0x3  }
0x36: {  	p1 =	seq.s32 s10, $0x1;
	s10 =	sld [smem:$0x3FB7];
	_ =	sdelay $0x3  }
0x37: {  	[smem:$0x3FB7] =	sst s10  }
0x38: {  	s10 =	sld [smem:$0x3FB8]  }
0x39: {  	_ = 	snop;
	(pc) =	sbr.ind lr, $3  }
0x3a: {  	_ = 	snop  }
0x3b: {  	_ = 	snop  }
0x3c: {  	p2 =	seq.s32 s10, $0x1;
	s10 =	sld [smem:$0x3FB7]  }
0x3d: {  	_ =	shalt  }
0x3e: {  	_ =	shalt  }
0x3f: {  	_ =	shalt  }
0x40: {  	_ =	shalt  }
0x41: {  	_ =	shalt  }
0x42: {  	_ =	shalt  }
0x43: {  	_ =	shalt  }
0x44: {  	_ =	shalt  }
0x45: {  	_ =	shalt  }
0x46: {  	_ =	shalt  }
0x47: {  	_ =	shalt  }
0x48: {  	_ =	shalt  }
0x49: {  	_ =	shalt  }
0x4a: {  	_ =	shalt  }
0x4b: {  	_ =	shalt  }
0x4c: {  	_ =	shalt  }
0x4d: {  	_ =	shalt  }
0x4e: {  	_ =	shalt  }
0x4f: {  	_ =	shalt  }
0x50: {  	_ =	shalt  }
0x51: {  	_ =	shalt  }
0x52: {  	_ =	shalt  }
0x53: {  	_ =	shalt  }
0x54: {  	_ =	shalt  }
0x55: {  	_ =	shalt  }
0x56: {  	_ =	shalt  }
0x57: {  	_ =	shalt  }
0x58: {  	_ =	shalt  }
0x59: {  	_ =	shalt  }
0x5a: {  	_ =	shalt  }
0x5b: {  	_ =	shalt  }
0x5c: {  	_ =	shalt  }
0x5d: {  	_ =	shalt  }
0x5e: {  	_ =	shalt  }
0x5f: {  	_ =	shalt  }
0x60: {  	_ =	shalt  }
0x61: {  	_ =	shalt  }
0x62: {  	_ =	shalt  }
0x63: {  	_ =	shalt  }
0x64: {  	_ =	shalt  }
0x65: {  	_ =	shalt  }
0x66: {  	_ =	shalt  }
0x67: {  	_ =	shalt  }
0x68: {  	_ =	shalt  }
0x69: {  	_ =	shalt  }
0x6a: {  	_ =	shalt  }
0x6b: {  	_ =	shalt  }
0x6c: {  	_ =	shalt  }
0x6d: {  	_ =	shalt  }
0x6e: {  	_ =	shalt  }
0x6f: {  	_ =	shalt  }
0x70: {  	_ =	shalt  }
0x71: {  	_ =	shalt  }
0x72: {  	_ =	shalt  }
0x73: {  	_ =	shalt  }
0x74: {  	_ =	shalt  }
0x75: {  	_ =	shalt  }
0x76: {  	_ =	shalt  }
0x77: {  	_ =	shalt  }
0x78: {  	_ =	shalt  }
0x79: {  	_ =	shalt  }
0x7a: {  	_ =	shalt  }
0x7b: {  	_ =	shalt  }
0x7c: {  	_ =	shalt  }
0x7d: {  	_ =	shalt  }
0x7e: {  	_ =	shalt  }
0x7f: {  	_ =	shalt  }
0x80: {  	_ =	shalt  }
0x81: {  	_ =	shalt  }
0x82: {  	_ =	shalt  }
0x83: {  	_ =	shalt  }
0x84: {  	_ =	shalt  }
0x85: {  	_ =	shalt  }
0x86: {  	_ =	shalt  }
0x87: {  	_ =	shalt  }
.Lfunc_end0:
.L_simem_size_0:
called_computation.1_lowered:
.L_overlay_start_0:
0x88: {  	s2 =	sld [smem:$0x3FD9]  }
0x89: {  	s3 =	sld [smem:$0x3FFE];
	_ =	sdelay $0x1  }
0x8a: {  	s1 =	srdreg.scid  }
0x8b: {  	s0 =	sand.u32 $0x1, s1  }
0x8c: {  	s17 =	sshll.u32 s0, $0xA;
	s2 =	sadd.s32 s3, s2  }
0x8d: {  	s2 =	sadd.s32 s2, s17  }
0x8e: {  	[smem:$0x3FC3] =	sst s2  }
0x8f: {  	_ = 	snop  }
0x90: {  	s2 =	sld [smem:$0x3FD0];
	(tm) =	ssettm $0x1  }
0x91: {  	s18 =	sld [smem:$0x3FFB];
	_ =	sdelay $0x3  }
0x92: {  	_ =	strace s18  }
0x93: {  	s3 =	sld [smem:$0x3FFC];
	_ =	sdelay $0x3  }
0x94: {  	_ =	strace s3  }
0x95: {  	s3 =	sld [smem:$0x3FFD];
	_ =	sdelay $0x3  }
0x96: {  	_ =	strace s3  }
0x97: {  	_ =	strace $0x8FFFFFFF  }
0x98: {  	s19 =	sld [smem:$0x3FDB];
	_ =	sdelay $0x1  }
0x99: {  	s4 =	simm.s32 $_scs_section_size  }
0x9a: {  	s5 =	simm.s32 $_size__tile_overlayer_lowered;
	s6 =	simm.s32 $_tile_overlayer_lowered  }
0x9b: {  	s22 =	simm.s32 $0x1BFF;
	s21 =	sshll.u32 s6, $0x1;
	s3 =	sadd.s32 s4, s19  }
0x9c: {  	s7 =	simm.s32 $0x0;
	s20 =	sshll.u32 s5, $0x1;
	s5 =	sadd.s32 s21, s3  }
0x9d: {  	[timem:s7], [sflag:s22] =	dma.local [hbm:s5], s20  }
0x9e: {  	_ =	swait.ge [sflag:s22], s20  }
0x9f: {  	s4 =	ssub.s32 $0x0, s20;
	[sflag:s22] =	ssyncset.done $0x0  }
0xa0: {  	[sflag:s22] =	ssyncadd.s32 s4;
	_ =	sdelay $0x1  }
0xa1: {  	s23 =	simm.s32 $0x1B8B  }
0xa2: {  	_ =	swait.ge [sflag:s23], $0x1  }
0xa3: {  	[sflag:s23] =	ssyncset.done $0x0  }
0xa4: {  	s25 =	simm.s32 $0x1B8E;
	s24 =	sld [smem:$0x3FFE];
	[sflag:s23] =	ssyncadd.s32 $0xFFFFFFFF  }
0xa5: {  	s26 =	simm.s32 $execute0_lowered;
	[smem:$0x3FD2] =	sst s25  }
0xa6: {  	s5 =	sshll.u32 s26, $0x1;
	_ =	strace $0x80000046;
	[dreg:$0x1] =	wrdreg $0xFFFFFFFF  }
0xa7: {  	s28 =	simm.s32 $_size_execute0_lowered;
	s3 =	sadd.s32 s3, s5;
	[dreg:$0x0] =	wrdreg $0x0  }
0xa8: {  	s5 =	sshll.u32 s28, $0x1;
	[dreg:$0x2] =	wrdreg s3  }
0xa9: {  	[dreg:$0x3] =	wrdreg s5  }
0xaa: {  	[dreg:$0x4] =	wrdreg $0xC0  }
0xab: {  	_ =	task [dreg:s7], $0x5FFFF  }
0xac: {  	[dreg:$0x1] =	wrdreg $0xFFFFFFFF  }
0xad: {  	[dreg:$0x0] =	wrdreg $0x60  }
0xae: {  	[dreg:$0x2] =	wrdreg s24  }
0xaf: {  	[dreg:$0x3] =	wrdreg s2  }
0xb0: {  	[dreg:$0x4] =	wrdreg $0xA  }
0xb1: {  	_ =	task.clear_ibuf [dreg:s7], $0x5FFFF;
	_ =	strace $0x90000046  }
0xb2: {  	s29 =	simm.s32 $0xA;
	_ =	strace $0x80000048  }
0xb3: {  	_ =	swait.ge [sflag:s29], $0x1  }
0xb4: {  	[sflag:s29] =	ssyncadd.s32 $0xFFFFFFFF  }
0xb5: {  	_ =	strace $0x90000048  }
0xb6: {  	_ =	sfence  }
0xb7: {  	s30 =	sld [smem:$0x0];
	_ =	sdelay $0x2  }
0xb8: {  	s31 =	sshll.u32 s1, $0xD;
	s1 =	sshrl.u32 s1, $0x2  }
0xb9: {  	s3 =	sand.u32 $0x4000, s31;
	s1 =	sadd.s32 s1, s30  }
0xba: {  	s0 =	sor.u32 s3, s0;
	s1 =	sshll.u32 s1, $0x11  }
0xbb: {  	s0 =	sor.u32 s1, s0  }
0xbc: {  	s0 =	sadd.s32 $0x8F2B, s0  }
0xbd: {  	[sflag:s0] =	ssyncadd.remote.s32 $0x1  }
0xbe: {  	_ =	sfence.sel $0xFFFF  }
0xbf: {  	[dreg:$0x0] =	wrdreg $0xFFFFFFFF;
	(pc) =	sbr.abs _section_cstart, $3  }
0xc0: {  	[dreg:$0x1] =	wrdreg $0xFFFFFFFF  }
0xc1: {  	_ =	task.clear_ibuf [dreg:s7], $0x2FFFF;
	_ =	strace $0x9FFFFFFF  }
0xc2: {  	(tm) =	ssettm $0x7FFFFFFF  }
0xc3: {  	_ =	shalt  }
tec
execute0_lowered:
.L_overlay_start_1:
0x0: {  	(tag) =	ssettag $0x1  }
0x1: {  	s0 =	srdreg.scid;
	s7 =	rddreg [dreg:$0x0]  }
0x2: {  	s2 =	rddreg [dreg:$0x1];
	s1 =	stileid.u32  }
0x3: {  	s3 =	simm.s32 $0x0;
	s11 =	simm.s32 $0x3E80;
	s13 =	simm.s32 $0x40  }
0x4: {  	s14 =	simm.s32 $0x8600;
	s15 =	simm.s32 $0xA600;
	s16 =	simm.s32 $0x14600  }
0x5: {  	s17 =	simm.s32 $0x0;
	s5 =	sand.u32 $0x1, s0;
	s0 =	rddreg [dreg:$0x2]  }
0x6: {  	[smem:$0x7FF] =	sst s3;
	s6 =	sadd.s32 $0x1A00, s7;
	s4 =	sshll.u32 s5, $0x4  }
.Ltmp0:
0x7: {  	s9 =	ssub.s32 $0x2, s5;
	s4 =	sor.u32 s1, s4;
	(pc) =	sbr.rel .LBB2_1-.Ltmp0, $4  }
0x8: {  	_ =	strace $0x80000047;
	s10 =	sshrl.u32 s9, $0x1;
	s8 =	smul.u32 $0x1400, s4  }
0x9: {  	s5 =	sadd.s32 $0x32A00, s7;
	s9 =	ssub.s32 s9, s10;
	s12 =	smul.u32 $0xFFFFFEC0, s4  }
0xa: {  	v1 =	vimm.f32 $-3.402823470e+38;
	v2 =	vimm.f32 $3.402823470e+38;
	s10 =	simm.s32 $0x2;
	s9 =	smax.u32 s9, $0x1;
	s8 =	sadd.s32 s8, s7  }
0xb: {  	v3 =	vlaneseq.u32;
	v4 =	vimm.s32 $0x0;
	v0 =	vmov s12;
	s12 =	simm.s32 $0x1;
	s7 =	sadd.s32 $0x59C00, s8;
	s8 =	sadd.s32 $0x81C00, s8  }
.LBB2_17:
0xc: {  	[hbm4b:s7+s3] =	stream.linear.scatter [tilespmem:s15], [sflag:$0x2], $0xA000, $0x38;
	[tilespmem:$0x1E600] =	vst v63  }
0xd: {  	s17 =	sadd.s32 $0x1, s17;
	_ =	swait.ge [sflag:s10], $0xA000  }
0xe: {  	p0 =	sne.s32 s17, s9;
	[sflag:s10] =	ssyncset.done $0x0  }
.Ltmp1:
0xf: {  	[sflag:s10] =	ssyncadd.s32 $0xFFFF6000;
	(pc) =	sbr.rel @!p0 .LBB2_18-.Ltmp1, $4  }
0x10: {  	[hbm4b:s8+s3] =	stream.linear.scatter [tilespmem:s16], [sflag:$0x2], $0xA000, $0x38;
	[tilespmem:$0x1E600] =	vst v63  }
0x11: {  	_ =	swait.ge [sflag:s10], $0xA000  }
0x12: {  	[sflag:s10] =	ssyncset.done $0x0  }
0x13: {  	[sflag:s10] =	ssyncadd.s32 $0xFFFF6000  }
.LBB2_1:
0x14: {  	s19 =	simm.s32 $0x0;
	s18 =	simm.s32 $0x200  }
.LBB2_2:
0x15: {  	p0 =	sne.s32 s18, $0x27E00;
	[tilespmem:s19+$0x14670] =	vst v2  }
0x16: {  	[tilespmem:s19+$0xA600] =	vst v1  }
0x17: {  	[tilespmem:s19+$0x14600] =	vst v2  }
0x18: {  	[tilespmem:s19+$0xA610] =	vst v1  }
0x19: {  	[tilespmem:s19+$0x14610] =	vst v2  }
0x1a: {  	[tilespmem:s19+$0xA620] =	vst v1  }
0x1b: {  	[tilespmem:s19+$0x14620] =	vst v2  }
0x1c: {  	[tilespmem:s19+$0xA630] =	vst v1  }
0x1d: {  	[tilespmem:s19+$0x14630] =	vst v2  }
0x1e: {  	[tilespmem:s19+$0xA640] =	vst v1  }
0x1f: {  	[tilespmem:s19+$0x14640] =	vst v2  }
.Ltmp2:
0x20: {  	[tilespmem:s19+$0xA650] =	vst v1;
	(pc) =	sbr.rel @p0 .LBB2_2-.Ltmp2, $4  }
0x21: {  	[tilespmem:s19+$0x14650] =	vst v2  }
0x22: {  	[tilespmem:s19+$0xA660] =	vst v1  }
0x23: {  	[tilespmem:s19+$0x14660] =	vst v2  }
0x24: {  	[tilespmem:s19+$0xA670] =	vst v1;
	s19 =	sshra.s32 s18, $0x2;
	s18 =	sadd.s32 $0x200, s18  }
0x25: {  	[tilespmem:s19+$0x14670] =	vst v2  }
0x26: {  	[tilespmem:s19+$0xA600] =	vst v1  }
0x27: {  	[tilespmem:s19+$0x14600] =	vst v2  }
0x28: {  	[tilespmem:s19+$0xA610] =	vst v1  }
0x29: {  	[tilespmem:s19+$0x14610] =	vst v2  }
0x2a: {  	[tilespmem:s19+$0xA620] =	vst v1  }
0x2b: {  	[tilespmem:s19+$0x14620] =	vst v2  }
0x2c: {  	[tilespmem:s19+$0xA630] =	vst v1  }
0x2d: {  	[tilespmem:s19+$0x14630] =	vst v2  }
0x2e: {  	[tilespmem:s19+$0xA640] =	vst v1  }
0x2f: {  	[tilespmem:s19+$0x14640] =	vst v2  }
.Ltmp3:
0x30: {  	[tilespmem:s19+$0xA650] =	vst v1;
	(pc) =	sbr.rel .LBB2_4-.Ltmp3, $4  }
0x31: {  	[tilespmem:s19+$0x14650] =	vst v2  }
0x32: {  	[tilespmem:s19+$0xA660] =	vst v1  }
0x33: {  	[tilespmem:s19+$0x14660] =	vst v2  }
0x34: {  	s18 =	simm.s32 $0x0;
	[tilespmem:s19+$0xA670] =	vst v1;
	s19 =	simm.s32 $0x0  }
.LBB2_16:
0x35: {  	s19 =	sadd.s32 $0x1, s19  }
0x36: {  	p0 =	sne.s32 s19, $0x14  }
.Ltmp4:
0x37: {  	_ = 	snop;
	(pc) =	sbr.rel @!p0 .LBB2_17-.Ltmp4, $1  }
0x38: {  	_ =	sdelay $0x3  }
.LBB2_4:
0x39: {  	s20 =	sadd.s32 s4, s19  }
0x3a: {  	s21 =	smulhi.u32 $0xCCCCCCCD, s20;
	_ =	sdelay $0x1  }
0x3b: {  	s21 =	sshrl.u32 s21, $0x4  }
0x3c: {  	s21 =	smul.u32 $0x14, s21;
	_ =	sdelay $0x1  }
0x3d: {  	s20 =	ssub.s32 s20, s21  }
0x3e: {  	s20 =	smul.u32 $0x7D0, s20;
	_ =	sdelay $0x1  }
0x3f: {  	s30 =	sadd.s32 s6, s20  }
0x40: {  	[tilespmem:s18], [sflag:$0x2] =	stream.linear.gather [hbm4b:s30+s18], $0x3E80, $0x38;
	[tilespmem:$0x1E600] =	vst v63  }
0x41: {  	_ =	swait.ge [sflag:s10], $0x3E80  }
0x42: {  	[sflag:s10] =	ssyncset.done $0x0  }
0x43: {  	s20 =	sadd.s32 s2, s20;
	[sflag:s10] =	ssyncadd.s32 $0xFFFFC180  }
0x44: {  	[tilespmem:s11], [sflag:$0x2] =	stream.linear.gather [hbm4b:s20+s18], $0x3E80, $0x38;
	[tilespmem:$0x1E600] =	vst v63  }
0x45: {  	_ =	swait.ge [sflag:s10], $0x3E80  }
0x46: {  	[sflag:s10] =	ssyncset.done $0x0  }
0x47: {  	s31 =	simm.s32 $0x0;
	[sflag:s10] =	ssyncadd.s32 $0xFFFFC180  }
0x48: {  	v5 =	vld [tilespmem:s31+$0x0];
	_ =	sdelay $0x4  }
0x49: {  	v5 =	vadd.s32 v0, v5  }
0x4a: {  	vm0 =	vlt.u32 v5, $0x140  }
0x4b: {  	v7 =	vmpcnt.ones.xlane vm0;
	_ =	sdelay $0x1  }
0x4c: {  	(v2sf) =	vpush v7, $0x0  }
0x4d: {  	v6 =	vld [tilespmem:s31+$0x3E80];
	_ =	sdelay $0x3  }
0x4e: {  	[tilespmem:s18+$0x7D00] =	vst.msk vm0, v5  }
0x4f: {  	s22 =	simm.s32 $0x80;
	s21 =	simm.s32 $0x10;
	s20 =	simm.s32 $0x0;
	[tilespmem:s18+$0x8180] =	vst.msk vm0, v6  }
.LBB2_5:
0x50: {  	p0 =	sne.s32 s22, $0xF9C0;
	v5 =	vld [tilespmem:s21+$0x0];
	_ =	sdelay $0x4  }
0x51: {  	v5 =	vadd.s32 v0, v5  }
0x52: {  	v6 =	vld [tilespmem:s21+$0x3E80];
	vm0 =	vlt.u32 v5, $0x140  }
0x53: {  	v7 =	vmpcnt.ones.xlane vm0  }
0x54: {  	s21 =	spop (v2sf)  }
0x55: {  	(v2sf) =	vpush v7, $0x0;
	s20 =	sadd.s32 s20, s21  }
0x56: {  	[tilespmem:s20+$0x7D00] =	vst.msk vm0, v5  }
.Ltmp5:
0x57: {  	[tilespmem:s20+$0x8180] =	vst.msk vm0, v6;
	(pc) =	sbr.rel @p0 .LBB2_5-.Ltmp5, $2  }
0x58: {  	_ =	sdelay $0x2  }
0x59: {  	s21 =	sshra.s32 s22, $0x2;
	s22 =	sadd.s32 $0x40, s22  }
0x5a: {  	v5 =	vld [tilespmem:s21+$0x0];
	_ =	sdelay $0x4  }
0x5b: {  	v5 =	vadd.s32 v0, v5  }
0x5c: {  	vm0 =	vlt.u32 v5, $0x140  }
0x5d: {  	v6 =	vmpcnt.ones.xlane vm0;
	_ =	sdelay $0x1  }
0x5e: {  	(v2sf) =	vpush v6, $0x0;
	_ =	sdelay $0xd  }
0x5f: {  	s22 =	spop (v2sf)  }
0x60: {  	s22 =	sadd.s32 s20, s22;
	s30 =	spop (v2sf)  }
0x61: {  	s20 =	sadd.s32 s22, s30  }
0x62: {  	s23 =	sadd.s32 $0x3F, s20  }
0x63: {  	s25 =	sand.u32 $0xF, s20;
	s31 =	sshra.s32 s20, $0x1F;
	p2 =	slt.s32 s20, $0x1  }
0x64: {  	s24 =	sshra.s32 s23, $0x1F;
	p0 =	slt.s32 s23, $0x1;
	p1 =	sne.s32 s25, $0x0  }
0x65: {  	v6 =	vld [tilespmem:s21+$0x3E80];
	s21 =	sshrl.u32 s31, $0x1C;
	s24 =	sshrl.u32 s24, $0x1A;
	p1 =	por !p2, !p1  }
0x66: {  	s21 =	sadd.s32 s21, s20;
	s24 =	sadd.s32 s24, s23;
	s23 =	sand.u32 $0x3F, s23  }
0x67: {  	p1 =	por !p1, !p1;
	p6 =	sne.s32 s23, $0x0;
	s23 =	simm.s32 $0x1  }
0x68: {  	s21 =	sshrl.u32 s21, $0x4;
	p0 =	por !p0, !p6;
	s23 =	simm.s32 @!p1 $0x0  }
0x69: {  	p0 =	por !p0, !p0;
	s21 =	ssub.s32 s21, s23;
	s23 =	simm.s32 $0x1  }
0x6a: {  	[tilespmem:s22+$0x7D00] =	vst.msk vm0, v5;
	s24 =	sshra.s32 s24, $0x6;
	s23 =	simm.s32 @!p0 $0x0  }
0x6b: {  	[tilespmem:s22+$0x8180] =	vst.msk vm0, v6;
	s22 =	sshll.u32 s21, $0x4;
	s21 =	ssub.s32 s24, s23  }
0x6c: {  	s23 =	sshll.u32 s21, $0x6  }
0x6d: {  	s23 =	ssub.s32 s23, s22  }
0x6e: {  	s23 =	sadd.s32 $0xFFFFFFF0, s23  }
0x6f: {  	v5 =	vld [tilespmem:s22+$0x8180];
	s23 =	sshra.s32 s23, $0x4  }
0x70: {  	p0 =	slt.s32 s23, $0x1  }
.Ltmp6:
0x71: {  	_ = 	snop;
	(pc) =	sbr.rel @p0 .LBB2_9-.Ltmp6, $4  }
0x72: {  	v6 =	vor.u32 s22, v3  }
0x73: {  	vm15 =	vlt.s32 v6, s20  }
0x74: {  	v5 =	vnsel vm15, $0x0, v5  }
0x75: {  	[tilespmem:s22+$0x8180] =	vst v5  }
0x76: {  	p0 =	seq.s32 s23, $0x1  }
.Ltmp7:
0x77: {  	_ = 	snop;
	(pc) =	sbr.rel @p0 .LBB2_9-.Ltmp7, $3  }
0x78: {  	_ =	sdelay $0x1  }
0x79: {  	s22 =	sadd.s32 $0x8190, s22  }
0x7a: {  	s23 =	sadd.s32 $0xFFFFFFFF, s23;
	[tilespmem:s22+$0x0] =	vst v4  }
.LBB2_8:
0x7b: {  	p0 =	seq.s32 s23, $0x1  }
.Ltmp8:
0x7c: {  	_ = 	snop;
	(pc) =	sbr.rel @!p0 .LBB2_8-.Ltmp8, $3  }
0x7d: {  	_ =	sdelay $0x1  }
0x7e: {  	s23 =	sadd.s32 $0xFFFFFFFF, s23;
	s22 =	sadd.s32 $0x10, s22  }
0x7f: {  	[tilespmem:s22+$0x0] =	vst v4  }
.LBB2_9:
0x80: {  	p0 =	sgt.s32 s21, $0x0  }
.Ltmp9:
0x81: {  	_ = 	snop;
	(pc) =	sbr.rel @!p0 .LBB2_16-.Ltmp9, $1  }
0x82: {  	_ =	sdelay $0x3  }
.Ltmp10:
0x83: {  	(pc) =	sbr.rel .LBB2_11-.Ltmp10, $2  }
0x84: {  	_ =	sdelay $0x2  }
0x85: {  	s22 =	simm.s32 $0x0;
	s23 =	simm.s32 $0x7D00;
	s24 =	smov.u32 s20  }
.LBB2_14:
0x86: {  	v19 =	vld [tilespmem:s26+$0x14600];
	[tilespmem:s26+$0x14670] =	vst v18;
	v17 =	vmin.f32 v17, v9  }
0x87: {  	v50 =	vld [tilespmem:s26+$0xA670];
	v16 =	vmin.f32 v16, v10;
	[tilespmem:s26+$0x14630] =	vst v17  }
0x88: {  	v51 =	vld [tilespmem:s26+$0xA660];
	v15 =	vmin.f32 v15, v8;
	[tilespmem:s26+$0x14640] =	vst v16  }
0x89: {  	v20 =	vld [tilespmem:s26+$0xA650];
	v14 =	vmin.f32 v14, v6;
	[tilespmem:s26+$0x14620] =	vst v15  }
0x8a: {  	v53 =	vld [tilespmem:s26+$0xA640];
	v59 =	vmin.f32 v13, v11;
	[tilespmem:s26+$0x14610] =	vst v14  }
0x8b: {  	v55 =	vld [tilespmem:s26+$0xA620];
	[tilespmem:s26+$0x14660] =	vst v59;
	v54 =	vmin.f32 v19, v5  }
0x8c: {  	v56 =	vld [tilespmem:s26+$0xA630];
	v12 =	vmax.f32 v50, v12;
	[tilespmem:s26+$0x14600] =	vst v54  }
0x8d: {  	v57 =	vld [tilespmem:s26+$0xA610];
	v17 =	vmax.f32 v51, v11;
	[tilespmem:s26+$0xA670] =	vst v12  }
0x8e: {  	v52 =	vld [tilespmem:s26+$0x14650];
	v58 =	vmax.f32 v20, v7;
	[tilespmem:s26+$0xA660] =	vst v17  }
0x8f: {  	v60 =	vld [tilespmem:s26+$0xA600];
	v61 =	vmax.f32 v53, v10;
	[tilespmem:s26+$0xA650] =	vst v58  }
0x90: {  	v62 =	vmax.f32 v55, v8;
	[tilespmem:s26+$0xA640] =	vst v61  }
0x91: {  	v63 =	vmax.f32 v56, v9;
	[tilespmem:s26+$0xA620] =	vst v62  }
0x92: {  	v6 =	vmax.f32 v57, v6;
	[tilespmem:s26+$0xA630] =	vst v63  }
0x93: {  	v7 =	vmin.f32 v52, v7;
	[tilespmem:s26+$0xA610] =	vst v6  }
0x94: {  	v5 =	vmax.f32 v60, v5;
	[tilespmem:s26+$0x14650] =	vst v7  }
0x95: {  	[tilespmem:s26+$0xA600] =	vst v5  }
.LBB2_15:
0x96: {  	s22 =	sadd.s32 $0x1, s22  }
0x97: {  	p0 =	sne.s32 s22, s21  }
.Ltmp11:
0x98: {  	_ = 	snop;
	(pc) =	sbr.rel @!p0 .LBB2_16-.Ltmp11, $2  }
0x99: {  	_ =	sdelay $0x2  }
0x9a: {  	s24 =	sadd.s32 $0xFFFFFFC0, s24;
	s23 =	sadd.s32 $0x40, s23  }
.LBB2_11:
0x9b: {  	s25 =	sshll.u32 s22, $0x6  }
0x9c: {  	s26 =	sadd.s32 $0x8180, s25;
	s25 =	ssub.s32 s20, s25  }
0x9d: {  	p0 =	slt.s32 s25, $0x1  }
.Ltmp12:
0x9e: {  	_ = 	snop;
	(pc) =	sbr.rel @p0 .LBB2_15-.Ltmp12, $4  }
0x9f: {  	[tilespmem:s14], [sflag:$0x1] =	stream.indirect.gather [hbm4b:s5+s13], $0x80, s26, s13, $0xb8;
	[tilespmem:$0x1E600] =	vst v63  }
0xa0: {  	_ =	swait.ge [sflag:s12], $0x2000  }
0xa1: {  	[sflag:s12] =	ssyncset.done $0x0  }
0xa2: {  	[sflag:s12] =	ssyncadd.s32 $0xFFFFE000  }
0xa3: {  	v5 =	vld [tilespmem:s23+$0x0];
	_ =	sdelay $0x4  }
0xa4: {  	(v2sf) =	vpush v5, $0x0;
	_ =	sdelay $0x8  }
0xa5: {  	s25 =	simm.s32 $0x8640  }
0xa6: {  	v7 =	vld [tilespmem:s25+$0x10]  }
0xa7: {  	v6 =	vld [tilespmem:s25+$0xFFFFFFD0]  }
0xa8: {  	v8 =	vld [tilespmem:s25+$0xFFFFFFE0]  }
0xa9: {  	v11 =	vld [tilespmem:s25+$0x20]  }
0xaa: {  	v10 =	vld [tilespmem:s25+$0x0]  }
0xab: {  	p0 =	sgt.s32 s24, $0x1;
	s28 =	smov.u32 s24;
	v9 =	vld [tilespmem:s25+$0xFFFFFFF0];
	s26 =	spop (v2sf)  }
0xac: {  	v12 =	vld [tilespmem:s25+$0x30];
	s28 =	simm.s32 @!p0 $0x1;
	s26 =	sshll.u32 s26, $0x7  }
0xad: {  	s28 =	smin.u32 s28, $0x40;
	v18 =	vld [tilespmem:s26+$0x14670]  }
0xae: {  	p0 =	sne.s32 s28, $0x1;
	v17 =	vld [tilespmem:s26+$0x14630]  }
.Ltmp13:
0xaf: {  	v13 =	vld [tilespmem:s26+$0x14660];
	(pc) =	sbr.rel @!p0 .LBB2_14-.Ltmp13, $4  }
0xb0: {  	v16 =	vld [tilespmem:s26+$0x14640]  }
0xb1: {  	v15 =	vld [tilespmem:s26+$0x14620]  }
0xb2: {  	v14 =	vld [tilespmem:s26+$0x14610]  }
0xb3: {  	s29 =	smov.u32 s23;
	s28 =	sadd.s32 $0xFFFFFFFF, s28;
	v5 =	vld [tilespmem:s25+$0xFFFFFFC0];
	v18 =	vmin.f32 v18, v12  }
.LBB2_13:
0xb4: {  	p0 =	sne.s32 s28, $0x1;
	v19 =	vld [tilespmem:s26+$0x14600];
	v17 =	vmin.f32 v17, v9;
	[tilespmem:s26+$0x14670] =	vst v18;
	s29 =	sadd.s32 $0x1, s29;
	s25 =	sadd.s32 $0x80, s25  }
0xb5: {  	s28 =	sadd.s32 $0xFFFFFFFF, s28;
	v18 =	vld [tilespmem:s26+$0xA670];
	[tilespmem:s26+$0x14630] =	vst v17  }
0xb6: {  	v16 =	vmin.f32 v16, v10;
	v13 =	vmin.f32 v13, v11;
	v17 =	vld [tilespmem:s26+$0xA660]  }
0xb7: {  	v15 =	vmin.f32 v15, v8;
	v20 =	vld [tilespmem:s26+$0xA650];
	[tilespmem:s26+$0x14640] =	vst v16  }
0xb8: {  	v14 =	vmin.f32 v14, v6;
	v16 =	vld [tilespmem:s26+$0x14650];
	[tilespmem:s26+$0x14620] =	vst v15  }
0xb9: {  	v15 =	vld [tilespmem:s26+$0xA640];
	v19 =	vmin.f32 v19, v5;
	[tilespmem:s26+$0x14610] =	vst v14  }
0xba: {  	v14 =	vld [tilespmem:s26+$0xA620];
	v12 =	vmax.f32 v18, v12;
	[tilespmem:s26+$0x14600] =	vst v19  }
0xbb: {  	v18 =	vld [tilespmem:s26+$0xA630];
	v11 =	vmax.f32 v17, v11;
	[tilespmem:s26+$0xA670] =	vst v12  }
0xbc: {  	v12 =	vld [tilespmem:s26+$0xA610];
	v17 =	vmax.f32 v20, v7;
	[tilespmem:s26+$0xA660] =	vst v11  }
0xbd: {  	v11 =	vld [tilespmem:s26+$0xA600];
	[tilespmem:s26+$0xA650] =	vst v17;
	v7 =	vmin.f32 v16, v7  }
0xbe: {  	v10 =	vmax.f32 v15, v10;
	[tilespmem:s26+$0x14660] =	vst v13  }
0xbf: {  	v8 =	vmax.f32 v14, v8;
	[tilespmem:s26+$0xA640] =	vst v10  }
0xc0: {  	[tilespmem:s26+$0xA620] =	vst v8;
	v8 =	vmax.f32 v18, v9  }
0xc1: {  	v6 =	vmax.f32 v12, v6;
	[tilespmem:s26+$0xA630] =	vst v8  }
0xc2: {  	v5 =	vmax.f32 v11, v5;
	[tilespmem:s26+$0xA610] =	vst v6  }
0xc3: {  	[tilespmem:s26+$0x14650] =	vst v7  }
0xc4: {  	[tilespmem:s26+$0xA600] =	vst v5  }
0xc5: {  	v5 =	vld [tilespmem:s29+$0x0];
	_ =	sdelay $0x4  }
0xc6: {  	(v2sf) =	vpush v5, $0x0;
	_ =	sdelay $0x8  }
0xc7: {  	v7 =	vld [tilespmem:s25+$0x10]  }
0xc8: {  	v6 =	vld [tilespmem:s25+$0xFFFFFFD0]  }
0xc9: {  	v5 =	vld [tilespmem:s25+$0xFFFFFFC0]  }
0xca: {  	v8 =	vld [tilespmem:s25+$0xFFFFFFE0]  }
0xcb: {  	v11 =	vld [tilespmem:s25+$0x20]  }
0xcc: {  	v10 =	vld [tilespmem:s25+$0x0]  }
0xcd: {  	v9 =	vld [tilespmem:s25+$0xFFFFFFF0];
	s26 =	spop (v2sf)  }
0xce: {  	v12 =	vld [tilespmem:s25+$0x30];
	s26 =	sshll.u32 s26, $0x7  }
0xcf: {  	v18 =	vld [tilespmem:s26+$0x14670]  }
.Ltmp14:
0xd0: {  	v17 =	vld [tilespmem:s26+$0x14630];
	(pc) =	sbr.rel @p0 .LBB2_13-.Ltmp14, $4  }
0xd1: {  	v13 =	vld [tilespmem:s26+$0x14660]  }
0xd2: {  	v16 =	vld [tilespmem:s26+$0x14640]  }
0xd3: {  	v15 =	vld [tilespmem:s26+$0x14620]  }
0xd4: {  	v14 =	vld [tilespmem:s26+$0x14610];
	v18 =	vmin.f32 v18, v12  }
.Ltmp15:
0xd5: {  	_ = 	snop;
	(pc) =	sbr.rel .LBB2_14-.Ltmp15, $1  }
0xd6: {  	_ =	sdelay $0x3  }
.LBB2_18:
0xd7: {  	_ =	sfence.sel $0x180000  }
0xd8: {  	[bflag:$0x0] =	sbarrier.arrive $0xFFFF  }
0xd9: {  	p0 =	sne.s32 s1, $0x0;
	_ =	strace $0x90000047  }
0xda: {  	s0 =	sadd.s32 @!p0 $0x100000, s0;
	[bflag:$0x2] =	sbarrier.arrive $0xFFFF  }
0xdb: {  	[sflag:s0] =	ssyncadd.tile.s32 @!p0 $0x1;
	_ =	shalt  }
.Lfunc_end2:
_tile_overlayer_lowered:
.L_overlay_start_2:
0xdc: {  	(tag) =	ssettag $0x2  }
0xdd: {  	s0 =	rddreg [dreg:$0x0];
	s2 =	stileid.u32  }
0xde: {  	s1 =	rddreg [dreg:$0x1];
	p0 =	sne.s32 s2, $0x0  }
0xdf: {  	s3 =	rddreg [dreg:$0x2];
	[bflag:$0x3] =	sbarrier.arrive $0xFFFF;
	s2 =	simm.s32 @!p0 $0x1C02  }
0xe0: {  	[timem:s3], [sflag:s2] =	dma.local @!p0 [hbm:s0], s1  }
0xe1: {  	s0 =	simm.s32 @!p0 $0x2  }
0xe2: {  	_ =	swait.ge @!p0 [sflag:s0], s1  }
0xe3: {  	s1 =	ssub.s32 @!p0 $0x0, s1;
	[sflag:s0] =	ssyncset.done @!p0 $0x0  }
0xe4: {  	[sflag:s0] =	ssyncadd.s32 @!p0 s1  }
0xe5: {  	[bflag:$0x3] =	sbarrier.arrive $0xFFFF  }
0xe6: {  	_ =	shalt  }

</sc_bundles>
